<compile_context>
chip_gen: v7x
topology: tpu7x:2x2x1
jax: 0.10.2.dev20260603
libtpu: 0.0.44.dev20260713+nightly
codegen_flags: <defaults>
</compile_context>

<pallas_src>
import functools

import jax
import jax.numpy as jnp
from jax import lax
from jax.experimental import pallas as pl
from jax.experimental.pallas import tpu as pltpu
from jax.experimental.pallas import tpu_sc as plsc

VOCAB = 1000000
EMB = 64
BATCH = 16384
NEGS = 15

NC = 2
NS = 16
L = 16
NW = NC * NS
BPW = BATCH // NW
GSZ = 16
G = BPW // GSZ
NSLOT = 1 + NEGS
NEG_G = NSLOT * GSZ
NCH = EMB // L
NPW = BPW * NSLOT
PR = 2 * EMB


def _sc_dots_kernel(center_hbm, context_hbm, noise_hbm, mask_hbm,
                    wc_hbm, wx_hbm, out_hbm,
                    cst_v, xst_v, nst_v, cfi_v, xfi_v, nfi_v,
                    cen0, ctx0, msk0, neg0, cen1, ctx1, msk1, neg1,
                    dots_v, sem0, sem1):
    wid = lax.axis_index("s") * NC + lax.axis_index("c")
    base = pl.multiple_of(wid * BPW, BPW)

    pltpu.sync_copy(center_hbm.at[wid], cst_v)
    pltpu.sync_copy(context_hbm.at[wid], xst_v)
    pltpu.sync_copy(noise_hbm.at[wid], nst_v)

    def c_tr(i, carry):
        r = i >> 3
        c = pl.multiple_of((i & 7) * L, L)
        f = pl.multiple_of(i * L, L)
        cfi_v[pl.ds(f, L)] = cst_v[r, pl.ds(c, L)]
        xfi_v[pl.ds(f, L)] = xst_v[r, pl.ds(c, L)]
        return carry

    lax.fori_loop(0, BPW // L, c_tr, 0)

    def n_tr(i, carry):
        r = i >> 3
        c = pl.multiple_of((i & 7) * L, L)
        f = pl.multiple_of(i * L, L)
        nfi_v[pl.ds(f, L)] = nst_v[r, pl.ds(c, L)]
        return carry

    lax.fori_loop(0, NPW // L, n_tr, 0)

    bufs = ((cen0, ctx0, msk0, neg0, sem0), (cen1, ctx1, msk1, neg1, sem1))

    def issue(g, s):
        cen_v, ctx_v, msk_v, neg_v, sem = bufs[s]
        row0 = pl.multiple_of(g * GSZ, GSZ)
        pltpu.async_copy(wc_hbm.at[cfi_v.at[pl.ds(row0, GSZ)]], cen_v, sem)
        pltpu.async_copy(wx_hbm.at[xfi_v.at[pl.ds(row0, GSZ)]], ctx_v, sem)
        pltpu.async_copy(wx_hbm.at[nfi_v.at[pl.ds(row0 * NSLOT, NEG_G)]],
                         neg_v, sem)
        mrow0 = pl.multiple_of((base + row0) // 2, GSZ // 2)
        pltpu.async_copy(mask_hbm.at[pl.ds(mrow0, GSZ // 2)], msk_v, sem)

    def drain(s):
        cen_v, ctx_v, msk_v, neg_v, sem = bufs[s]
        pltpu.make_async_copy(wc_hbm.at[pl.ds(0, GSZ)], cen_v, sem).wait()
        pltpu.make_async_copy(wx_hbm.at[pl.ds(0, GSZ)], ctx_v, sem).wait()
        pltpu.make_async_copy(wx_hbm.at[pl.ds(0, NEG_G)], neg_v, sem).wait()
        pltpu.make_async_copy(mask_hbm.at[pl.ds(0, GSZ // 2)], msk_v,
                              sem).wait()

    lane = lax.iota(jnp.int32, L)
    lane_mask = [lane == k for k in range(L)]

    def compute(g, s):
        cen_v, ctx_v, msk_v, neg_v, _ = bufs[s]
        row0 = pl.multiple_of(g * GSZ, GSZ)

        def body(b, carry):
            q = row0 + b
            hm = pl.multiple_of((b & 1) * EMB, EMB)
            cm = [cen_v[b, pl.ds(c * L, L)]
                  * msk_v[b >> 1, pl.ds(hm + c * L, L)]
                  for c in range(NCH)]
            t = cm[0] * ctx_v[b, pl.ds(0, L)]
            for c in range(1, NCH):
                t = t + cm[c] * ctx_v[b, pl.ds(c * L, L)]
            acc = jnp.where(lane_mask[0], jnp.sum(t), 0.0)
            for k in range(1, NSLOT):
                nrow = b * NSLOT + k
                t = cm[0] * neg_v[nrow, pl.ds(0, L)]
                for c in range(1, NCH):
                    t = t + cm[c] * neg_v[nrow, pl.ds(c * L, L)]
                acc = jnp.where(lane_mask[k], jnp.sum(t), acc)
            f = q * L
            dots_v[f >> 7, pl.ds(pl.multiple_of(f & 127, L), L)] = acc
            return carry

        lax.fori_loop(0, GSZ, body, 0)

    issue(0, 0)

    def pair(i, carry):
        g0 = pl.multiple_of(i * 2, 2)
        issue(g0 + 1, 1)
        drain(0)
        compute(g0, 0)

        @pl.when(g0 + 2 < G)
        def _():
            issue(g0 + 2, 0)

        drain(1)
        compute(g0 + 1, 1)
        return carry

    lax.fori_loop(0, G // 2, pair, 0)
    pltpu.sync_copy(dots_v, out_hbm.at[wid])


@functools.partial(
    pl.kernel,
    out_type=jax.ShapeDtypeStruct((NW, BPW * NSLOT // PR, PR), jnp.float32),
    mesh=plsc.VectorSubcoreMesh(core_axis_name="c", subcore_axis_name="s"),
    compiler_params=pltpu.CompilerParams(needs_layout_passes=False,
                                         use_tc_tiling_on_sc=True),
    scratch_types=[
        pltpu.VMEM((BPW // PR, PR), jnp.int32),
        pltpu.VMEM((BPW // PR, PR), jnp.int32),
        pltpu.VMEM((NPW // PR, PR), jnp.int32),
        pltpu.VMEM((BPW,), jnp.int32),
        pltpu.VMEM((BPW,), jnp.int32),
        pltpu.VMEM((NPW,), jnp.int32),
        pltpu.VMEM((GSZ, PR), jnp.float32),
        pltpu.VMEM((GSZ, PR), jnp.float32),
        pltpu.VMEM((GSZ // 2, PR), jnp.float32),
        pltpu.VMEM((NEG_G, PR), jnp.float32),
        pltpu.VMEM((GSZ, PR), jnp.float32),
        pltpu.VMEM((GSZ, PR), jnp.float32),
        pltpu.VMEM((GSZ // 2, PR), jnp.float32),
        pltpu.VMEM((NEG_G, PR), jnp.float32),
        pltpu.VMEM((BPW * NSLOT // PR, PR), jnp.float32),
        pltpu.SemaphoreType.DMA,
        pltpu.SemaphoreType.DMA,
    ],
)
def _sc_dots(center, context, noise, mask, wc, wx, out,
             cst_v, xst_v, nst_v, cfi_v, xfi_v, nfi_v,
             cen0, ctx0, msk0, neg0, cen1, ctx1, msk1, neg1,
             dots_v, sem0, sem1):
    _sc_dots_kernel(center, context, noise, mask, wc, wx, out,
                    cst_v, xst_v, nst_v, cfi_v, xfi_v, nfi_v,
                    cen0, ctx0, msk0, neg0, cen1, ctx1, msk1, neg1,
                    dots_v, sem0, sem1)


VB = 16384


def _tc_relayout_kernel(wt_ref, o_ref):
    t = jnp.transpose(wt_ref[...], (1, 0))
    o_ref[...] = jnp.concatenate([t, t], axis=1)


def _tc_relayout(wt):
    return pl.pallas_call(
        _tc_relayout_kernel,
        grid=(pl.cdiv(VOCAB, VB),),
        in_specs=[pl.BlockSpec((EMB, VB), lambda j: (0, j))],
        out_specs=pl.BlockSpec((VB, PR), lambda j: (j, 0)),
        out_shape=jax.ShapeDtypeStruct((VOCAB, PR), jnp.float32),
    )(wt)


def _tc_loss_kernel(dots_ref, o_ref):
    x = dots_ref[...]
    col = lax.broadcasted_iota(jnp.int32, x.shape, 2)
    z = jnp.where((col & (L - 1)) == 0, x, -x)
    ls = jnp.minimum(z, 0.0) - jnp.log1p(jnp.exp(-jnp.abs(z)))
    o_ref[0, 0] = -jnp.sum(ls) / jnp.float32(BATCH)


def kernel(center, context, W_center, W_context):
    dk = jax.random.key(123)
    keep = jax.random.bernoulli(jax.random.fold_in(dk, 0), 0.9, (BATCH, EMB))
    mask_scale = jnp.where(keep, jnp.float32(1.0 / 0.9), jnp.float32(0.0))
    noise_idx = jax.random.randint(jax.random.fold_in(dk, 1), (BATCH * NEGS,),
                                   0, VOCAB).astype(jnp.int32)
    noise15 = noise_idx.reshape(BATCH, NEGS)
    noise16 = jnp.concatenate([noise15[:, :1], noise15], axis=1)

    dots = _sc_dots(
        center.astype(jnp.int32).reshape(NW, BPW // PR, PR),
        context.astype(jnp.int32).reshape(NW, BPW // PR, PR),
        noise16.reshape(NW, NPW // PR, PR),
        mask_scale.reshape(BATCH * EMB // PR, PR),
        _tc_relayout(W_center.T),
        _tc_relayout(W_context.T),
    )

    loss = pl.pallas_call(
        _tc_loss_kernel,
        out_shape=jax.ShapeDtypeStruct((1, 1), jnp.float32),
        out_specs=pl.BlockSpec(memory_space=pltpu.SMEM),
    )(dots)
    return loss[0, 0]

# --- scband reference (transcript-rebuilt; emitter-appended) ---
"""Pipeline reference for scband-skip-gram-10376640987530 (READ-ONLY COPY).

The authoritative reference and input builder live on the scoring server;
editing this copy changes nothing except your own understanding.
"""

import jax, jax.numpy as jnp
import numpy as np

VOCAB = 1000000
EMB = 64
BATCH = 16384
NEGS = 15


def setup_inputs(seed: int = 0) -> dict:
    key = jax.random.key(seed)
    k1, k2, k3, k4 = jax.random.split(key, 4)
    r = 0.5 / EMB
    W_center = jax.random.uniform(k1, (VOCAB, EMB), minval=-r, maxval=r, dtype=jnp.float32)
    W_context = jax.random.uniform(k2, (VOCAB, EMB), minval=-r, maxval=r, dtype=jnp.float32)
    center = jax.random.randint(k3, (BATCH,), 0, VOCAB, dtype=jnp.int64 if jax.config.jax_enable_x64 else jnp.int32)
    context = jax.random.randint(k4, (BATCH,), 0, VOCAB, dtype=jnp.int64 if jax.config.jax_enable_x64 else jnp.int32)
    return {"center": center, "context": context, "W_center": W_center, "W_context": W_context}


def reference(center, context, W_center, W_context):
    batch = center.shape[0]
    emb = W_center.shape[1]
    vocab = W_center.shape[0]
    dk = jax.random.key(123)

    # emb_center = Embedding(center) followed by dropout(p=0.1, training=True)
    emb_center = jnp.take(W_center, center, axis=0)
    keep = jax.random.bernoulli(jax.random.fold_in(dk, 0), 0.9, emb_center.shape)
    emb_center = jnp.where(keep, emb_center / 0.9, 0.0)

    # emb_context = Embedding(context)
    emb_context = jnp.take(W_context, context, axis=0)

    # noise_dist = ones(vocab); multinomial with replacement == uniform randint over vocab
    noise_idx = jax.random.randint(jax.random.fold_in(dk, 1), (batch * NEGS,), 0, vocab)
    emb_neg = jnp.take(W_context, noise_idx, axis=0).reshape(batch, NEGS, emb)

    emb_center_v = emb_center.reshape(batch, emb, 1)
    emb_context_v = emb_context.reshape(batch, 1, emb)

    true_loss = jnp.matmul(emb_context_v, emb_center_v)  # [B,1,1]
    true_loss = jax.nn.log_sigmoid(true_loss).squeeze()  # [B]

    noise_loss = jnp.matmul(-emb_neg, emb_center_v)  # [B,negs,1]
    noise_loss = jax.nn.log_sigmoid(noise_loss).squeeze()  # [B,negs]
    noise_loss = noise_loss.sum(1)  # [B]

    loss_total = -(true_loss + noise_loss).mean()
    return loss_total

if __name__ == "__main__":
    import jax
    _d = setup_inputs()
    print(jax.jit(kernel)(*tuple(_d.values())))

</pallas_src>

<mosaic_0001>
#map = affine_map<(d0, d1) -> (0, 0, 0)>
#map1 = affine_map<(d0, d1) -> (0, 0)>
module attributes {stable_mosaic.version = 14 : i64} {
  func.func @_sc_dots(%arg0: i32, %arg1: i32, %arg2: memref<32x4x128xi32, #tpu.memory_space<hbm>>, %arg3: memref<32x4x128xi32, #tpu.memory_space<hbm>>, %arg4: memref<32x64x128xi32, #tpu.memory_space<hbm>>, %arg5: memref<8192x128xf32, #tpu.memory_space<hbm>>, %arg6: memref<1000000x128xf32, #tpu.memory_space<hbm>>, %arg7: memref<1000000x128xf32, #tpu.memory_space<hbm>>, %arg8: memref<32x64x128xf32, #tpu.memory_space<hbm>>, %arg9: memref<4x128xi32, #tpu.memory_space<vmem>>, %arg10: memref<4x128xi32, #tpu.memory_space<vmem>>, %arg11: memref<64x128xi32, #tpu.memory_space<vmem>>, %arg12: memref<512xi32, #tpu.memory_space<vmem>>, %arg13: memref<512xi32, #tpu.memory_space<vmem>>, %arg14: memref<8192xi32, #tpu.memory_space<vmem>>, %arg15: memref<16x128xf32, #tpu.memory_space<vmem>>, %arg16: memref<16x128xf32, #tpu.memory_space<vmem>>, %arg17: memref<8x128xf32, #tpu.memory_space<vmem>>, %arg18: memref<256x128xf32, #tpu.memory_space<vmem>>, %arg19: memref<16x128xf32, #tpu.memory_space<vmem>>, %arg20: memref<16x128xf32, #tpu.memory_space<vmem>>, %arg21: memref<8x128xf32, #tpu.memory_space<vmem>>, %arg22: memref<256x128xf32, #tpu.memory_space<vmem>>, %arg23: memref<64x128xf32, #tpu.memory_space<vmem>>, %arg24: memref<!tpu.dma_semaphore, #tpu.memory_space<semaphore_mem>>, %arg25: memref<!tpu.dma_semaphore, #tpu.memory_space<semaphore_mem>>) attributes {dimension_semantics = [#tpu.dimension_semantics<core_parallel>, #tpu.dimension_semantics<subcore_parallel>], iteration_bounds = array<i64: 2, 16>, scalar_prefetch = 0 : i64, scratch_operands = 17 : i64, tpu.core_type = #tpu.core_type<sc_vector_subcore>, window_params = [{transform_indices = #map}, {transform_indices = #map}, {transform_indices = #map}, {transform_indices = #map1}, {transform_indices = #map1}, {transform_indices = #map1}, {transform_indices = #map}]} {
    %mul3A = arith.constant 2 : i32
    %mul3A_0 = arith.muli %arg1, %mul3A : i32
    %add3A = arith.addi %mul3A_0, %arg0 : i32
    %mul3A_1 = arith.constant 512 : i32
    %mul3A_2 = arith.muli %add3A, %mul3A_1 : i32
    %multiple_of3A = tpu.assume_multiple %mul3A_2, 512 : i32
    "tpu.region"() ({
      %run_scoped3A = tpu.sem_alloc : memref<!tpu.dma_semaphore, #tpu.memory_space<semaphore_mem>>
      %dma_start3A_104 = arith.constant 0 : i32
      %dma_start3A_105 = arith.constant 0 : i32
      %dma_start3A_106 = tpu.memref_slice %arg2[%add3A, %dma_start3A_104, %dma_start3A_105] : memref<32x4x128xi32, #tpu.memory_space<hbm>> -> memref<1x4x128xi32, #tpu.memory_space<hbm>>
      %dma_start3A_107 = tpu.memref_squeeze %dma_start3A_106 : memref<1x4x128xi32, #tpu.memory_space<hbm>> -> memref<4x128xi32, #tpu.memory_space<hbm>>
      %dma_start3A_108 = arith.constant 0 : i32
      %dma_start3A_109 = arith.constant 0 : i32
      %dma_start3A_110 = tpu.memref_slice %arg2[%add3A, %dma_start3A_108, %dma_start3A_109] : memref<32x4x128xi32, #tpu.memory_space<hbm>> -> memref<1x4x128xi32, #tpu.memory_space<hbm>>
      %dma_start3A_111 = tpu.memref_squeeze %dma_start3A_110 : memref<1x4x128xi32, #tpu.memory_space<hbm>> -> memref<4x128xi32, #tpu.memory_space<hbm>>
      tpu.enqueue_dma source(%dma_start3A_111 : memref<4x128xi32, #tpu.memory_space<hbm>>) target(%arg9 : memref<4x128xi32, #tpu.memory_space<vmem>>) target_semaphore(%run_scoped3A : memref<!tpu.dma_semaphore, #tpu.memory_space<semaphore_mem>>)
      %dma_wait3A = arith.constant 0 : i32
      %dma_wait3A_112 = arith.constant 0 : i32
      %dma_wait3A_113 = tpu.memref_slice %arg2[%add3A, %dma_wait3A, %dma_wait3A_112] : memref<32x4x128xi32, #tpu.memory_space<hbm>> -> memref<1x4x128xi32, #tpu.memory_space<hbm>>
      %dma_wait3A_114 = tpu.memref_squeeze %dma_wait3A_113 : memref<1x4x128xi32, #tpu.memory_space<hbm>> -> memref<4x128xi32, #tpu.memory_space<hbm>>
      %dma_wait3A_115 = arith.constant 0 : i32
      %dma_wait3A_116 = arith.constant 0 : i32
      %dma_wait3A_117 = tpu.memref_slice %arg2[%add3A, %dma_wait3A_115, %dma_wait3A_116] : memref<32x4x128xi32, #tpu.memory_space<hbm>> -> memref<1x4x128xi32, #tpu.memory_space<hbm>>
      %dma_wait3A_118 = tpu.memref_squeeze %dma_wait3A_117 : memref<1x4x128xi32, #tpu.memory_space<hbm>> -> memref<4x128xi32, #tpu.memory_space<hbm>>
      tpu.wait_dma2 semaphore(%run_scoped3A : memref<!tpu.dma_semaphore, #tpu.memory_space<semaphore_mem>>) src(%dma_wait3A_118 : memref<4x128xi32, #tpu.memory_space<hbm>>) dst(%arg9 : memref<4x128xi32, #tpu.memory_space<vmem>>)
      tpu.yield
    }) : () -> ()
    "tpu.region"() ({
      %run_scoped3A = tpu.sem_alloc : memref<!tpu.dma_semaphore, #tpu.memory_space<semaphore_mem>>
      %dma_start3A_104 = arith.constant 0 : i32
      %dma_start3A_105 = arith.constant 0 : i32
      %dma_start3A_106 = tpu.memref_slice %arg3[%add3A, %dma_start3A_104, %dma_start3A_105] : memref<32x4x128xi32, #tpu.memory_space<hbm>> -> memref<1x4x128xi32, #tpu.memory_space<hbm>>
      %dma_start3A_107 = tpu.memref_squeeze %dma_start3A_106 : memref<1x4x128xi32, #tpu.memory_space<hbm>> -> memref<4x128xi32, #tpu.memory_space<hbm>>
      %dma_start3A_108 = arith.constant 0 : i32
      %dma_start3A_109 = arith.constant 0 : i32
      %dma_start3A_110 = tpu.memref_slice %arg3[%add3A, %dma_start3A_108, %dma_start3A_109] : memref<32x4x128xi32, #tpu.memory_space<hbm>> -> memref<1x4x128xi32, #tpu.memory_space<hbm>>
      %dma_start3A_111 = tpu.memref_squeeze %dma_start3A_110 : memref<1x4x128xi32, #tpu.memory_space<hbm>> -> memref<4x128xi32, #tpu.memory_space<hbm>>
      tpu.enqueue_dma source(%dma_start3A_111 : memref<4x128xi32, #tpu.memory_space<hbm>>) target(%arg10 : memref<4x128xi32, #tpu.memory_space<vmem>>) target_semaphore(%run_scoped3A : memref<!tpu.dma_semaphore, #tpu.memory_space<semaphore_mem>>)
      %dma_wait3A = arith.constant 0 : i32
      %dma_wait3A_112 = arith.constant 0 : i32
      %dma_wait3A_113 = tpu.memref_slice %arg3[%add3A, %dma_wait3A, %dma_wait3A_112] : memref<32x4x128xi32, #tpu.memory_space<hbm>> -> memref<1x4x128xi32, #tpu.memory_space<hbm>>
      %dma_wait3A_114 = tpu.memref_squeeze %dma_wait3A_113 : memref<1x4x128xi32, #tpu.memory_space<hbm>> -> memref<4x128xi32, #tpu.memory_space<hbm>>
      %dma_wait3A_115 = arith.constant 0 : i32
      %dma_wait3A_116 = arith.constant 0 : i32
      %dma_wait3A_117 = tpu.memref_slice %arg3[%add3A, %dma_wait3A_115, %dma_wait3A_116] : memref<32x4x128xi32, #tpu.memory_space<hbm>> -> memref<1x4x128xi32, #tpu.memory_space<hbm>>
      %dma_wait3A_118 = tpu.memref_squeeze %dma_wait3A_117 : memref<1x4x128xi32, #tpu.memory_space<hbm>> -> memref<4x128xi32, #tpu.memory_space<hbm>>
      tpu.wait_dma2 semaphore(%run_scoped3A : memref<!tpu.dma_semaphore, #tpu.memory_space<semaphore_mem>>) src(%dma_wait3A_118 : memref<4x128xi32, #tpu.memory_space<hbm>>) dst(%arg10 : memref<4x128xi32, #tpu.memory_space<vmem>>)
      tpu.yield
    }) : () -> ()
    "tpu.region"() ({
      %run_scoped3A = tpu.sem_alloc : memref<!tpu.dma_semaphore, #tpu.memory_space<semaphore_mem>>
      %dma_start3A_104 = arith.constant 0 : i32
      %dma_start3A_105 = arith.constant 0 : i32
      %dma_start3A_106 = tpu.memref_slice %arg4[%add3A, %dma_start3A_104, %dma_start3A_105] : memref<32x64x128xi32, #tpu.memory_space<hbm>> -> memref<1x64x128xi32, #tpu.memory_space<hbm>>
      %dma_start3A_107 = tpu.memref_squeeze %dma_start3A_106 : memref<1x64x128xi32, #tpu.memory_space<hbm>> -> memref<64x128xi32, #tpu.memory_space<hbm>>
      %dma_start3A_108 = arith.constant 0 : i32
      %dma_start3A_109 = arith.constant 0 : i32
      %dma_start3A_110 = tpu.memref_slice %arg4[%add3A, %dma_start3A_108, %dma_start3A_109] : memref<32x64x128xi32, #tpu.memory_space<hbm>> -> memref<1x64x128xi32, #tpu.memory_space<hbm>>
      %dma_start3A_111 = tpu.memref_squeeze %dma_start3A_110 : memref<1x64x128xi32, #tpu.memory_space<hbm>> -> memref<64x128xi32, #tpu.memory_space<hbm>>
      tpu.enqueue_dma source(%dma_start3A_111 : memref<64x128xi32, #tpu.memory_space<hbm>>) target(%arg11 : memref<64x128xi32, #tpu.memory_space<vmem>>) target_semaphore(%run_scoped3A : memref<!tpu.dma_semaphore, #tpu.memory_space<semaphore_mem>>)
      %dma_wait3A = arith.constant 0 : i32
      %dma_wait3A_112 = arith.constant 0 : i32
      %dma_wait3A_113 = tpu.memref_slice %arg4[%add3A, %dma_wait3A, %dma_wait3A_112] : memref<32x64x128xi32, #tpu.memory_space<hbm>> -> memref<1x64x128xi32, #tpu.memory_space<hbm>>
      %dma_wait3A_114 = tpu.memref_squeeze %dma_wait3A_113 : memref<1x64x128xi32, #tpu.memory_space<hbm>> -> memref<64x128xi32, #tpu.memory_space<hbm>>
      %dma_wait3A_115 = arith.constant 0 : i32
      %dma_wait3A_116 = arith.constant 0 : i32
      %dma_wait3A_117 = tpu.memref_slice %arg4[%add3A, %dma_wait3A_115, %dma_wait3A_116] : memref<32x64x128xi32, #tpu.memory_space<hbm>> -> memref<1x64x128xi32, #tpu.memory_space<hbm>>
      %dma_wait3A_118 = tpu.memref_squeeze %dma_wait3A_117 : memref<1x64x128xi32, #tpu.memory_space<hbm>> -> memref<64x128xi32, #tpu.memory_space<hbm>>
      tpu.wait_dma2 semaphore(%run_scoped3A : memref<!tpu.dma_semaphore, #tpu.memory_space<semaphore_mem>>) src(%dma_wait3A_118 : memref<64x128xi32, #tpu.memory_space<hbm>>) dst(%arg11 : memref<64x128xi32, #tpu.memory_space<vmem>>)
      tpu.yield
    }) : () -> ()
    %scan3A = arith.constant 0 : i32
    %scan3A_3 = arith.constant 0 : i32
    %scan3A_4 = arith.constant 32 : i32
    %scan3A_5 = arith.addi %scan3A_3, %scan3A_4 : i32
    %scan3A_6 = arith.constant 1 : i32
    scf.for %scan3A_104 = %scan3A_3 to %scan3A_5 step %scan3A_6  : i32 {
      %shift_right_arithmetic3A = arith.constant 3 : i32
      %shift_right_arithmetic3A_105 = arith.shrsi %scan3A_104, %shift_right_arithmetic3A : i32
      %and3A_106 = arith.constant 7 : i32
      %and3A_107 = arith.andi %scan3A_104, %and3A_106 : i32
      %mul3A_108 = arith.constant 16 : i32
      %mul3A_109 = arith.muli %and3A_107, %mul3A_108 : i32
      %multiple_of3A_110 = tpu.assume_multiple %mul3A_109, 16 : i32
      %mul3A_111 = arith.constant 16 : i32
      %mul3A_112 = arith.muli %scan3A_104, %mul3A_111 : i32
      %multiple_of3A_113 = tpu.assume_multiple %mul3A_112, 16 : i32
      %get3A = arith.index_cast %shift_right_arithmetic3A_105 : i32 to index
      %get3A_114 = arith.index_cast %multiple_of3A_110 : i32 to index
      %get3A_115 = tpu.vector_load %arg9[%get3A, %get3A_114] {strides = array<i32>} : memref<4x128xi32, #tpu.memory_space<vmem>>, vector<16xi32>,
      %swap3A = arith.index_cast %multiple_of3A_113 : i32 to index
      %swap3A_116 = tpu.vector_load %arg12[%swap3A] {strides = array<i32>} : memref<512xi32, #tpu.memory_space<vmem>>, vector<16xi32>,
      tpu.vector_store %arg12[%swap3A], %get3A_115 {strides = array<i32>} : memref<512xi32, #tpu.memory_space<vmem>>, vector<16xi32>,
      %get3A_117 = arith.index_cast %shift_right_arithmetic3A_105 : i32 to index
      %get3A_118 = arith.index_cast %multiple_of3A_110 : i32 to index
      %get3A_119 = tpu.vector_load %arg10[%get3A_117, %get3A_118] {strides = array<i32>} : memref<4x128xi32, #tpu.memory_space<vmem>>, vector<16xi32>,
      %swap3A_120 = arith.index_cast %multiple_of3A_113 : i32 to index
      %swap3A_121 = tpu.vector_load %arg13[%swap3A_120] {strides = array<i32>} : memref<512xi32, #tpu.memory_space<vmem>>, vector<16xi32>,
      tpu.vector_store %arg13[%swap3A_120], %get3A_119 {strides = array<i32>} : memref<512xi32, #tpu.memory_space<vmem>>, vector<16xi32>,
    }
    %scan3A_7 = arith.constant 32 : i32
    %scan3A_8 = arith.constant 0 : i32
    %scan3A_9 = arith.constant 0 : i32
    %scan3A_10 = arith.constant 512 : i32
    %scan3A_11 = arith.addi %scan3A_9, %scan3A_10 : i32
    %scan3A_12 = arith.constant 1 : i32
    scf.for %scan3A_104 = %scan3A_9 to %scan3A_11 step %scan3A_12  : i32 {
      %shift_right_arithmetic3A = arith.constant 3 : i32
      %shift_right_arithmetic3A_105 = arith.shrsi %scan3A_104, %shift_right_arithmetic3A : i32
      %and3A_106 = arith.constant 7 : i32
      %and3A_107 = arith.andi %scan3A_104, %and3A_106 : i32
      %mul3A_108 = arith.constant 16 : i32
      %mul3A_109 = arith.muli %and3A_107, %mul3A_108 : i32
      %multiple_of3A_110 = tpu.assume_multiple %mul3A_109, 16 : i32
      %mul3A_111 = arith.constant 16 : i32
      %mul3A_112 = arith.muli %scan3A_104, %mul3A_111 : i32
      %multiple_of3A_113 = tpu.assume_multiple %mul3A_112, 16 : i32
      %get3A = arith.index_cast %shift_right_arithmetic3A_105 : i32 to index
      %get3A_114 = arith.index_cast %multiple_of3A_110 : i32 to index
      %get3A_115 = tpu.vector_load %arg11[%get3A, %get3A_114] {strides = array<i32>} : memref<64x128xi32, #tpu.memory_space<vmem>>, vector<16xi32>,
      %swap3A = arith.index_cast %multiple_of3A_113 : i32 to index
      %swap3A_116 = tpu.vector_load %arg14[%swap3A] {strides = array<i32>} : memref<8192xi32, #tpu.memory_space<vmem>>, vector<16xi32>,
      tpu.vector_store %arg14[%swap3A], %get3A_115 {strides = array<i32>} : memref<8192xi32, #tpu.memory_space<vmem>>, vector<16xi32>,
    }
    %scan3A_13 = arith.constant 512 : i32
    %iota3A = tpu.iota {dimensions = array<i32: 0>} : vector<16xi32>
    %eq3A = arith.constant 0 : i32
    %eq3A_14 = vector.broadcast %eq3A : i32 to vector<16xi32>
    %eq3A_15 = arith.cmpi eq, %iota3A, %eq3A_14 : vector<16xi32>
    %eq3A_16 = arith.constant 1 : i32
    %eq3A_17 = vector.broadcast %eq3A_16 : i32 to vector<16xi32>
    %eq3A_18 = arith.cmpi eq, %iota3A, %eq3A_17 : vector<16xi32>
    %eq3A_19 = arith.constant 2 : i32
    %eq3A_20 = vector.broadcast %eq3A_19 : i32 to vector<16xi32>
    %eq3A_21 = arith.cmpi eq, %iota3A, %eq3A_20 : vector<16xi32>
    %eq3A_22 = arith.constant 3 : i32
    %eq3A_23 = vector.broadcast %eq3A_22 : i32 to vector<16xi32>
    %eq3A_24 = arith.cmpi eq, %iota3A, %eq3A_23 : vector<16xi32>
    %eq3A_25 = arith.constant 4 : i32
    %eq3A_26 = vector.broadcast %eq3A_25 : i32 to vector<16xi32>
    %eq3A_27 = arith.cmpi eq, %iota3A, %eq3A_26 : vector<16xi32>
    %eq3A_28 = arith.constant 5 : i32
    %eq3A_29 = vector.broadcast %eq3A_28 : i32 to vector<16xi32>
    %eq3A_30 = arith.cmpi eq, %iota3A, %eq3A_29 : vector<16xi32>
    %eq3A_31 = arith.constant 6 : i32
    %eq3A_32 = vector.broadcast %eq3A_31 : i32 to vector<16xi32>
    %eq3A_33 = arith.cmpi eq, %iota3A, %eq3A_32 : vector<16xi32>
    %eq3A_34 = arith.constant 7 : i32
    %eq3A_35 = vector.broadcast %eq3A_34 : i32 to vector<16xi32>
    %eq3A_36 = arith.cmpi eq, %iota3A, %eq3A_35 : vector<16xi32>
    %eq3A_37 = arith.constant 8 : i32
    %eq3A_38 = vector.broadcast %eq3A_37 : i32 to vector<16xi32>
    %eq3A_39 = arith.cmpi eq, %iota3A, %eq3A_38 : vector<16xi32>
    %eq3A_40 = arith.constant 9 : i32
    %eq3A_41 = vector.broadcast %eq3A_40 : i32 to vector<16xi32>
    %eq3A_42 = arith.cmpi eq, %iota3A, %eq3A_41 : vector<16xi32>
    %eq3A_43 = arith.constant 10 : i32
    %eq3A_44 = vector.broadcast %eq3A_43 : i32 to vector<16xi32>
    %eq3A_45 = arith.cmpi eq, %iota3A, %eq3A_44 : vector<16xi32>
    %eq3A_46 = arith.constant 11 : i32
    %eq3A_47 = vector.broadcast %eq3A_46 : i32 to vector<16xi32>
    %eq3A_48 = arith.cmpi eq, %iota3A, %eq3A_47 : vector<16xi32>
    %eq3A_49 = arith.constant 12 : i32
    %eq3A_50 = vector.broadcast %eq3A_49 : i32 to vector<16xi32>
    %eq3A_51 = arith.cmpi eq, %iota3A, %eq3A_50 : vector<16xi32>
    %eq3A_52 = arith.constant 13 : i32
    %eq3A_53 = vector.broadcast %eq3A_52 : i32 to vector<16xi32>
    %eq3A_54 = arith.cmpi eq, %iota3A, %eq3A_53 : vector<16xi32>
    %eq3A_55 = arith.constant 14 : i32
    %eq3A_56 = vector.broadcast %eq3A_55 : i32 to vector<16xi32>
    %eq3A_57 = arith.cmpi eq, %iota3A, %eq3A_56 : vector<16xi32>
    %eq3A_58 = arith.constant 15 : i32
    %eq3A_59 = vector.broadcast %eq3A_58 : i32 to vector<16xi32>
    %eq3A_60 = arith.cmpi eq, %iota3A, %eq3A_59 : vector<16xi32>
    %multiple_of3A_61 = arith.constant 0 : i32
    %multiple_of3A_62 = tpu.assume_multiple %multiple_of3A_61, 16 : i32
    %dma_start3A = tpu.memref_slice %arg12[%multiple_of3A_62] : memref<512xi32, #tpu.memory_space<vmem>> -> memref<16xi32, #tpu.memory_space<vmem>>
    %dma_start3A_63 = arith.constant 0 : i32
    %dma_start3A_64 = arith.constant 0 : i32
    %dma_start3A_65 = tpu.memref_slice %arg6[%dma_start3A_63, %dma_start3A_64] : memref<1000000x128xf32, #tpu.memory_space<hbm>> -> memref<1000000x128xf32, #tpu.memory_space<hbm>>
    tpu.enqueue_indirect_dma source(%dma_start3A_65 : memref<1000000x128xf32, #tpu.memory_space<hbm>>) target(%arg15 : memref<16x128xf32, #tpu.memory_space<vmem>>) offsets(%dma_start3A : memref<16xi32, #tpu.memory_space<vmem>>) semaphore(%arg24 : memref<!tpu.dma_semaphore, #tpu.memory_space<semaphore_mem>>)
    %dma_start3A_66 = tpu.memref_slice %arg13[%multiple_of3A_62] : memref<512xi32, #tpu.memory_space<vmem>> -> memref<16xi32, #tpu.memory_space<vmem>>
    %dma_start3A_67 = arith.constant 0 : i32
    %dma_start3A_68 = arith.constant 0 : i32
    %dma_start3A_69 = tpu.memref_slice %arg7[%dma_start3A_67, %dma_start3A_68] : memref<1000000x128xf32, #tpu.memory_space<hbm>> -> memref<1000000x128xf32, #tpu.memory_space<hbm>>
    tpu.enqueue_indirect_dma source(%dma_start3A_69 : memref<1000000x128xf32, #tpu.memory_space<hbm>>) target(%arg16 : memref<16x128xf32, #tpu.memory_space<vmem>>) offsets(%dma_start3A_66 : memref<16xi32, #tpu.memory_space<vmem>>) semaphore(%arg24 : memref<!tpu.dma_semaphore, #tpu.memory_space<semaphore_mem>>)
    %mul3A_70 = arith.constant 16 : i32
    %mul3A_71 = arith.muli %multiple_of3A_62, %mul3A_70 : i32
    %dma_start3A_72 = tpu.memref_slice %arg14[%mul3A_71] : memref<8192xi32, #tpu.memory_space<vmem>> -> memref<256xi32, #tpu.memory_space<vmem>>
    %dma_start3A_73 = arith.constant 0 : i32
    %dma_start3A_74 = arith.constant 0 : i32
    %dma_start3A_75 = tpu.memref_slice %arg7[%dma_start3A_73, %dma_start3A_74] : memref<1000000x128xf32, #tpu.memory_space<hbm>> -> memref<1000000x128xf32, #tpu.memory_space<hbm>>
    tpu.enqueue_indirect_dma source(%dma_start3A_75 : memref<1000000x128xf32, #tpu.memory_space<hbm>>) target(%arg18 : memref<256x128xf32, #tpu.memory_space<vmem>>) offsets(%dma_start3A_72 : memref<256xi32, #tpu.memory_space<vmem>>) semaphore(%arg24 : memref<!tpu.dma_semaphore, #tpu.memory_space<semaphore_mem>>)
    %add3A_76 = arith.addi %multiple_of3A, %multiple_of3A_62 : i32
    %jit3A = arith.constant 2 : i32
    %div3A = arith.divsi %add3A_76, %jit3A : i32
    %sign3A = arith.constant 0 : i32
    %sign3A_77 = arith.cmpi sgt, %add3A_76, %sign3A : i32
    %sign3A_78 = arith.extui %sign3A_77 : i1 to i32
    %sign3A_79 = arith.constant 0 : i32
    %sign3A_80 = arith.cmpi slt, %add3A_76, %sign3A_79 : i32
    %sign3A_81 = arith.extui %sign3A_80 : i1 to i32
    %sign3A_82 = arith.subi %sign3A_78, %sign3A_81 : i32
    %sign3A_83 = arith.constant 0 : i32
    %sign3A_84 = arith.cmpi sgt, %jit3A, %sign3A_83 : i32
    %sign3A_85 = arith.extui %sign3A_84 : i1 to i32
    %sign3A_86 = arith.constant 0 : i32
    %sign3A_87 = arith.cmpi slt, %jit3A, %sign3A_86 : i32
    %sign3A_88 = arith.extui %sign3A_87 : i1 to i32
    %sign3A_89 = arith.subi %sign3A_85, %sign3A_88 : i32
    %ne3A = arith.cmpi ne, %sign3A_82, %sign3A_89 : i32
    %rem3A = arith.remsi %add3A_76, %jit3A : i32
    %ne3A_90 = arith.constant 0 : i32
    %ne3A_91 = arith.cmpi ne, %rem3A, %ne3A_90 : i32
    %and3A = arith.andi %ne3A, %ne3A_91 : i1
    %sub3A = arith.constant 1 : i32
    %sub3A_92 = arith.subi %div3A, %sub3A : i32
    %select_n3A = arith.select %and3A, %sub3A_92, %div3A : i32
    %multiple_of3A_93 = tpu.assume_multiple %select_n3A, 8 : i32
    %dma_start3A_94 = arith.constant 0 : i32
    %dma_start3A_95 = tpu.memref_slice %arg5[%multiple_of3A_93, %dma_start3A_94] : memref<8192x128xf32, #tpu.memory_space<hbm>> -> memref<8x128xf32, #tpu.memory_space<hbm>>
    %dma_start3A_96 = arith.constant 0 : i32
    %dma_start3A_97 = tpu.memref_slice %arg5[%multiple_of3A_93, %dma_start3A_96] : memref<8192x128xf32, #tpu.memory_space<hbm>> -> memref<8x128xf32, #tpu.memory_space<hbm>>
    tpu.enqueue_dma source(%dma_start3A_97 : memref<8x128xf32, #tpu.memory_space<hbm>>) target(%arg17 : memref<8x128xf32, #tpu.memory_space<vmem>>) target_semaphore(%arg24 : memref<!tpu.dma_semaphore, #tpu.memory_space<semaphore_mem>>)
    %scan3A_98 = arith.constant 0 : i32
    %scan3A_99 = arith.constant 0 : i32
    %scan3A_100 = arith.constant 16 : i32
    %scan3A_101 = arith.addi %scan3A_99, %scan3A_100 : i32
    %scan3A_102 = arith.constant 1 : i32
    scf.for %scan3A_104 = %scan3A_99 to %scan3A_101 step %scan3A_102  : i32 {
      %mul3A_105 = arith.constant 2 : i32
      %mul3A_106 = arith.muli %scan3A_104, %mul3A_105 : i32
      %multiple_of3A_107 = tpu.assume_multiple %mul3A_106, 2 : i32
      %add3A_108 = arith.constant 1 : i32
      %add3A_109 = arith.addi %multiple_of3A_107, %add3A_108 : i32
      %mul3A_110 = arith.constant 16 : i32
      %mul3A_111 = arith.muli %add3A_109, %mul3A_110 : i32
      %multiple_of3A_112 = tpu.assume_multiple %mul3A_111, 16 : i32
      %dma_start3A_113 = tpu.memref_slice %arg12[%multiple_of3A_112] : memref<512xi32, #tpu.memory_space<vmem>> -> memref<16xi32, #tpu.memory_space<vmem>>
      %dma_start3A_114 = arith.constant 0 : i32
      %dma_start3A_115 = arith.constant 0 : i32
      %dma_start3A_116 = tpu.memref_slice %arg6[%dma_start3A_114, %dma_start3A_115] : memref<1000000x128xf32, #tpu.memory_space<hbm>> -> memref<1000000x128xf32, #tpu.memory_space<hbm>>
      tpu.enqueue_indirect_dma source(%dma_start3A_116 : memref<1000000x128xf32, #tpu.memory_space<hbm>>) target(%arg19 : memref<16x128xf32, #tpu.memory_space<vmem>>) offsets(%dma_start3A_113 : memref<16xi32, #tpu.memory_space<vmem>>) semaphore(%arg25 : memref<!tpu.dma_semaphore, #tpu.memory_space<semaphore_mem>>)
      %dma_start3A_117 = tpu.memref_slice %arg13[%multiple_of3A_112] : memref<512xi32, #tpu.memory_space<vmem>> -> memref<16xi32, #tpu.memory_space<vmem>>
      %dma_start3A_118 = arith.constant 0 : i32
      %dma_start3A_119 = arith.constant 0 : i32
      %dma_start3A_120 = tpu.memref_slice %arg7[%dma_start3A_118, %dma_start3A_119] : memref<1000000x128xf32, #tpu.memory_space<hbm>> -> memref<1000000x128xf32, #tpu.memory_space<hbm>>
      tpu.enqueue_indirect_dma source(%dma_start3A_120 : memref<1000000x128xf32, #tpu.memory_space<hbm>>) target(%arg20 : memref<16x128xf32, #tpu.memory_space<vmem>>) offsets(%dma_start3A_117 : memref<16xi32, #tpu.memory_space<vmem>>) semaphore(%arg25 : memref<!tpu.dma_semaphore, #tpu.memory_space<semaphore_mem>>)
      %mul3A_121 = arith.constant 16 : i32
      %mul3A_122 = arith.muli %multiple_of3A_112, %mul3A_121 : i32
      %dma_start3A_123 = tpu.memref_slice %arg14[%mul3A_122] : memref<8192xi32, #tpu.memory_space<vmem>> -> memref<256xi32, #tpu.memory_space<vmem>>
      %dma_start3A_124 = arith.constant 0 : i32
      %dma_start3A_125 = arith.constant 0 : i32
      %dma_start3A_126 = tpu.memref_slice %arg7[%dma_start3A_124, %dma_start3A_125] : memref<1000000x128xf32, #tpu.memory_space<hbm>> -> memref<1000000x128xf32, #tpu.memory_space<hbm>>
      tpu.enqueue_indirect_dma source(%dma_start3A_126 : memref<1000000x128xf32, #tpu.memory_space<hbm>>) target(%arg22 : memref<256x128xf32, #tpu.memory_space<vmem>>) offsets(%dma_start3A_123 : memref<256xi32, #tpu.memory_space<vmem>>) semaphore(%arg25 : memref<!tpu.dma_semaphore, #tpu.memory_space<semaphore_mem>>)
      %add3A_127 = arith.addi %multiple_of3A, %multiple_of3A_112 : i32
      %jit3A_128 = arith.constant 2 : i32
      %div3A_129 = arith.divsi %add3A_127, %jit3A_128 : i32
      %sign3A_130 = arith.constant 0 : i32
      %sign3A_131 = arith.cmpi sgt, %add3A_127, %sign3A_130 : i32
      %sign3A_132 = arith.extui %sign3A_131 : i1 to i32
      %sign3A_133 = arith.constant 0 : i32
      %sign3A_134 = arith.cmpi slt, %add3A_127, %sign3A_133 : i32
      %sign3A_135 = arith.extui %sign3A_134 : i1 to i32
      %sign3A_136 = arith.subi %sign3A_132, %sign3A_135 : i32
      %sign3A_137 = arith.constant 0 : i32
      %sign3A_138 = arith.cmpi sgt, %jit3A_128, %sign3A_137 : i32
      %sign3A_139 = arith.extui %sign3A_138 : i1 to i32
      %sign3A_140 = arith.constant 0 : i32
      %sign3A_141 = arith.cmpi slt, %jit3A_128, %sign3A_140 : i32
      %sign3A_142 = arith.extui %sign3A_141 : i1 to i32
      %sign3A_143 = arith.subi %sign3A_139, %sign3A_142 : i32
      %ne3A_144 = arith.cmpi ne, %sign3A_136, %sign3A_143 : i32
      %rem3A_145 = arith.remsi %add3A_127, %jit3A_128 : i32
      %ne3A_146 = arith.constant 0 : i32
      %ne3A_147 = arith.cmpi ne, %rem3A_145, %ne3A_146 : i32
      %and3A_148 = arith.andi %ne3A_144, %ne3A_147 : i1
      %sub3A_149 = arith.constant 1 : i32
      %sub3A_150 = arith.subi %div3A_129, %sub3A_149 : i32
      %select_n3A_151 = arith.select %and3A_148, %sub3A_150, %div3A_129 : i32
      %multiple_of3A_152 = tpu.assume_multiple %select_n3A_151, 8 : i32
      %dma_start3A_153 = arith.constant 0 : i32
      %dma_start3A_154 = tpu.memref_slice %arg5[%multiple_of3A_152, %dma_start3A_153] : memref<8192x128xf32, #tpu.memory_space<hbm>> -> memref<8x128xf32, #tpu.memory_space<hbm>>
      %dma_start3A_155 = arith.constant 0 : i32
      %dma_start3A_156 = tpu.memref_slice %arg5[%multiple_of3A_152, %dma_start3A_155] : memref<8192x128xf32, #tpu.memory_space<hbm>> -> memref<8x128xf32, #tpu.memory_space<hbm>>
      tpu.enqueue_dma source(%dma_start3A_156 : memref<8x128xf32, #tpu.memory_space<hbm>>) target(%arg21 : memref<8x128xf32, #tpu.memory_space<vmem>>) target_semaphore(%arg25 : memref<!tpu.dma_semaphore, #tpu.memory_space<semaphore_mem>>)
      %dma_wait3A = arith.constant 0 : i32
      %dma_wait3A_157 = arith.constant 0 : i32
      %dma_wait3A_158 = tpu.memref_slice %arg6[%dma_wait3A, %dma_wait3A_157] : memref<1000000x128xf32, #tpu.memory_space<hbm>> -> memref<16x128xf32, #tpu.memory_space<hbm>>
      %dma_wait3A_159 = arith.constant 0 : i32
      %dma_wait3A_160 = arith.constant 0 : i32
      %dma_wait3A_161 = tpu.memref_slice %arg6[%dma_wait3A_159, %dma_wait3A_160] : memref<1000000x128xf32, #tpu.memory_space<hbm>> -> memref<16x128xf32, #tpu.memory_space<hbm>>
      tpu.wait_dma2 semaphore(%arg24 : memref<!tpu.dma_semaphore, #tpu.memory_space<semaphore_mem>>) src(%dma_wait3A_161 : memref<16x128xf32, #tpu.memory_space<hbm>>) dst(%arg15 : memref<16x128xf32, #tpu.memory_space<vmem>>)
      %dma_wait3A_162 = arith.constant 0 : i32
      %dma_wait3A_163 = arith.constant 0 : i32
      %dma_wait3A_164 = tpu.memref_slice %arg7[%dma_wait3A_162, %dma_wait3A_163] : memref<1000000x128xf32, #tpu.memory_space<hbm>> -> memref<16x128xf32, #tpu.memory_space<hbm>>
      %dma_wait3A_165 = arith.constant 0 : i32
      %dma_wait3A_166 = arith.constant 0 : i32
      %dma_wait3A_167 = tpu.memref_slice %arg7[%dma_wait3A_165, %dma_wait3A_166] : memref<1000000x128xf32, #tpu.memory_space<hbm>> -> memref<16x128xf32, #tpu.memory_space<hbm>>
      tpu.wait_dma2 semaphore(%arg24 : memref<!tpu.dma_semaphore, #tpu.memory_space<semaphore_mem>>) src(%dma_wait3A_167 : memref<16x128xf32, #tpu.memory_space<hbm>>) dst(%arg16 : memref<16x128xf32, #tpu.memory_space<vmem>>)
      %dma_wait3A_168 = arith.constant 0 : i32
      %dma_wait3A_169 = arith.constant 0 : i32
      %dma_wait3A_170 = tpu.memref_slice %arg7[%dma_wait3A_168, %dma_wait3A_169] : memref<1000000x128xf32, #tpu.memory_space<hbm>> -> memref<256x128xf32, #tpu.memory_space<hbm>>
      %dma_wait3A_171 = arith.constant 0 : i32
      %dma_wait3A_172 = arith.constant 0 : i32
      %dma_wait3A_173 = tpu.memref_slice %arg7[%dma_wait3A_171, %dma_wait3A_172] : memref<1000000x128xf32, #tpu.memory_space<hbm>> -> memref<256x128xf32, #tpu.memory_space<hbm>>
      tpu.wait_dma2 semaphore(%arg24 : memref<!tpu.dma_semaphore, #tpu.memory_space<semaphore_mem>>) src(%dma_wait3A_173 : memref<256x128xf32, #tpu.memory_space<hbm>>) dst(%arg18 : memref<256x128xf32, #tpu.memory_space<vmem>>)
      %dma_wait3A_174 = arith.constant 0 : i32
      %dma_wait3A_175 = arith.constant 0 : i32
      %dma_wait3A_176 = tpu.memref_slice %arg5[%dma_wait3A_174, %dma_wait3A_175] : memref<8192x128xf32, #tpu.memory_space<hbm>> -> memref<8x128xf32, #tpu.memory_space<hbm>>
      %dma_wait3A_177 = arith.constant 0 : i32
      %dma_wait3A_178 = arith.constant 0 : i32
      %dma_wait3A_179 = tpu.memref_slice %arg5[%dma_wait3A_177, %dma_wait3A_178] : memref<8192x128xf32, #tpu.memory_space<hbm>> -> memref<8x128xf32, #tpu.memory_space<hbm>>
      tpu.wait_dma2 semaphore(%arg24 : memref<!tpu.dma_semaphore, #tpu.memory_space<semaphore_mem>>) src(%dma_wait3A_179 : memref<8x128xf32, #tpu.memory_space<hbm>>) dst(%arg17 : memref<8x128xf32, #tpu.memory_space<vmem>>)
      %mul3A_180 = arith.constant 16 : i32
      %mul3A_181 = arith.muli %multiple_of3A_107, %mul3A_180 : i32
      %multiple_of3A_182 = tpu.assume_multiple %mul3A_181, 16 : i32
      %scan3A_183 = arith.constant 0 : i32
      %scan3A_184 = arith.constant 0 : i32
      %scan3A_185 = arith.constant 16 : i32
      %scan3A_186 = arith.addi %scan3A_184, %scan3A_185 : i32
      %scan3A_187 = arith.constant 1 : i32
      scf.for %scan3A_228 = %scan3A_184 to %scan3A_186 step %scan3A_187  : i32 {
        %add3A_229 = arith.addi %multiple_of3A_182, %scan3A_228 : i32
        %and3A_230 = arith.constant 1 : i32
        %and3A_231 = arith.andi %scan3A_228, %and3A_230 : i32
        %mul3A_232 = arith.constant 64 : i32
        %mul3A_233 = arith.muli %and3A_231, %mul3A_232 : i32
        %multiple_of3A_234 = tpu.assume_multiple %mul3A_233, 64 : i32
        %get3A = arith.index_cast %scan3A_228 : i32 to index
        %get3A_235 = arith.constant 0 : index
        %get3A_236 = tpu.vector_load %arg15[%get3A, %get3A_235] {strides = array<i32>} : memref<16x128xf32, #tpu.memory_space<vmem>>, vector<16xf32>,
        %shift_right_arithmetic3A = arith.constant 1 : i32
        %shift_right_arithmetic3A_237 = arith.shrsi %scan3A_228, %shift_right_arithmetic3A : i32
        %add3A_238 = arith.constant 0 : i32
        %add3A_239 = arith.addi %multiple_of3A_234, %add3A_238 : i32
        %get3A_240 = arith.index_cast %shift_right_arithmetic3A_237 : i32 to index
        %get3A_241 = arith.index_cast %add3A_239 : i32 to index
        %get3A_242 = tpu.vector_load %arg17[%get3A_240, %get3A_241] {strides = array<i32>} : memref<8x128xf32, #tpu.memory_space<vmem>>, vector<16xf32>,
        %mul3A_243 = arith.mulf %get3A_236, %get3A_242 : vector<16xf32>
        %get3A_244 = arith.index_cast %scan3A_228 : i32 to index
        %get3A_245 = arith.constant 16 : index
        %get3A_246 = tpu.vector_load %arg15[%get3A_244, %get3A_245] {strides = array<i32>} : memref<16x128xf32, #tpu.memory_space<vmem>>, vector<16xf32>,
        %shift_right_arithmetic3A_247 = arith.constant 1 : i32
        %shift_right_arithmetic3A_248 = arith.shrsi %scan3A_228, %shift_right_arithmetic3A_247 : i32
        %add3A_249 = arith.constant 16 : i32
        %add3A_250 = arith.addi %multiple_of3A_234, %add3A_249 : i32
        %get3A_251 = arith.index_cast %shift_right_arithmetic3A_248 : i32 to index
        %get3A_252 = arith.index_cast %add3A_250 : i32 to index
        %get3A_253 = tpu.vector_load %arg17[%get3A_251, %get3A_252] {strides = array<i32>} : memref<8x128xf32, #tpu.memory_space<vmem>>, vector<16xf32>,
        %mul3A_254 = arith.mulf %get3A_246, %get3A_253 : vector<16xf32>
        %get3A_255 = arith.index_cast %scan3A_228 : i32 to index
        %get3A_256 = arith.constant 32 : index
        %get3A_257 = tpu.vector_load %arg15[%get3A_255, %get3A_256] {strides = array<i32>} : memref<16x128xf32, #tpu.memory_space<vmem>>, vector<16xf32>,
        %shift_right_arithmetic3A_258 = arith.constant 1 : i32
        %shift_right_arithmetic3A_259 = arith.shrsi %scan3A_228, %shift_right_arithmetic3A_258 : i32
        %add3A_260 = arith.constant 32 : i32
        %add3A_261 = arith.addi %multiple_of3A_234, %add3A_260 : i32
        %get3A_262 = arith.index_cast %shift_right_arithmetic3A_259 : i32 to index
        %get3A_263 = arith.index_cast %add3A_261 : i32 to index
        %get3A_264 = tpu.vector_load %arg17[%get3A_262, %get3A_263] {strides = array<i32>} : memref<8x128xf32, #tpu.memory_space<vmem>>, vector<16xf32>,
        %mul3A_265 = arith.mulf %get3A_257, %get3A_264 : vector<16xf32>
        %get3A_266 = arith.index_cast %scan3A_228 : i32 to index
        %get3A_267 = arith.constant 48 : index
        %get3A_268 = tpu.vector_load %arg15[%get3A_266, %get3A_267] {strides = array<i32>} : memref<16x128xf32, #tpu.memory_space<vmem>>, vector<16xf32>,
        %shift_right_arithmetic3A_269 = arith.constant 1 : i32
        %shift_right_arithmetic3A_270 = arith.shrsi %scan3A_228, %shift_right_arithmetic3A_269 : i32
        %add3A_271 = arith.constant 48 : i32
        %add3A_272 = arith.addi %multiple_of3A_234, %add3A_271 : i32
        %get3A_273 = arith.index_cast %shift_right_arithmetic3A_270 : i32 to index
        %get3A_274 = arith.index_cast %add3A_272 : i32 to index
        %get3A_275 = tpu.vector_load %arg17[%get3A_273, %get3A_274] {strides = array<i32>} : memref<8x128xf32, #tpu.memory_space<vmem>>, vector<16xf32>,
        %mul3A_276 = arith.mulf %get3A_268, %get3A_275 : vector<16xf32>
        %get3A_277 = arith.index_cast %scan3A_228 : i32 to index
        %get3A_278 = arith.constant 0 : index
        %get3A_279 = tpu.vector_load %arg16[%get3A_277, %get3A_278] {strides = array<i32>} : memref<16x128xf32, #tpu.memory_space<vmem>>, vector<16xf32>,
        %mul3A_280 = arith.mulf %mul3A_243, %get3A_279 : vector<16xf32>
        %get3A_281 = arith.index_cast %scan3A_228 : i32 to index
        %get3A_282 = arith.constant 16 : index
        %get3A_283 = tpu.vector_load %arg16[%get3A_281, %get3A_282] {strides = array<i32>} : memref<16x128xf32, #tpu.memory_space<vmem>>, vector<16xf32>,
        %mul3A_284 = arith.mulf %mul3A_254, %get3A_283 : vector<16xf32>
        %add3A_285 = arith.addf %mul3A_280, %mul3A_284 : vector<16xf32>
        %get3A_286 = arith.index_cast %scan3A_228 : i32 to index
        %get3A_287 = arith.constant 32 : index
        %get3A_288 = tpu.vector_load %arg16[%get3A_286, %get3A_287] {strides = array<i32>} : memref<16x128xf32, #tpu.memory_space<vmem>>, vector<16xf32>,
        %mul3A_289 = arith.mulf %mul3A_265, %get3A_288 : vector<16xf32>
        %add3A_290 = arith.addf %add3A_285, %mul3A_289 : vector<16xf32>
        %get3A_291 = arith.index_cast %scan3A_228 : i32 to index
        %get3A_292 = arith.constant 48 : index
        %get3A_293 = tpu.vector_load %arg16[%get3A_291, %get3A_292] {strides = array<i32>} : memref<16x128xf32, #tpu.memory_space<vmem>>, vector<16xf32>,
        %mul3A_294 = arith.mulf %mul3A_276, %get3A_293 : vector<16xf32>
        %add3A_295 = arith.addf %add3A_290, %mul3A_294 : vector<16xf32>
        %reduce_sum3A = arith.constant true
        %reduce_sum3A_296 = vector.broadcast %reduce_sum3A : i1 to vector<16xi1>
        %reduce_sum3A_297 = tpu.scan <sum>, %add3A_295 masked %reduce_sum3A_296 : vector<16xf32>, vector<16xi1> -> vector<16xf32>
        %reduce_sum3A_298 = vector.extract %reduce_sum3A_297[15] : f32 from vector<16xf32>
        %jit3A_299 = arith.constant 0.000000e+00 : f32
        %broadcast_in_dim3A = vector.broadcast %reduce_sum3A_298 : f32 to vector<16xf32>
        %broadcast_in_dim3A_300 = vector.broadcast %jit3A_299 : f32 to vector<16xf32>
        %select_n3A_301 = arith.select %eq3A_15, %broadcast_in_dim3A, %broadcast_in_dim3A_300 : vector<16xi1>, vector<16xf32>
        %mul3A_302 = arith.constant 16 : i32
        %mul3A_303 = arith.muli %scan3A_228, %mul3A_302 : i32
        %add3A_304 = arith.constant 1 : i32
        %add3A_305 = arith.addi %mul3A_303, %add3A_304 : i32
        %get3A_306 = arith.index_cast %add3A_305 : i32 to index
        %get3A_307 = arith.constant 0 : index
        %get3A_308 = tpu.vector_load %arg18[%get3A_306, %get3A_307] {strides = array<i32>} : memref<256x128xf32, #tpu.memory_space<vmem>>, vector<16xf32>,
        %mul3A_309 = arith.mulf %mul3A_243, %get3A_308 : vector<16xf32>
        %get3A_310 = arith.index_cast %add3A_305 : i32 to index
        %get3A_311 = arith.constant 16 : index
        %get3A_312 = tpu.vector_load %arg18[%get3A_310, %get3A_311] {strides = array<i32>} : memref<256x128xf32, #tpu.memory_space<vmem>>, vector<16xf32>,
        %mul3A_313 = arith.mulf %mul3A_254, %get3A_312 : vector<16xf32>
        %add3A_314 = arith.addf %mul3A_309, %mul3A_313 : vector<16xf32>
        %get3A_315 = arith.index_cast %add3A_305 : i32 to index
        %get3A_316 = arith.constant 32 : index
        %get3A_317 = tpu.vector_load %arg18[%get3A_315, %get3A_316] {strides = array<i32>} : memref<256x128xf32, #tpu.memory_space<vmem>>, vector<16xf32>,
        %mul3A_318 = arith.mulf %mul3A_265, %get3A_317 : vector<16xf32>
        %add3A_319 = arith.addf %add3A_314, %mul3A_318 : vector<16xf32>
        %get3A_320 = arith.index_cast %add3A_305 : i32 to index
        %get3A_321 = arith.constant 48 : index
        %get3A_322 = tpu.vector_load %arg18[%get3A_320, %get3A_321] {strides = array<i32>} : memref<256x128xf32, #tpu.memory_space<vmem>>, vector<16xf32>,
        %mul3A_323 = arith.mulf %mul3A_276, %get3A_322 : vector<16xf32>
        %add3A_324 = arith.addf %add3A_319, %mul3A_323 : vector<16xf32>
        %reduce_sum3A_325 = arith.constant true
        %reduce_sum3A_326 = vector.broadcast %reduce_sum3A_325 : i1 to vector<16xi1>
        %reduce_sum3A_327 = tpu.scan <sum>, %add3A_324 masked %reduce_sum3A_326 : vector<16xf32>, vector<16xi1> -> vector<16xf32>
        %reduce_sum3A_328 = vector.extract %reduce_sum3A_327[15] : f32 from vector<16xf32>
        %broadcast_in_dim3A_329 = vector.broadcast %reduce_sum3A_328 : f32 to vector<16xf32>
        %select_n3A_330 = arith.select %eq3A_18, %broadcast_in_dim3A_329, %select_n3A_301 : vector<16xi1>, vector<16xf32>
        %mul3A_331 = arith.constant 16 : i32
        %mul3A_332 = arith.muli %scan3A_228, %mul3A_331 : i32
        %add3A_333 = arith.constant 2 : i32
        %add3A_334 = arith.addi %mul3A_332, %add3A_333 : i32
        %get3A_335 = arith.index_cast %add3A_334 : i32 to index
        %get3A_336 = arith.constant 0 : index
        %get3A_337 = tpu.vector_load %arg18[%get3A_335, %get3A_336] {strides = array<i32>} : memref<256x128xf32, #tpu.memory_space<vmem>>, vector<16xf32>,
        %mul3A_338 = arith.mulf %mul3A_243, %get3A_337 : vector<16xf32>
        %get3A_339 = arith.index_cast %add3A_334 : i32 to index
        %get3A_340 = arith.constant 16 : index
        %get3A_341 = tpu.vector_load %arg18[%get3A_339, %get3A_340] {strides = array<i32>} : memref<256x128xf32, #tpu.memory_space<vmem>>, vector<16xf32>,
        %mul3A_342 = arith.mulf %mul3A_254, %get3A_341 : vector<16xf32>
        %add3A_343 = arith.addf %mul3A_338, %mul3A_342 : vector<16xf32>
        %get3A_344 = arith.index_cast %add3A_334 : i32 to index
        %get3A_345 = arith.constant 32 : index
        %get3A_346 = tpu.vector_load %arg18[%get3A_344, %get3A_345] {strides = array<i32>} : memref<256x128xf32, #tpu.memory_space<vmem>>, vector<16xf32>,
        %mul3A_347 = arith.mulf %mul3A_265, %get3A_346 : vector<16xf32>
        %add3A_348 = arith.addf %add3A_343, %mul3A_347 : vector<16xf32>
        %get3A_349 = arith.index_cast %add3A_334 : i32 to index
        %get3A_350 = arith.constant 48 : index
        %get3A_351 = tpu.vector_load %arg18[%get3A_349, %get3A_350] {strides = array<i32>} : memref<256x128xf32, #tpu.memory_space<vmem>>, vector<16xf32>,
        %mul3A_352 = arith.mulf %mul3A_276, %get3A_351 : vector<16xf32>
        %add3A_353 = arith.addf %add3A_348, %mul3A_352 : vector<16xf32>
        %reduce_sum3A_354 = arith.constant true
        %reduce_sum3A_355 = vector.broadcast %reduce_sum3A_354 : i1 to vector<16xi1>
        %reduce_sum3A_356 = tpu.scan <sum>, %add3A_353 masked %reduce_sum3A_355 : vector<16xf32>, vector<16xi1> -> vector<16xf32>
        %reduce_sum3A_357 = vector.extract %reduce_sum3A_356[15] : f32 from vector<16xf32>
        %broadcast_in_dim3A_358 = vector.broadcast %reduce_sum3A_357 : f32 to vector<16xf32>
        %select_n3A_359 = arith.select %eq3A_21, %broadcast_in_dim3A_358, %select_n3A_330 : vector<16xi1>, vector<16xf32>
        %mul3A_360 = arith.constant 16 : i32
        %mul3A_361 = arith.muli %scan3A_228, %mul3A_360 : i32
        %add3A_362 = arith.constant 3 : i32
        %add3A_363 = arith.addi %mul3A_361, %add3A_362 : i32
        %get3A_364 = arith.index_cast %add3A_363 : i32 to index
        %get3A_365 = arith.constant 0 : index
        %get3A_366 = tpu.vector_load %arg18[%get3A_364, %get3A_365] {strides = array<i32>} : memref<256x128xf32, #tpu.memory_space<vmem>>, vector<16xf32>,
        %mul3A_367 = arith.mulf %mul3A_243, %get3A_366 : vector<16xf32>
        %get3A_368 = arith.index_cast %add3A_363 : i32 to index
        %get3A_369 = arith.constant 16 : index
        %get3A_370 = tpu.vector_load %arg18[%get3A_368, %get3A_369] {strides = array<i32>} : memref<256x128xf32, #tpu.memory_space<vmem>>, vector<16xf32>,
        %mul3A_371 = arith.mulf %mul3A_254, %get3A_370 : vector<16xf32>
        %add3A_372 = arith.addf %mul3A_367, %mul3A_371 : vector<16xf32>
        %get3A_373 = arith.index_cast %add3A_363 : i32 to index
        %get3A_374 = arith.constant 32 : index
        %get3A_375 = tpu.vector_load %arg18[%get3A_373, %get3A_374] {strides = array<i32>} : memref<256x128xf32, #tpu.memory_space<vmem>>, vector<16xf32>,
        %mul3A_376 = arith.mulf %mul3A_265, %get3A_375 : vector<16xf32>
        %add3A_377 = arith.addf %add3A_372, %mul3A_376 : vector<16xf32>
        %get3A_378 = arith.index_cast %add3A_363 : i32 to index
        %get3A_379 = arith.constant 48 : index
        %get3A_380 = tpu.vector_load %arg18[%get3A_378, %get3A_379] {strides = array<i32>} : memref<256x128xf32, #tpu.memory_space<vmem>>, vector<16xf32>,
        %mul3A_381 = arith.mulf %mul3A_276, %get3A_380 : vector<16xf32>
        %add3A_382 = arith.addf %add3A_377, %mul3A_381 : vector<16xf32>
        %reduce_sum3A_383 = arith.constant true
        %reduce_sum3A_384 = vector.broadcast %reduce_sum3A_383 : i1 to vector<16xi1>
        %reduce_sum3A_385 = tpu.scan <sum>, %add3A_382 masked %reduce_sum3A_384 : vector<16xf32>, vector<16xi1> -> vector<16xf32>
        %reduce_sum3A_386 = vector.extract %reduce_sum3A_385[15] : f32 from vector<16xf32>
        %broadcast_in_dim3A_387 = vector.broadcast %reduce_sum3A_386 : f32 to vector<16xf32>
        %select_n3A_388 = arith.select %eq3A_24, %broadcast_in_dim3A_387, %select_n3A_359 : vector<16xi1>, vector<16xf32>
        %mul3A_389 = arith.constant 16 : i32
        %mul3A_390 = arith.muli %scan3A_228, %mul3A_389 : i32
        %add3A_391 = arith.constant 4 : i32
        %add3A_392 = arith.addi %mul3A_390, %add3A_391 : i32
        %get3A_393 = arith.index_cast %add3A_392 : i32 to index
        %get3A_394 = arith.constant 0 : index
        %get3A_395 = tpu.vector_load %arg18[%get3A_393, %get3A_394] {strides = array<i32>} : memref<256x128xf32, #tpu.memory_space<vmem>>, vector<16xf32>,
        %mul3A_396 = arith.mulf %mul3A_243, %get3A_395 : vector<16xf32>
        %get3A_397 = arith.index_cast %add3A_392 : i32 to index
        %get3A_398 = arith.constant 16 : index
        %get3A_399 = tpu.vector_load %arg18[%get3A_397, %get3A_398] {strides = array<i32>} : memref<256x128xf32, #tpu.memory_space<vmem>>, vector<16xf32>,
        %mul3A_400 = arith.mulf %mul3A_254, %get3A_399 : vector<16xf32>
        %add3A_401 = arith.addf %mul3A_396, %mul3A_400 : vector<16xf32>
        %get3A_402 = arith.index_cast %add3A_392 : i32 to index
        %get3A_403 = arith.constant 32 : index
        %get3A_404 = tpu.vector_load %arg18[%get3A_402, %get3A_403] {strides = array<i32>} : memref<256x128xf32, #tpu.memory_space<vmem>>, vector<16xf32>,
        %mul3A_405 = arith.mulf %mul3A_265, %get3A_404 : vector<16xf32>
        %add3A_406 = arith.addf %add3A_401, %mul3A_405 : vector<16xf32>
        %get3A_407 = arith.index_cast %add3A_392 : i32 to index
        %get3A_408 = arith.constant 48 : index
        %get3A_409 = tpu.vector_load %arg18[%get3A_407, %get3A_408] {strides = array<i32>} : memref<256x128xf32, #tpu.memory_space<vmem>>, vector<16xf32>,
        %mul3A_410 = arith.mulf %mul3A_276, %get3A_409 : vector<16xf32>
        %add3A_411 = arith.addf %add3A_406, %mul3A_410 : vector<16xf32>
        %reduce_sum3A_412 = arith.constant true
        %reduce_sum3A_413 = vector.broadcast %reduce_sum3A_412 : i1 to vector<16xi1>
        %reduce_sum3A_414 = tpu.scan <sum>, %add3A_411 masked %reduce_sum3A_413 : vector<16xf32>, vector<16xi1> -> vector<16xf32>
        %reduce_sum3A_415 = vector.extract %reduce_sum3A_414[15] : f32 from vector<16xf32>
        %broadcast_in_dim3A_416 = vector.broadcast %reduce_sum3A_415 : f32 to vector<16xf32>
        %select_n3A_417 = arith.select %eq3A_27, %broadcast_in_dim3A_416, %select_n3A_388 : vector<16xi1>, vector<16xf32>
        %mul3A_418 = arith.constant 16 : i32
        %mul3A_419 = arith.muli %scan3A_228, %mul3A_418 : i32
        %add3A_420 = arith.constant 5 : i32
        %add3A_421 = arith.addi %mul3A_419, %add3A_420 : i32
        %get3A_422 = arith.index_cast %add3A_421 : i32 to index
        %get3A_423 = arith.constant 0 : index
        %get3A_424 = tpu.vector_load %arg18[%get3A_422, %get3A_423] {strides = array<i32>} : memref<256x128xf32, #tpu.memory_space<vmem>>, vector<16xf32>,
        %mul3A_425 = arith.mulf %mul3A_243, %get3A_424 : vector<16xf32>
        %get3A_426 = arith.index_cast %add3A_421 : i32 to index
        %get3A_427 = arith.constant 16 : index
        %get3A_428 = tpu.vector_load %arg18[%get3A_426, %get3A_427] {strides = array<i32>} : memref<256x128xf32, #tpu.memory_space<vmem>>, vector<16xf32>,
        %mul3A_429 = arith.mulf %mul3A_254, %get3A_428 : vector<16xf32>
        %add3A_430 = arith.addf %mul3A_425, %mul3A_429 : vector<16xf32>
        %get3A_431 = arith.index_cast %add3A_421 : i32 to index
        %get3A_432 = arith.constant 32 : index
        %get3A_433 = tpu.vector_load %arg18[%get3A_431, %get3A_432] {strides = array<i32>} : memref<256x128xf32, #tpu.memory_space<vmem>>, vector<16xf32>,
        %mul3A_434 = arith.mulf %mul3A_265, %get3A_433 : vector<16xf32>
        %add3A_435 = arith.addf %add3A_430, %mul3A_434 : vector<16xf32>
        %get3A_436 = arith.index_cast %add3A_421 : i32 to index
        %get3A_437 = arith.constant 48 : index
        %get3A_438 = tpu.vector_load %arg18[%get3A_436, %get3A_437] {strides = array<i32>} : memref<256x128xf32, #tpu.memory_space<vmem>>, vector<16xf32>,
        %mul3A_439 = arith.mulf %mul3A_276, %get3A_438 : vector<16xf32>
        %add3A_440 = arith.addf %add3A_435, %mul3A_439 : vector<16xf32>
        %reduce_sum3A_441 = arith.constant true
        %reduce_sum3A_442 = vector.broadcast %reduce_sum3A_441 : i1 to vector<16xi1>
        %reduce_sum3A_443 = tpu.scan <sum>, %add3A_440 masked %reduce_sum3A_442 : vector<16xf32>, vector<16xi1> -> vector<16xf32>
        %reduce_sum3A_444 = vector.extract %reduce_sum3A_443[15] : f32 from vector<16xf32>
        %broadcast_in_dim3A_445 = vector.broadcast %reduce_sum3A_444 : f32 to vector<16xf32>
        %select_n3A_446 = arith.select %eq3A_30, %broadcast_in_dim3A_445, %select_n3A_417 : vector<16xi1>, vector<16xf32>
        %mul3A_447 = arith.constant 16 : i32
        %mul3A_448 = arith.muli %scan3A_228, %mul3A_447 : i32
        %add3A_449 = arith.constant 6 : i32
        %add3A_450 = arith.addi %mul3A_448, %add3A_449 : i32
        %get3A_451 = arith.index_cast %add3A_450 : i32 to index
        %get3A_452 = arith.constant 0 : index
        %get3A_453 = tpu.vector_load %arg18[%get3A_451, %get3A_452] {strides = array<i32>} : memref<256x128xf32, #tpu.memory_space<vmem>>, vector<16xf32>,
        %mul3A_454 = arith.mulf %mul3A_243, %get3A_453 : vector<16xf32>
        %get3A_455 = arith.index_cast %add3A_450 : i32 to index
        %get3A_456 = arith.constant 16 : index
        %get3A_457 = tpu.vector_load %arg18[%get3A_455, %get3A_456] {strides = array<i32>} : memref<256x128xf32, #tpu.memory_space<vmem>>, vector<16xf32>,
        %mul3A_458 = arith.mulf %mul3A_254, %get3A_457 : vector<16xf32>
        %add3A_459 = arith.addf %mul3A_454, %mul3A_458 : vector<16xf32>
        %get3A_460 = arith.index_cast %add3A_450 : i32 to index
        %get3A_461 = arith.constant 32 : index
        %get3A_462 = tpu.vector_load %arg18[%get3A_460, %get3A_461] {strides = array<i32>} : memref<256x128xf32, #tpu.memory_space<vmem>>, vector<16xf32>,
        %mul3A_463 = arith.mulf %mul3A_265, %get3A_462 : vector<16xf32>
        %add3A_464 = arith.addf %add3A_459, %mul3A_463 : vector<16xf32>
        %get3A_465 = arith.index_cast %add3A_450 : i32 to index
        %get3A_466 = arith.constant 48 : index
        %get3A_467 = tpu.vector_load %arg18[%get3A_465, %get3A_466] {strides = array<i32>} : memref<256x128xf32, #tpu.memory_space<vmem>>, vector<16xf32>,
        %mul3A_468 = arith.mulf %mul3A_276, %get3A_467 : vector<16xf32>
        %add3A_469 = arith.addf %add3A_464, %mul3A_468 : vector<16xf32>
        %reduce_sum3A_470 = arith.constant true
        %reduce_sum3A_471 = vector.broadcast %reduce_sum3A_470 : i1 to vector<16xi1>
        %reduce_sum3A_472 = tpu.scan <sum>, %add3A_469 masked %reduce_sum3A_471 : vector<16xf32>, vector<16xi1> -> vector<16xf32>
        %reduce_sum3A_473 = vector.extract %reduce_sum3A_472[15] : f32 from vector<16xf32>
        %broadcast_in_dim3A_474 = vector.broadcast %reduce_sum3A_473 : f32 to vector<16xf32>
        %select_n3A_475 = arith.select %eq3A_33, %broadcast_in_dim3A_474, %select_n3A_446 : vector<16xi1>, vector<16xf32>
        %mul3A_476 = arith.constant 16 : i32
        %mul3A_477 = arith.muli %scan3A_228, %mul3A_476 : i32
        %add3A_478 = arith.constant 7 : i32
        %add3A_479 = arith.addi %mul3A_477, %add3A_478 : i32
        %get3A_480 = arith.index_cast %add3A_479 : i32 to index
        %get3A_481 = arith.constant 0 : index
        %get3A_482 = tpu.vector_load %arg18[%get3A_480, %get3A_481] {strides = array<i32>} : memref<256x128xf32, #tpu.memory_space<vmem>>, vector<16xf32>,
        %mul3A_483 = arith.mulf %mul3A_243, %get3A_482 : vector<16xf32>
        %get3A_484 = arith.index_cast %add3A_479 : i32 to index
        %get3A_485 = arith.constant 16 : index
        %get3A_486 = tpu.vector_load %arg18[%get3A_484, %get3A_485] {strides = array<i32>} : memref<256x128xf32, #tpu.memory_space<vmem>>, vector<16xf32>,
        %mul3A_487 = arith.mulf %mul3A_254, %get3A_486 : vector<16xf32>
        %add3A_488 = arith.addf %mul3A_483, %mul3A_487 : vector<16xf32>
        %get3A_489 = arith.index_cast %add3A_479 : i32 to index
        %get3A_490 = arith.constant 32 : index
        %get3A_491 = tpu.vector_load %arg18[%get3A_489, %get3A_490] {strides = array<i32>} : memref<256x128xf32, #tpu.memory_space<vmem>>, vector<16xf32>,
        %mul3A_492 = arith.mulf %mul3A_265, %get3A_491 : vector<16xf32>
        %add3A_493 = arith.addf %add3A_488, %mul3A_492 : vector<16xf32>
        %get3A_494 = arith.index_cast %add3A_479 : i32 to index
        %get3A_495 = arith.constant 48 : index
        %get3A_496 = tpu.vector_load %arg18[%get3A_494, %get3A_495] {strides = array<i32>} : memref<256x128xf32, #tpu.memory_space<vmem>>, vector<16xf32>,
        %mul3A_497 = arith.mulf %mul3A_276, %get3A_496 : vector<16xf32>
        %add3A_498 = arith.addf %add3A_493, %mul3A_497 : vector<16xf32>
        %reduce_sum3A_499 = arith.constant true
        %reduce_sum3A_500 = vector.broadcast %reduce_sum3A_499 : i1 to vector<16xi1>
        %reduce_sum3A_501 = tpu.scan <sum>, %add3A_498 masked %reduce_sum3A_500 : vector<16xf32>, vector<16xi1> -> vector<16xf32>
        %reduce_sum3A_502 = vector.extract %reduce_sum3A_501[15] : f32 from vector<16xf32>
        %broadcast_in_dim3A_503 = vector.broadcast %reduce_sum3A_502 : f32 to vector<16xf32>
        %select_n3A_504 = arith.select %eq3A_36, %broadcast_in_dim3A_503, %select_n3A_475 : vector<16xi1>, vector<16xf32>
        %mul3A_505 = arith.constant 16 : i32
        %mul3A_506 = arith.muli %scan3A_228, %mul3A_505 : i32
        %add3A_507 = arith.constant 8 : i32
        %add3A_508 = arith.addi %mul3A_506, %add3A_507 : i32
        %get3A_509 = arith.index_cast %add3A_508 : i32 to index
        %get3A_510 = arith.constant 0 : index
        %get3A_511 = tpu.vector_load %arg18[%get3A_509, %get3A_510] {strides = array<i32>} : memref<256x128xf32, #tpu.memory_space<vmem>>, vector<16xf32>,
        %mul3A_512 = arith.mulf %mul3A_243, %get3A_511 : vector<16xf32>
        %get3A_513 = arith.index_cast %add3A_508 : i32 to index
        %get3A_514 = arith.constant 16 : index
        %get3A_515 = tpu.vector_load %arg18[%get3A_513, %get3A_514] {strides = array<i32>} : memref<256x128xf32, #tpu.memory_space<vmem>>, vector<16xf32>,
        %mul3A_516 = arith.mulf %mul3A_254, %get3A_515 : vector<16xf32>
        %add3A_517 = arith.addf %mul3A_512, %mul3A_516 : vector<16xf32>
        %get3A_518 = arith.index_cast %add3A_508 : i32 to index
        %get3A_519 = arith.constant 32 : index
        %get3A_520 = tpu.vector_load %arg18[%get3A_518, %get3A_519] {strides = array<i32>} : memref<256x128xf32, #tpu.memory_space<vmem>>, vector<16xf32>,
        %mul3A_521 = arith.mulf %mul3A_265, %get3A_520 : vector<16xf32>
        %add3A_522 = arith.addf %add3A_517, %mul3A_521 : vector<16xf32>
        %get3A_523 = arith.index_cast %add3A_508 : i32 to index
        %get3A_524 = arith.constant 48 : index
        %get3A_525 = tpu.vector_load %arg18[%get3A_523, %get3A_524] {strides = array<i32>} : memref<256x128xf32, #tpu.memory_space<vmem>>, vector<16xf32>,
        %mul3A_526 = arith.mulf %mul3A_276, %get3A_525 : vector<16xf32>
        %add3A_527 = arith.addf %add3A_522, %mul3A_526 : vector<16xf32>
        %reduce_sum3A_528 = arith.constant true
        %reduce_sum3A_529 = vector.broadcast %reduce_sum3A_528 : i1 to vector<16xi1>
        %reduce_sum3A_530 = tpu.scan <sum>, %add3A_527 masked %reduce_sum3A_529 : vector<16xf32>, vector<16xi1> -> vector<16xf32>
        %reduce_sum3A_531 = vector.extract %reduce_sum3A_530[15] : f32 from vector<16xf32>
        %broadcast_in_dim3A_532 = vector.broadcast %reduce_sum3A_531 : f32 to vector<16xf32>
        %select_n3A_533 = arith.select %eq3A_39, %broadcast_in_dim3A_532, %select_n3A_504 : vector<16xi1>, vector<16xf32>
        %mul3A_534 = arith.constant 16 : i32
        %mul3A_535 = arith.muli %scan3A_228, %mul3A_534 : i32
        %add3A_536 = arith.constant 9 : i32
        %add3A_537 = arith.addi %mul3A_535, %add3A_536 : i32
        %get3A_538 = arith.index_cast %add3A_537 : i32 to index
        %get3A_539 = arith.constant 0 : index
        %get3A_540 = tpu.vector_load %arg18[%get3A_538, %get3A_539] {strides = array<i32>} : memref<256x128xf32, #tpu.memory_space<vmem>>, vector<16xf32>,
        %mul3A_541 = arith.mulf %mul3A_243, %get3A_540 : vector<16xf32>
        %get3A_542 = arith.index_cast %add3A_537 : i32 to index
        %get3A_543 = arith.constant 16 : index
        %get3A_544 = tpu.vector_load %arg18[%get3A_542, %get3A_543] {strides = array<i32>} : memref<256x128xf32, #tpu.memory_space<vmem>>, vector<16xf32>,
        %mul3A_545 = arith.mulf %mul3A_254, %get3A_544 : vector<16xf32>
        %add3A_546 = arith.addf %mul3A_541, %mul3A_545 : vector<16xf32>
        %get3A_547 = arith.index_cast %add3A_537 : i32 to index
        %get3A_548 = arith.constant 32 : index
        %get3A_549 = tpu.vector_load %arg18[%get3A_547, %get3A_548] {strides = array<i32>} : memref<256x128xf32, #tpu.memory_space<vmem>>, vector<16xf32>,
        %mul3A_550 = arith.mulf %mul3A_265, %get3A_549 : vector<16xf32>
        %add3A_551 = arith.addf %add3A_546, %mul3A_550 : vector<16xf32>
        %get3A_552 = arith.index_cast %add3A_537 : i32 to index
        %get3A_553 = arith.constant 48 : index
        %get3A_554 = tpu.vector_load %arg18[%get3A_552, %get3A_553] {strides = array<i32>} : memref<256x128xf32, #tpu.memory_space<vmem>>, vector<16xf32>,
        %mul3A_555 = arith.mulf %mul3A_276, %get3A_554 : vector<16xf32>
        %add3A_556 = arith.addf %add3A_551, %mul3A_555 : vector<16xf32>
        %reduce_sum3A_557 = arith.constant true
        %reduce_sum3A_558 = vector.broadcast %reduce_sum3A_557 : i1 to vector<16xi1>
        %reduce_sum3A_559 = tpu.scan <sum>, %add3A_556 masked %reduce_sum3A_558 : vector<16xf32>, vector<16xi1> -> vector<16xf32>
        %reduce_sum3A_560 = vector.extract %reduce_sum3A_559[15] : f32 from vector<16xf32>
        %broadcast_in_dim3A_561 = vector.broadcast %reduce_sum3A_560 : f32 to vector<16xf32>
        %select_n3A_562 = arith.select %eq3A_42, %broadcast_in_dim3A_561, %select_n3A_533 : vector<16xi1>, vector<16xf32>
        %mul3A_563 = arith.constant 16 : i32
        %mul3A_564 = arith.muli %scan3A_228, %mul3A_563 : i32
        %add3A_565 = arith.constant 10 : i32
        %add3A_566 = arith.addi %mul3A_564, %add3A_565 : i32
        %get3A_567 = arith.index_cast %add3A_566 : i32 to index
        %get3A_568 = arith.constant 0 : index
        %get3A_569 = tpu.vector_load %arg18[%get3A_567, %get3A_568] {strides = array<i32>} : memref<256x128xf32, #tpu.memory_space<vmem>>, vector<16xf32>,
        %mul3A_570 = arith.mulf %mul3A_243, %get3A_569 : vector<16xf32>
        %get3A_571 = arith.index_cast %add3A_566 : i32 to index
        %get3A_572 = arith.constant 16 : index
        %get3A_573 = tpu.vector_load %arg18[%get3A_571, %get3A_572] {strides = array<i32>} : memref<256x128xf32, #tpu.memory_space<vmem>>, vector<16xf32>,
        %mul3A_574 = arith.mulf %mul3A_254, %get3A_573 : vector<16xf32>
        %add3A_575 = arith.addf %mul3A_570, %mul3A_574 : vector<16xf32>
        %get3A_576 = arith.index_cast %add3A_566 : i32 to index
        %get3A_577 = arith.constant 32 : index
        %get3A_578 = tpu.vector_load %arg18[%get3A_576, %get3A_577] {strides = array<i32>} : memref<256x128xf32, #tpu.memory_space<vmem>>, vector<16xf32>,
        %mul3A_579 = arith.mulf %mul3A_265, %get3A_578 : vector<16xf32>
        %add3A_580 = arith.addf %add3A_575, %mul3A_579 : vector<16xf32>
        %get3A_581 = arith.index_cast %add3A_566 : i32 to index
        %get3A_582 = arith.constant 48 : index
        %get3A_583 = tpu.vector_load %arg18[%get3A_581, %get3A_582] {strides = array<i32>} : memref<256x128xf32, #tpu.memory_space<vmem>>, vector<16xf32>,
        %mul3A_584 = arith.mulf %mul3A_276, %get3A_583 : vector<16xf32>
        %add3A_585 = arith.addf %add3A_580, %mul3A_584 : vector<16xf32>
        %reduce_sum3A_586 = arith.constant true
        %reduce_sum3A_587 = vector.broadcast %reduce_sum3A_586 : i1 to vector<16xi1>
        %reduce_sum3A_588 = tpu.scan <sum>, %add3A_585 masked %reduce_sum3A_587 : vector<16xf32>, vector<16xi1> -> vector<16xf32>
        %reduce_sum3A_589 = vector.extract %reduce_sum3A_588[15] : f32 from vector<16xf32>
        %broadcast_in_dim3A_590 = vector.broadcast %reduce_sum3A_589 : f32 to vector<16xf32>
        %select_n3A_591 = arith.select %eq3A_45, %broadcast_in_dim3A_590, %select_n3A_562 : vector<16xi1>, vector<16xf32>
        %mul3A_592 = arith.constant 16 : i32
        %mul3A_593 = arith.muli %scan3A_228, %mul3A_592 : i32
        %add3A_594 = arith.constant 11 : i32
        %add3A_595 = arith.addi %mul3A_593, %add3A_594 : i32
        %get3A_596 = arith.index_cast %add3A_595 : i32 to index
        %get3A_597 = arith.constant 0 : index
        %get3A_598 = tpu.vector_load %arg18[%get3A_596, %get3A_597] {strides = array<i32>} : memref<256x128xf32, #tpu.memory_space<vmem>>, vector<16xf32>,
        %mul3A_599 = arith.mulf %mul3A_243, %get3A_598 : vector<16xf32>
        %get3A_600 = arith.index_cast %add3A_595 : i32 to index
        %get3A_601 = arith.constant 16 : index
        %get3A_602 = tpu.vector_load %arg18[%get3A_600, %get3A_601] {strides = array<i32>} : memref<256x128xf32, #tpu.memory_space<vmem>>, vector<16xf32>,
        %mul3A_603 = arith.mulf %mul3A_254, %get3A_602 : vector<16xf32>
        %add3A_604 = arith.addf %mul3A_599, %mul3A_603 : vector<16xf32>
        %get3A_605 = arith.index_cast %add3A_595 : i32 to index
        %get3A_606 = arith.constant 32 : index
        %get3A_607 = tpu.vector_load %arg18[%get3A_605, %get3A_606] {strides = array<i32>} : memref<256x128xf32, #tpu.memory_space<vmem>>, vector<16xf32>,
        %mul3A_608 = arith.mulf %mul3A_265, %get3A_607 : vector<16xf32>
        %add3A_609 = arith.addf %add3A_604, %mul3A_608 : vector<16xf32>
        %get3A_610 = arith.index_cast %add3A_595 : i32 to index
        %get3A_611 = arith.constant 48 : index
        %get3A_612 = tpu.vector_load %arg18[%get3A_610, %get3A_611] {strides = array<i32>} : memref<256x128xf32, #tpu.memory_space<vmem>>, vector<16xf32>,
        %mul3A_613 = arith.mulf %mul3A_276, %get3A_612 : vector<16xf32>
        %add3A_614 = arith.addf %add3A_609, %mul3A_613 : vector<16xf32>
        %reduce_sum3A_615 = arith.constant true
        %reduce_sum3A_616 = vector.broadcast %reduce_sum3A_615 : i1 to vector<16xi1>
        %reduce_sum3A_617 = tpu.scan <sum>, %add3A_614 masked %reduce_sum3A_616 : vector<16xf32>, vector<16xi1> -> vector<16xf32>
        %reduce_sum3A_618 = vector.extract %reduce_sum3A_617[15] : f32 from vector<16xf32>
        %broadcast_in_dim3A_619 = vector.broadcast %reduce_sum3A_618 : f32 to vector<16xf32>
        %select_n3A_620 = arith.select %eq3A_48, %broadcast_in_dim3A_619, %select_n3A_591 : vector<16xi1>, vector<16xf32>
        %mul3A_621 = arith.constant 16 : i32
        %mul3A_622 = arith.muli %scan3A_228, %mul3A_621 : i32
        %add3A_623 = arith.constant 12 : i32
        %add3A_624 = arith.addi %mul3A_622, %add3A_623 : i32
        %get3A_625 = arith.index_cast %add3A_624 : i32 to index
        %get3A_626 = arith.constant 0 : index
        %get3A_627 = tpu.vector_load %arg18[%get3A_625, %get3A_626] {strides = array<i32>} : memref<256x128xf32, #tpu.memory_space<vmem>>, vector<16xf32>,
        %mul3A_628 = arith.mulf %mul3A_243, %get3A_627 : vector<16xf32>
        %get3A_629 = arith.index_cast %add3A_624 : i32 to index
        %get3A_630 = arith.constant 16 : index
        %get3A_631 = tpu.vector_load %arg18[%get3A_629, %get3A_630] {strides = array<i32>} : memref<256x128xf32, #tpu.memory_space<vmem>>, vector<16xf32>,
        %mul3A_632 = arith.mulf %mul3A_254, %get3A_631 : vector<16xf32>
        %add3A_633 = arith.addf %mul3A_628, %mul3A_632 : vector<16xf32>
        %get3A_634 = arith.index_cast %add3A_624 : i32 to index
        %get3A_635 = arith.constant 32 : index
        %get3A_636 = tpu.vector_load %arg18[%get3A_634, %get3A_635] {strides = array<i32>} : memref<256x128xf32, #tpu.memory_space<vmem>>, vector<16xf32>,
        %mul3A_637 = arith.mulf %mul3A_265, %get3A_636 : vector<16xf32>
        %add3A_638 = arith.addf %add3A_633, %mul3A_637 : vector<16xf32>
        %get3A_639 = arith.index_cast %add3A_624 : i32 to index
        %get3A_640 = arith.constant 48 : index
        %get3A_641 = tpu.vector_load %arg18[%get3A_639, %get3A_640] {strides = array<i32>} : memref<256x128xf32, #tpu.memory_space<vmem>>, vector<16xf32>,
        %mul3A_642 = arith.mulf %mul3A_276, %get3A_641 : vector<16xf32>
        %add3A_643 = arith.addf %add3A_638, %mul3A_642 : vector<16xf32>
        %reduce_sum3A_644 = arith.constant true
        %reduce_sum3A_645 = vector.broadcast %reduce_sum3A_644 : i1 to vector<16xi1>
        %reduce_sum3A_646 = tpu.scan <sum>, %add3A_643 masked %reduce_sum3A_645 : vector<16xf32>, vector<16xi1> -> vector<16xf32>
        %reduce_sum3A_647 = vector.extract %reduce_sum3A_646[15] : f32 from vector<16xf32>
        %broadcast_in_dim3A_648 = vector.broadcast %reduce_sum3A_647 : f32 to vector<16xf32>
        %select_n3A_649 = arith.select %eq3A_51, %broadcast_in_dim3A_648, %select_n3A_620 : vector<16xi1>, vector<16xf32>
        %mul3A_650 = arith.constant 16 : i32
        %mul3A_651 = arith.muli %scan3A_228, %mul3A_650 : i32
        %add3A_652 = arith.constant 13 : i32
        %add3A_653 = arith.addi %mul3A_651, %add3A_652 : i32
        %get3A_654 = arith.index_cast %add3A_653 : i32 to index
        %get3A_655 = arith.constant 0 : index
        %get3A_656 = tpu.vector_load %arg18[%get3A_654, %get3A_655] {strides = array<i32>} : memref<256x128xf32, #tpu.memory_space<vmem>>, vector<16xf32>,
        %mul3A_657 = arith.mulf %mul3A_243, %get3A_656 : vector<16xf32>
        %get3A_658 = arith.index_cast %add3A_653 : i32 to index
        %get3A_659 = arith.constant 16 : index
        %get3A_660 = tpu.vector_load %arg18[%get3A_658, %get3A_659] {strides = array<i32>} : memref<256x128xf32, #tpu.memory_space<vmem>>, vector<16xf32>,
        %mul3A_661 = arith.mulf %mul3A_254, %get3A_660 : vector<16xf32>
        %add3A_662 = arith.addf %mul3A_657, %mul3A_661 : vector<16xf32>
        %get3A_663 = arith.index_cast %add3A_653 : i32 to index
        %get3A_664 = arith.constant 32 : index
        %get3A_665 = tpu.vector_load %arg18[%get3A_663, %get3A_664] {strides = array<i32>} : memref<256x128xf32, #tpu.memory_space<vmem>>, vector<16xf32>,
        %mul3A_666 = arith.mulf %mul3A_265, %get3A_665 : vector<16xf32>
        %add3A_667 = arith.addf %add3A_662, %mul3A_666 : vector<16xf32>
        %get3A_668 = arith.index_cast %add3A_653 : i32 to index
        %get3A_669 = arith.constant 48 : index
        %get3A_670 = tpu.vector_load %arg18[%get3A_668, %get3A_669] {strides = array<i32>} : memref<256x128xf32, #tpu.memory_space<vmem>>, vector<16xf32>,
        %mul3A_671 = arith.mulf %mul3A_276, %get3A_670 : vector<16xf32>
        %add3A_672 = arith.addf %add3A_667, %mul3A_671 : vector<16xf32>
        %reduce_sum3A_673 = arith.constant true
        %reduce_sum3A_674 = vector.broadcast %reduce_sum3A_673 : i1 to vector<16xi1>
        %reduce_sum3A_675 = tpu.scan <sum>, %add3A_672 masked %reduce_sum3A_674 : vector<16xf32>, vector<16xi1> -> vector<16xf32>
        %reduce_sum3A_676 = vector.extract %reduce_sum3A_675[15] : f32 from vector<16xf32>
        %broadcast_in_dim3A_677 = vector.broadcast %reduce_sum3A_676 : f32 to vector<16xf32>
        %select_n3A_678 = arith.select %eq3A_54, %broadcast_in_dim3A_677, %select_n3A_649 : vector<16xi1>, vector<16xf32>
        %mul3A_679 = arith.constant 16 : i32
        %mul3A_680 = arith.muli %scan3A_228, %mul3A_679 : i32
        %add3A_681 = arith.constant 14 : i32
        %add3A_682 = arith.addi %mul3A_680, %add3A_681 : i32
        %get3A_683 = arith.index_cast %add3A_682 : i32 to index
        %get3A_684 = arith.constant 0 : index
        %get3A_685 = tpu.vector_load %arg18[%get3A_683, %get3A_684] {strides = array<i32>} : memref<256x128xf32, #tpu.memory_space<vmem>>, vector<16xf32>,
        %mul3A_686 = arith.mulf %mul3A_243, %get3A_685 : vector<16xf32>
        %get3A_687 = arith.index_cast %add3A_682 : i32 to index
        %get3A_688 = arith.constant 16 : index
        %get3A_689 = tpu.vector_load %arg18[%get3A_687, %get3A_688] {strides = array<i32>} : memref<256x128xf32, #tpu.memory_space<vmem>>, vector<16xf32>,
        %mul3A_690 = arith.mulf %mul3A_254, %get3A_689 : vector<16xf32>
        %add3A_691 = arith.addf %mul3A_686, %mul3A_690 : vector<16xf32>
        %get3A_692 = arith.index_cast %add3A_682 : i32 to index
        %get3A_693 = arith.constant 32 : index
        %get3A_694 = tpu.vector_load %arg18[%get3A_692, %get3A_693] {strides = array<i32>} : memref<256x128xf32, #tpu.memory_space<vmem>>, vector<16xf32>,
        %mul3A_695 = arith.mulf %mul3A_265, %get3A_694 : vector<16xf32>
        %add3A_696 = arith.addf %add3A_691, %mul3A_695 : vector<16xf32>
        %get3A_697 = arith.index_cast %add3A_682 : i32 to index
        %get3A_698 = arith.constant 48 : index
        %get3A_699 = tpu.vector_load %arg18[%get3A_697, %get3A_698] {strides = array<i32>} : memref<256x128xf32, #tpu.memory_space<vmem>>, vector<16xf32>,
        %mul3A_700 = arith.mulf %mul3A_276, %get3A_699 : vector<16xf32>
        %add3A_701 = arith.addf %add3A_696, %mul3A_700 : vector<16xf32>
        %reduce_sum3A_702 = arith.constant true
        %reduce_sum3A_703 = vector.broadcast %reduce_sum3A_702 : i1 to vector<16xi1>
        %reduce_sum3A_704 = tpu.scan <sum>, %add3A_701 masked %reduce_sum3A_703 : vector<16xf32>, vector<16xi1> -> vector<16xf32>
        %reduce_sum3A_705 = vector.extract %reduce_sum3A_704[15] : f32 from vector<16xf32>
        %broadcast_in_dim3A_706 = vector.broadcast %reduce_sum3A_705 : f32 to vector<16xf32>
        %select_n3A_707 = arith.select %eq3A_57, %broadcast_in_dim3A_706, %select_n3A_678 : vector<16xi1>, vector<16xf32>
        %mul3A_708 = arith.constant 16 : i32
        %mul3A_709 = arith.muli %scan3A_228, %mul3A_708 : i32
        %add3A_710 = arith.constant 15 : i32
        %add3A_711 = arith.addi %mul3A_709, %add3A_710 : i32
        %get3A_712 = arith.index_cast %add3A_711 : i32 to index
        %get3A_713 = arith.constant 0 : index
        %get3A_714 = tpu.vector_load %arg18[%get3A_712, %get3A_713] {strides = array<i32>} : memref<256x128xf32, #tpu.memory_space<vmem>>, vector<16xf32>,
        %mul3A_715 = arith.mulf %mul3A_243, %get3A_714 : vector<16xf32>
        %get3A_716 = arith.index_cast %add3A_711 : i32 to index
        %get3A_717 = arith.constant 16 : index
        %get3A_718 = tpu.vector_load %arg18[%get3A_716, %get3A_717] {strides = array<i32>} : memref<256x128xf32, #tpu.memory_space<vmem>>, vector<16xf32>,
        %mul3A_719 = arith.mulf %mul3A_254, %get3A_718 : vector<16xf32>
        %add3A_720 = arith.addf %mul3A_715, %mul3A_719 : vector<16xf32>
        %get3A_721 = arith.index_cast %add3A_711 : i32 to index
        %get3A_722 = arith.constant 32 : index
        %get3A_723 = tpu.vector_load %arg18[%get3A_721, %get3A_722] {strides = array<i32>} : memref<256x128xf32, #tpu.memory_space<vmem>>, vector<16xf32>,
        %mul3A_724 = arith.mulf %mul3A_265, %get3A_723 : vector<16xf32>
        %add3A_725 = arith.addf %add3A_720, %mul3A_724 : vector<16xf32>
        %get3A_726 = arith.index_cast %add3A_711 : i32 to index
        %get3A_727 = arith.constant 48 : index
        %get3A_728 = tpu.vector_load %arg18[%get3A_726, %get3A_727] {strides = array<i32>} : memref<256x128xf32, #tpu.memory_space<vmem>>, vector<16xf32>,
        %mul3A_729 = arith.mulf %mul3A_276, %get3A_728 : vector<16xf32>
        %add3A_730 = arith.addf %add3A_725, %mul3A_729 : vector<16xf32>
        %reduce_sum3A_731 = arith.constant true
        %reduce_sum3A_732 = vector.broadcast %reduce_sum3A_731 : i1 to vector<16xi1>
        %reduce_sum3A_733 = tpu.scan <sum>, %add3A_730 masked %reduce_sum3A_732 : vector<16xf32>, vector<16xi1> -> vector<16xf32>
        %reduce_sum3A_734 = vector.extract %reduce_sum3A_733[15] : f32 from vector<16xf32>
        %broadcast_in_dim3A_735 = vector.broadcast %reduce_sum3A_734 : f32 to vector<16xf32>
        %select_n3A_736 = arith.select %eq3A_60, %broadcast_in_dim3A_735, %select_n3A_707 : vector<16xi1>, vector<16xf32>
        %mul3A_737 = arith.constant 16 : i32
        %mul3A_738 = arith.muli %add3A_229, %mul3A_737 : i32
        %shift_right_arithmetic3A_739 = arith.constant 7 : i32
        %shift_right_arithmetic3A_740 = arith.shrsi %mul3A_738, %shift_right_arithmetic3A_739 : i32
        %and3A_741 = arith.constant 127 : i32
        %and3A_742 = arith.andi %mul3A_738, %and3A_741 : i32
        %multiple_of3A_743 = tpu.assume_multiple %and3A_742, 16 : i32
        %swap3A = arith.index_cast %shift_right_arithmetic3A_740 : i32 to index
        %swap3A_744 = arith.index_cast %multiple_of3A_743 : i32 to index
        %swap3A_745 = tpu.vector_load %arg23[%swap3A, %swap3A_744] {strides = array<i32>} : memref<64x128xf32, #tpu.memory_space<vmem>>, vector<16xf32>,
        tpu.vector_store %arg23[%swap3A, %swap3A_744], %select_n3A_736 {strides = array<i32>} : memref<64x128xf32, #tpu.memory_space<vmem>>, vector<16xf32>,
      }
      %scan3A_188 = arith.constant 16 : i32
      %add3A_189 = arith.constant 2 : i32
      %add3A_190 = arith.addi %multiple_of3A_107, %add3A_189 : i32
      %lt3A = arith.constant 32 : i32
      %lt3A_191 = arith.cmpi slt, %add3A_190, %lt3A : i32
      %convert_element_type3A = arith.extui %lt3A_191 : i1 to i32
      %cond3A = arith.constant 0 : i32
      %cond3A_192 = arith.cmpi ne, %convert_element_type3A, %cond3A : i32
      scf.if %cond3A_192 {
        %add3A_228 = arith.constant 2 : i32
        %add3A_229 = arith.addi %multiple_of3A_107, %add3A_228 : i32
        %mul3A_230 = arith.constant 16 : i32
        %mul3A_231 = arith.muli %add3A_229, %mul3A_230 : i32
        %multiple_of3A_232 = tpu.assume_multiple %mul3A_231, 16 : i32
        %dma_start3A_233 = tpu.memref_slice %arg12[%multiple_of3A_232] : memref<512xi32, #tpu.memory_space<vmem>> -> memref<16xi32, #tpu.memory_space<vmem>>
        %dma_start3A_234 = arith.constant 0 : i32
        %dma_start3A_235 = arith.constant 0 : i32
        %dma_start3A_236 = tpu.memref_slice %arg6[%dma_start3A_234, %dma_start3A_235] : memref<1000000x128xf32, #tpu.memory_space<hbm>> -> memref<1000000x128xf32, #tpu.memory_space<hbm>>
        tpu.enqueue_indirect_dma source(%dma_start3A_236 : memref<1000000x128xf32, #tpu.memory_space<hbm>>) target(%arg15 : memref<16x128xf32, #tpu.memory_space<vmem>>) offsets(%dma_start3A_233 : memref<16xi32, #tpu.memory_space<vmem>>) semaphore(%arg24 : memref<!tpu.dma_semaphore, #tpu.memory_space<semaphore_mem>>)
        %dma_start3A_237 = tpu.memref_slice %arg13[%multiple_of3A_232] : memref<512xi32, #tpu.memory_space<vmem>> -> memref<16xi32, #tpu.memory_space<vmem>>
        %dma_start3A_238 = arith.constant 0 : i32
        %dma_start3A_239 = arith.constant 0 : i32
        %dma_start3A_240 = tpu.memref_slice %arg7[%dma_start3A_238, %dma_start3A_239] : memref<1000000x128xf32, #tpu.memory_space<hbm>> -> memref<1000000x128xf32, #tpu.memory_space<hbm>>
        tpu.enqueue_indirect_dma source(%dma_start3A_240 : memref<1000000x128xf32, #tpu.memory_space<hbm>>) target(%arg16 : memref<16x128xf32, #tpu.memory_space<vmem>>) offsets(%dma_start3A_237 : memref<16xi32, #tpu.memory_space<vmem>>) semaphore(%arg24 : memref<!tpu.dma_semaphore, #tpu.memory_space<semaphore_mem>>)
        %mul3A_241 = arith.constant 16 : i32
        %mul3A_242 = arith.muli %multiple_of3A_232, %mul3A_241 : i32
        %dma_start3A_243 = tpu.memref_slice %arg14[%mul3A_242] : memref<8192xi32, #tpu.memory_space<vmem>> -> memref<256xi32, #tpu.memory_space<vmem>>
        %dma_start3A_244 = arith.constant 0 : i32
        %dma_start3A_245 = arith.constant 0 : i32
        %dma_start3A_246 = tpu.memref_slice %arg7[%dma_start3A_244, %dma_start3A_245] : memref<1000000x128xf32, #tpu.memory_space<hbm>> -> memref<1000000x128xf32, #tpu.memory_space<hbm>>
        tpu.enqueue_indirect_dma source(%dma_start3A_246 : memref<1000000x128xf32, #tpu.memory_space<hbm>>) target(%arg18 : memref<256x128xf32, #tpu.memory_space<vmem>>) offsets(%dma_start3A_243 : memref<256xi32, #tpu.memory_space<vmem>>) semaphore(%arg24 : memref<!tpu.dma_semaphore, #tpu.memory_space<semaphore_mem>>)
        %add3A_247 = arith.addi %multiple_of3A, %multiple_of3A_232 : i32
        %jit3A_248 = arith.constant 2 : i32
        %div3A_249 = arith.divsi %add3A_247, %jit3A_248 : i32
        %sign3A_250 = arith.constant 0 : i32
        %sign3A_251 = arith.cmpi sgt, %add3A_247, %sign3A_250 : i32
        %sign3A_252 = arith.extui %sign3A_251 : i1 to i32
        %sign3A_253 = arith.constant 0 : i32
        %sign3A_254 = arith.cmpi slt, %add3A_247, %sign3A_253 : i32
        %sign3A_255 = arith.extui %sign3A_254 : i1 to i32
        %sign3A_256 = arith.subi %sign3A_252, %sign3A_255 : i32
        %sign3A_257 = arith.constant 0 : i32
        %sign3A_258 = arith.cmpi sgt, %jit3A_248, %sign3A_257 : i32
        %sign3A_259 = arith.extui %sign3A_258 : i1 to i32
        %sign3A_260 = arith.constant 0 : i32
        %sign3A_261 = arith.cmpi slt, %jit3A_248, %sign3A_260 : i32
        %sign3A_262 = arith.extui %sign3A_261 : i1 to i32
        %sign3A_263 = arith.subi %sign3A_259, %sign3A_262 : i32
        %ne3A_264 = arith.cmpi ne, %sign3A_256, %sign3A_263 : i32
        %rem3A_265 = arith.remsi %add3A_247, %jit3A_248 : i32
        %ne3A_266 = arith.constant 0 : i32
        %ne3A_267 = arith.cmpi ne, %rem3A_265, %ne3A_266 : i32
        %and3A_268 = arith.andi %ne3A_264, %ne3A_267 : i1
        %sub3A_269 = arith.constant 1 : i32
        %sub3A_270 = arith.subi %div3A_249, %sub3A_269 : i32
        %select_n3A_271 = arith.select %and3A_268, %sub3A_270, %div3A_249 : i32
        %multiple_of3A_272 = tpu.assume_multiple %select_n3A_271, 8 : i32
        %dma_start3A_273 = arith.constant 0 : i32
        %dma_start3A_274 = tpu.memref_slice %arg5[%multiple_of3A_272, %dma_start3A_273] : memref<8192x128xf32, #tpu.memory_space<hbm>> -> memref<8x128xf32, #tpu.memory_space<hbm>>
        %dma_start3A_275 = arith.constant 0 : i32
        %dma_start3A_276 = tpu.memref_slice %arg5[%multiple_of3A_272, %dma_start3A_275] : memref<8192x128xf32, #tpu.memory_space<hbm>> -> memref<8x128xf32, #tpu.memory_space<hbm>>
        tpu.enqueue_dma source(%dma_start3A_276 : memref<8x128xf32, #tpu.memory_space<hbm>>) target(%arg17 : memref<8x128xf32, #tpu.memory_space<vmem>>) target_semaphore(%arg24 : memref<!tpu.dma_semaphore, #tpu.memory_space<semaphore_mem>>)
      } else {
      }
      %dma_wait3A_193 = arith.constant 0 : i32
      %dma_wait3A_194 = arith.constant 0 : i32
      %dma_wait3A_195 = tpu.memref_slice %arg6[%dma_wait3A_193, %dma_wait3A_194] : memref<1000000x128xf32, #tpu.memory_space<hbm>> -> memref<16x128xf32, #tpu.memory_space<hbm>>
      %dma_wait3A_196 = arith.constant 0 : i32
      %dma_wait3A_197 = arith.constant 0 : i32
      %dma_wait3A_198 = tpu.memref_slice %arg6[%dma_wait3A_196, %dma_wait3A_197] : memref<1000000x128xf32, #tpu.memory_space<hbm>> -> memref<16x128xf32, #tpu.memory_space<hbm>>
      tpu.wait_dma2 semaphore(%arg25 : memref<!tpu.dma_semaphore, #tpu.memory_space<semaphore_mem>>) src(%dma_wait3A_198 : memref<16x128xf32, #tpu.memory_space<hbm>>) dst(%arg19 : memref<16x128xf32, #tpu.memory_space<vmem>>)
      %dma_wait3A_199 = arith.constant 0 : i32
      %dma_wait3A_200 = arith.constant 0 : i32
      %dma_wait3A_201 = tpu.memref_slice %arg7[%dma_wait3A_199, %dma_wait3A_200] : memref<1000000x128xf32, #tpu.memory_space<hbm>> -> memref<16x128xf32, #tpu.memory_space<hbm>>
      %dma_wait3A_202 = arith.constant 0 : i32
      %dma_wait3A_203 = arith.constant 0 : i32
      %dma_wait3A_204 = tpu.memref_slice %arg7[%dma_wait3A_202, %dma_wait3A_203] : memref<1000000x128xf32, #tpu.memory_space<hbm>> -> memref<16x128xf32, #tpu.memory_space<hbm>>
      tpu.wait_dma2 semaphore(%arg25 : memref<!tpu.dma_semaphore, #tpu.memory_space<semaphore_mem>>) src(%dma_wait3A_204 : memref<16x128xf32, #tpu.memory_space<hbm>>) dst(%arg20 : memref<16x128xf32, #tpu.memory_space<vmem>>)
      %dma_wait3A_205 = arith.constant 0 : i32
      %dma_wait3A_206 = arith.constant 0 : i32
      %dma_wait3A_207 = tpu.memref_slice %arg7[%dma_wait3A_205, %dma_wait3A_206] : memref<1000000x128xf32, #tpu.memory_space<hbm>> -> memref<256x128xf32, #tpu.memory_space<hbm>>
      %dma_wait3A_208 = arith.constant 0 : i32
      %dma_wait3A_209 = arith.constant 0 : i32
      %dma_wait3A_210 = tpu.memref_slice %arg7[%dma_wait3A_208, %dma_wait3A_209] : memref<1000000x128xf32, #tpu.memory_space<hbm>> -> memref<256x128xf32, #tpu.memory_space<hbm>>
      tpu.wait_dma2 semaphore(%arg25 : memref<!tpu.dma_semaphore, #tpu.memory_space<semaphore_mem>>) src(%dma_wait3A_210 : memref<256x128xf32, #tpu.memory_space<hbm>>) dst(%arg22 : memref<256x128xf32, #tpu.memory_space<vmem>>)
      %dma_wait3A_211 = arith.constant 0 : i32
      %dma_wait3A_212 = arith.constant 0 : i32
      %dma_wait3A_213 = tpu.memref_slice %arg5[%dma_wait3A_211, %dma_wait3A_212] : memref<8192x128xf32, #tpu.memory_space<hbm>> -> memref<8x128xf32, #tpu.memory_space<hbm>>
      %dma_wait3A_214 = arith.constant 0 : i32
      %dma_wait3A_215 = arith.constant 0 : i32
      %dma_wait3A_216 = tpu.memref_slice %arg5[%dma_wait3A_214, %dma_wait3A_215] : memref<8192x128xf32, #tpu.memory_space<hbm>> -> memref<8x128xf32, #tpu.memory_space<hbm>>
      tpu.wait_dma2 semaphore(%arg25 : memref<!tpu.dma_semaphore, #tpu.memory_space<semaphore_mem>>) src(%dma_wait3A_216 : memref<8x128xf32, #tpu.memory_space<hbm>>) dst(%arg21 : memref<8x128xf32, #tpu.memory_space<vmem>>)
      %add3A_217 = arith.constant 1 : i32
      %add3A_218 = arith.addi %multiple_of3A_107, %add3A_217 : i32
      %mul3A_219 = arith.constant 16 : i32
      %mul3A_220 = arith.muli %add3A_218, %mul3A_219 : i32
      %multiple_of3A_221 = tpu.assume_multiple %mul3A_220, 16 : i32
      %scan3A_222 = arith.constant 0 : i32
      %scan3A_223 = arith.constant 0 : i32
      %scan3A_224 = arith.constant 16 : i32
      %scan3A_225 = arith.addi %scan3A_223, %scan3A_224 : i32
      %scan3A_226 = arith.constant 1 : i32
      scf.for %scan3A_228 = %scan3A_223 to %scan3A_225 step %scan3A_226  : i32 {
        %add3A_229 = arith.addi %multiple_of3A_221, %scan3A_228 : i32
        %and3A_230 = arith.constant 1 : i32
        %and3A_231 = arith.andi %scan3A_228, %and3A_230 : i32
        %mul3A_232 = arith.constant 64 : i32
        %mul3A_233 = arith.muli %and3A_231, %mul3A_232 : i32
        %multiple_of3A_234 = tpu.assume_multiple %mul3A_233, 64 : i32
        %get3A = arith.index_cast %scan3A_228 : i32 to index
        %get3A_235 = arith.constant 0 : index
        %get3A_236 = tpu.vector_load %arg19[%get3A, %get3A_235] {strides = array<i32>} : memref<16x128xf32, #tpu.memory_space<vmem>>, vector<16xf32>,
        %shift_right_arithmetic3A = arith.constant 1 : i32
        %shift_right_arithmetic3A_237 = arith.shrsi %scan3A_228, %shift_right_arithmetic3A : i32
        %add3A_238 = arith.constant 0 : i32
        %add3A_239 = arith.addi %multiple_of3A_234, %add3A_238 : i32
        %get3A_240 = arith.index_cast %shift_right_arithmetic3A_237 : i32 to index
        %get3A_241 = arith.index_cast %add3A_239 : i32 to index
        %get3A_242 = tpu.vector_load %arg21[%get3A_240, %get3A_241] {strides = array<i32>} : memref<8x128xf32, #tpu.memory_space<vmem>>, vector<16xf32>,
        %mul3A_243 = arith.mulf %get3A_236, %get3A_242 : vector<16xf32>
        %get3A_244 = arith.index_cast %scan3A_228 : i32 to index
        %get3A_245 = arith.constant 16 : index
        %get3A_246 = tpu.vector_load %arg19[%get3A_244, %get3A_245] {strides = array<i32>} : memref<16x128xf32, #tpu.memory_space<vmem>>, vector<16xf32>,
        %shift_right_arithmetic3A_247 = arith.constant 1 : i32
        %shift_right_arithmetic3A_248 = arith.shrsi %scan3A_228, %shift_right_arithmetic3A_247 : i32
        %add3A_249 = arith.constant 16 : i32
        %add3A_250 = arith.addi %multiple_of3A_234, %add3A_249 : i32
        %get3A_251 = arith.index_cast %shift_right_arithmetic3A_248 : i32 to index
        %get3A_252 = arith.index_cast %add3A_250 : i32 to index
        %get3A_253 = tpu.vector_load %arg21[%get3A_251, %get3A_252] {strides = array<i32>} : memref<8x128xf32, #tpu.memory_space<vmem>>, vector<16xf32>,
        %mul3A_254 = arith.mulf %get3A_246, %get3A_253 : vector<16xf32>
        %get3A_255 = arith.index_cast %scan3A_228 : i32 to index
        %get3A_256 = arith.constant 32 : index
        %get3A_257 = tpu.vector_load %arg19[%get3A_255, %get3A_256] {strides = array<i32>} : memref<16x128xf32, #tpu.memory_space<vmem>>, vector<16xf32>,
        %shift_right_arithmetic3A_258 = arith.constant 1 : i32
        %shift_right_arithmetic3A_259 = arith.shrsi %scan3A_228, %shift_right_arithmetic3A_258 : i32
        %add3A_260 = arith.constant 32 : i32
        %add3A_261 = arith.addi %multiple_of3A_234, %add3A_260 : i32
        %get3A_262 = arith.index_cast %shift_right_arithmetic3A_259 : i32 to index
        %get3A_263 = arith.index_cast %add3A_261 : i32 to index
        %get3A_264 = tpu.vector_load %arg21[%get3A_262, %get3A_263] {strides = array<i32>} : memref<8x128xf32, #tpu.memory_space<vmem>>, vector<16xf32>,
        %mul3A_265 = arith.mulf %get3A_257, %get3A_264 : vector<16xf32>
        %get3A_266 = arith.index_cast %scan3A_228 : i32 to index
        %get3A_267 = arith.constant 48 : index
        %get3A_268 = tpu.vector_load %arg19[%get3A_266, %get3A_267] {strides = array<i32>} : memref<16x128xf32, #tpu.memory_space<vmem>>, vector<16xf32>,
        %shift_right_arithmetic3A_269 = arith.constant 1 : i32
        %shift_right_arithmetic3A_270 = arith.shrsi %scan3A_228, %shift_right_arithmetic3A_269 : i32
        %add3A_271 = arith.constant 48 : i32
        %add3A_272 = arith.addi %multiple_of3A_234, %add3A_271 : i32
        %get3A_273 = arith.index_cast %shift_right_arithmetic3A_270 : i32 to index
        %get3A_274 = arith.index_cast %add3A_272 : i32 to index
        %get3A_275 = tpu.vector_load %arg21[%get3A_273, %get3A_274] {strides = array<i32>} : memref<8x128xf32, #tpu.memory_space<vmem>>, vector<16xf32>,
        %mul3A_276 = arith.mulf %get3A_268, %get3A_275 : vector<16xf32>
        %get3A_277 = arith.index_cast %scan3A_228 : i32 to index
        %get3A_278 = arith.constant 0 : index
        %get3A_279 = tpu.vector_load %arg20[%get3A_277, %get3A_278] {strides = array<i32>} : memref<16x128xf32, #tpu.memory_space<vmem>>, vector<16xf32>,
        %mul3A_280 = arith.mulf %mul3A_243, %get3A_279 : vector<16xf32>
        %get3A_281 = arith.index_cast %scan3A_228 : i32 to index
        %get3A_282 = arith.constant 16 : index
        %get3A_283 = tpu.vector_load %arg20[%get3A_281, %get3A_282] {strides = array<i32>} : memref<16x128xf32, #tpu.memory_space<vmem>>, vector<16xf32>,
        %mul3A_284 = arith.mulf %mul3A_254, %get3A_283 : vector<16xf32>
        %add3A_285 = arith.addf %mul3A_280, %mul3A_284 : vector<16xf32>
        %get3A_286 = arith.index_cast %scan3A_228 : i32 to index
        %get3A_287 = arith.constant 32 : index
        %get3A_288 = tpu.vector_load %arg20[%get3A_286, %get3A_287] {strides = array<i32>} : memref<16x128xf32, #tpu.memory_space<vmem>>, vector<16xf32>,
        %mul3A_289 = arith.mulf %mul3A_265, %get3A_288 : vector<16xf32>
        %add3A_290 = arith.addf %add3A_285, %mul3A_289 : vector<16xf32>
        %get3A_291 = arith.index_cast %scan3A_228 : i32 to index
        %get3A_292 = arith.constant 48 : index
        %get3A_293 = tpu.vector_load %arg20[%get3A_291, %get3A_292] {strides = array<i32>} : memref<16x128xf32, #tpu.memory_space<vmem>>, vector<16xf32>,
        %mul3A_294 = arith.mulf %mul3A_276, %get3A_293 : vector<16xf32>
        %add3A_295 = arith.addf %add3A_290, %mul3A_294 : vector<16xf32>
        %reduce_sum3A = arith.constant true
        %reduce_sum3A_296 = vector.broadcast %reduce_sum3A : i1 to vector<16xi1>
        %reduce_sum3A_297 = tpu.scan <sum>, %add3A_295 masked %reduce_sum3A_296 : vector<16xf32>, vector<16xi1> -> vector<16xf32>
        %reduce_sum3A_298 = vector.extract %reduce_sum3A_297[15] : f32 from vector<16xf32>
        %jit3A_299 = arith.constant 0.000000e+00 : f32
        %broadcast_in_dim3A = vector.broadcast %reduce_sum3A_298 : f32 to vector<16xf32>
        %broadcast_in_dim3A_300 = vector.broadcast %jit3A_299 : f32 to vector<16xf32>
        %select_n3A_301 = arith.select %eq3A_15, %broadcast_in_dim3A, %broadcast_in_dim3A_300 : vector<16xi1>, vector<16xf32>
        %mul3A_302 = arith.constant 16 : i32
        %mul3A_303 = arith.muli %scan3A_228, %mul3A_302 : i32
        %add3A_304 = arith.constant 1 : i32
        %add3A_305 = arith.addi %mul3A_303, %add3A_304 : i32
        %get3A_306 = arith.index_cast %add3A_305 : i32 to index
        %get3A_307 = arith.constant 0 : index
        %get3A_308 = tpu.vector_load %arg22[%get3A_306, %get3A_307] {strides = array<i32>} : memref<256x128xf32, #tpu.memory_space<vmem>>, vector<16xf32>,
        %mul3A_309 = arith.mulf %mul3A_243, %get3A_308 : vector<16xf32>
        %get3A_310 = arith.index_cast %add3A_305 : i32 to index
        %get3A_311 = arith.constant 16 : index
        %get3A_312 = tpu.vector_load %arg22[%get3A_310, %get3A_311] {strides = array<i32>} : memref<256x128xf32, #tpu.memory_space<vmem>>, vector<16xf32>,
        %mul3A_313 = arith.mulf %mul3A_254, %get3A_312 : vector<16xf32>
        %add3A_314 = arith.addf %mul3A_309, %mul3A_313 : vector<16xf32>
        %get3A_315 = arith.index_cast %add3A_305 : i32 to index
        %get3A_316 = arith.constant 32 : index
        %get3A_317 = tpu.vector_load %arg22[%get3A_315, %get3A_316] {strides = array<i32>} : memref<256x128xf32, #tpu.memory_space<vmem>>, vector<16xf32>,
        %mul3A_318 = arith.mulf %mul3A_265, %get3A_317 : vector<16xf32>
        %add3A_319 = arith.addf %add3A_314, %mul3A_318 : vector<16xf32>
        %get3A_320 = arith.index_cast %add3A_305 : i32 to index
        %get3A_321 = arith.constant 48 : index
        %get3A_322 = tpu.vector_load %arg22[%get3A_320, %get3A_321] {strides = array<i32>} : memref<256x128xf32, #tpu.memory_space<vmem>>, vector<16xf32>,
        %mul3A_323 = arith.mulf %mul3A_276, %get3A_322 : vector<16xf32>
        %add3A_324 = arith.addf %add3A_319, %mul3A_323 : vector<16xf32>
        %reduce_sum3A_325 = arith.constant true
        %reduce_sum3A_326 = vector.broadcast %reduce_sum3A_325 : i1 to vector<16xi1>
        %reduce_sum3A_327 = tpu.scan <sum>, %add3A_324 masked %reduce_sum3A_326 : vector<16xf32>, vector<16xi1> -> vector<16xf32>
        %reduce_sum3A_328 = vector.extract %reduce_sum3A_327[15] : f32 from vector<16xf32>
        %broadcast_in_dim3A_329 = vector.broadcast %reduce_sum3A_328 : f32 to vector<16xf32>
        %select_n3A_330 = arith.select %eq3A_18, %broadcast_in_dim3A_329, %select_n3A_301 : vector<16xi1>, vector<16xf32>
        %mul3A_331 = arith.constant 16 : i32
        %mul3A_332 = arith.muli %scan3A_228, %mul3A_331 : i32
        %add3A_333 = arith.constant 2 : i32
        %add3A_334 = arith.addi %mul3A_332, %add3A_333 : i32
        %get3A_335 = arith.index_cast %add3A_334 : i32 to index
        %get3A_336 = arith.constant 0 : index
        %get3A_337 = tpu.vector_load %arg22[%get3A_335, %get3A_336] {strides = array<i32>} : memref<256x128xf32, #tpu.memory_space<vmem>>, vector<16xf32>,
        %mul3A_338 = arith.mulf %mul3A_243, %get3A_337 : vector<16xf32>
        %get3A_339 = arith.index_cast %add3A_334 : i32 to index
        %get3A_340 = arith.constant 16 : index
        %get3A_341 = tpu.vector_load %arg22[%get3A_339, %get3A_340] {strides = array<i32>} : memref<256x128xf32, #tpu.memory_space<vmem>>, vector<16xf32>,
        %mul3A_342 = arith.mulf %mul3A_254, %get3A_341 : vector<16xf32>
        %add3A_343 = arith.addf %mul3A_338, %mul3A_342 : vector<16xf32>
        %get3A_344 = arith.index_cast %add3A_334 : i32 to index
        %get3A_345 = arith.constant 32 : index
        %get3A_346 = tpu.vector_load %arg22[%get3A_344, %get3A_345] {strides = array<i32>} : memref<256x128xf32, #tpu.memory_space<vmem>>, vector<16xf32>,
        %mul3A_347 = arith.mulf %mul3A_265, %get3A_346 : vector<16xf32>
        %add3A_348 = arith.addf %add3A_343, %mul3A_347 : vector<16xf32>
        %get3A_349 = arith.index_cast %add3A_334 : i32 to index
        %get3A_350 = arith.constant 48 : index
        %get3A_351 = tpu.vector_load %arg22[%get3A_349, %get3A_350] {strides = array<i32>} : memref<256x128xf32, #tpu.memory_space<vmem>>, vector<16xf32>,
        %mul3A_352 = arith.mulf %mul3A_276, %get3A_351 : vector<16xf32>
        %add3A_353 = arith.addf %add3A_348, %mul3A_352 : vector<16xf32>
        %reduce_sum3A_354 = arith.constant true
        %reduce_sum3A_355 = vector.broadcast %reduce_sum3A_354 : i1 to vector<16xi1>
        %reduce_sum3A_356 = tpu.scan <sum>, %add3A_353 masked %reduce_sum3A_355 : vector<16xf32>, vector<16xi1> -> vector<16xf32>
        %reduce_sum3A_357 = vector.extract %reduce_sum3A_356[15] : f32 from vector<16xf32>
        %broadcast_in_dim3A_358 = vector.broadcast %reduce_sum3A_357 : f32 to vector<16xf32>
        %select_n3A_359 = arith.select %eq3A_21, %broadcast_in_dim3A_358, %select_n3A_330 : vector<16xi1>, vector<16xf32>
        %mul3A_360 = arith.constant 16 : i32
        %mul3A_361 = arith.muli %scan3A_228, %mul3A_360 : i32
        %add3A_362 = arith.constant 3 : i32
        %add3A_363 = arith.addi %mul3A_361, %add3A_362 : i32
        %get3A_364 = arith.index_cast %add3A_363 : i32 to index
        %get3A_365 = arith.constant 0 : index
        %get3A_366 = tpu.vector_load %arg22[%get3A_364, %get3A_365] {strides = array<i32>} : memref<256x128xf32, #tpu.memory_space<vmem>>, vector<16xf32>,
        %mul3A_367 = arith.mulf %mul3A_243, %get3A_366 : vector<16xf32>
        %get3A_368 = arith.index_cast %add3A_363 : i32 to index
        %get3A_369 = arith.constant 16 : index
        %get3A_370 = tpu.vector_load %arg22[%get3A_368, %get3A_369] {strides = array<i32>} : memref<256x128xf32, #tpu.memory_space<vmem>>, vector<16xf32>,
        %mul3A_371 = arith.mulf %mul3A_254, %get3A_370 : vector<16xf32>
        %add3A_372 = arith.addf %mul3A_367, %mul3A_371 : vector<16xf32>
        %get3A_373 = arith.index_cast %add3A_363 : i32 to index
        %get3A_374 = arith.constant 32 : index
        %get3A_375 = tpu.vector_load %arg22[%get3A_373, %get3A_374] {strides = array<i32>} : memref<256x128xf32, #tpu.memory_space<vmem>>, vector<16xf32>,
        %mul3A_376 = arith.mulf %mul3A_265, %get3A_375 : vector<16xf32>
        %add3A_377 = arith.addf %add3A_372, %mul3A_376 : vector<16xf32>
        %get3A_378 = arith.index_cast %add3A_363 : i32 to index
        %get3A_379 = arith.constant 48 : index
        %get3A_380 = tpu.vector_load %arg22[%get3A_378, %get3A_379] {strides = array<i32>} : memref<256x128xf32, #tpu.memory_space<vmem>>, vector<16xf32>,
        %mul3A_381 = arith.mulf %mul3A_276, %get3A_380 : vector<16xf32>
        %add3A_382 = arith.addf %add3A_377, %mul3A_381 : vector<16xf32>
        %reduce_sum3A_383 = arith.constant true
        %reduce_sum3A_384 = vector.broadcast %reduce_sum3A_383 : i1 to vector<16xi1>
        %reduce_sum3A_385 = tpu.scan <sum>, %add3A_382 masked %reduce_sum3A_384 : vector<16xf32>, vector<16xi1> -> vector<16xf32>
        %reduce_sum3A_386 = vector.extract %reduce_sum3A_385[15] : f32 from vector<16xf32>
        %broadcast_in_dim3A_387 = vector.broadcast %reduce_sum3A_386 : f32 to vector<16xf32>
        %select_n3A_388 = arith.select %eq3A_24, %broadcast_in_dim3A_387, %select_n3A_359 : vector<16xi1>, vector<16xf32>
        %mul3A_389 = arith.constant 16 : i32
        %mul3A_390 = arith.muli %scan3A_228, %mul3A_389 : i32
        %add3A_391 = arith.constant 4 : i32
        %add3A_392 = arith.addi %mul3A_390, %add3A_391 : i32
        %get3A_393 = arith.index_cast %add3A_392 : i32 to index
        %get3A_394 = arith.constant 0 : index
        %get3A_395 = tpu.vector_load %arg22[%get3A_393, %get3A_394] {strides = array<i32>} : memref<256x128xf32, #tpu.memory_space<vmem>>, vector<16xf32>,
        %mul3A_396 = arith.mulf %mul3A_243, %get3A_395 : vector<16xf32>
        %get3A_397 = arith.index_cast %add3A_392 : i32 to index
        %get3A_398 = arith.constant 16 : index
        %get3A_399 = tpu.vector_load %arg22[%get3A_397, %get3A_398] {strides = array<i32>} : memref<256x128xf32, #tpu.memory_space<vmem>>, vector<16xf32>,
        %mul3A_400 = arith.mulf %mul3A_254, %get3A_399 : vector<16xf32>
        %add3A_401 = arith.addf %mul3A_396, %mul3A_400 : vector<16xf32>
        %get3A_402 = arith.index_cast %add3A_392 : i32 to index
        %get3A_403 = arith.constant 32 : index
        %get3A_404 = tpu.vector_load %arg22[%get3A_402, %get3A_403] {strides = array<i32>} : memref<256x128xf32, #tpu.memory_space<vmem>>, vector<16xf32>,
        %mul3A_405 = arith.mulf %mul3A_265, %get3A_404 : vector<16xf32>
        %add3A_406 = arith.addf %add3A_401, %mul3A_405 : vector<16xf32>
        %get3A_407 = arith.index_cast %add3A_392 : i32 to index
        %get3A_408 = arith.constant 48 : index
        %get3A_409 = tpu.vector_load %arg22[%get3A_407, %get3A_408] {strides = array<i32>} : memref<256x128xf32, #tpu.memory_space<vmem>>, vector<16xf32>,
        %mul3A_410 = arith.mulf %mul3A_276, %get3A_409 : vector<16xf32>
        %add3A_411 = arith.addf %add3A_406, %mul3A_410 : vector<16xf32>
        %reduce_sum3A_412 = arith.constant true
        %reduce_sum3A_413 = vector.broadcast %reduce_sum3A_412 : i1 to vector<16xi1>
        %reduce_sum3A_414 = tpu.scan <sum>, %add3A_411 masked %reduce_sum3A_413 : vector<16xf32>, vector<16xi1> -> vector<16xf32>
        %reduce_sum3A_415 = vector.extract %reduce_sum3A_414[15] : f32 from vector<16xf32>
        %broadcast_in_dim3A_416 = vector.broadcast %reduce_sum3A_415 : f32 to vector<16xf32>
        %select_n3A_417 = arith.select %eq3A_27, %broadcast_in_dim3A_416, %select_n3A_388 : vector<16xi1>, vector<16xf32>
        %mul3A_418 = arith.constant 16 : i32
        %mul3A_419 = arith.muli %scan3A_228, %mul3A_418 : i32
        %add3A_420 = arith.constant 5 : i32
        %add3A_421 = arith.addi %mul3A_419, %add3A_420 : i32
        %get3A_422 = arith.index_cast %add3A_421 : i32 to index
        %get3A_423 = arith.constant 0 : index
        %get3A_424 = tpu.vector_load %arg22[%get3A_422, %get3A_423] {strides = array<i32>} : memref<256x128xf32, #tpu.memory_space<vmem>>, vector<16xf32>,
        %mul3A_425 = arith.mulf %mul3A_243, %get3A_424 : vector<16xf32>
        %get3A_426 = arith.index_cast %add3A_421 : i32 to index
        %get3A_427 = arith.constant 16 : index
        %get3A_428 = tpu.vector_load %arg22[%get3A_426, %get3A_427] {strides = array<i32>} : memref<256x128xf32, #tpu.memory_space<vmem>>, vector<16xf32>,
        %mul3A_429 = arith.mulf %mul3A_254, %get3A_428 : vector<16xf32>
        %add3A_430 = arith.addf %mul3A_425, %mul3A_429 : vector<16xf32>
        %get3A_431 = arith.index_cast %add3A_421 : i32 to index
        %get3A_432 = arith.constant 32 : index
        %get3A_433 = tpu.vector_load %arg22[%get3A_431, %get3A_432] {strides = array<i32>} : memref<256x128xf32, #tpu.memory_space<vmem>>, vector<16xf32>,
        %mul3A_434 = arith.mulf %mul3A_265, %get3A_433 : vector<16xf32>
        %add3A_435 = arith.addf %add3A_430, %mul3A_434 : vector<16xf32>
        %get3A_436 = arith.index_cast %add3A_421 : i32 to index
        %get3A_437 = arith.constant 48 : index
        %get3A_438 = tpu.vector_load %arg22[%get3A_436, %get3A_437] {strides = array<i32>} : memref<256x128xf32, #tpu.memory_space<vmem>>, vector<16xf32>,
        %mul3A_439 = arith.mulf %mul3A_276, %get3A_438 : vector<16xf32>
        %add3A_440 = arith.addf %add3A_435, %mul3A_439 : vector<16xf32>
        %reduce_sum3A_441 = arith.constant true
        %reduce_sum3A_442 = vector.broadcast %reduce_sum3A_441 : i1 to vector<16xi1>
        %reduce_sum3A_443 = tpu.scan <sum>, %add3A_440 masked %reduce_sum3A_442 : vector<16xf32>, vector<16xi1> -> vector<16xf32>
        %reduce_sum3A_444 = vector.extract %reduce_sum3A_443[15] : f32 from vector<16xf32>
        %broadcast_in_dim3A_445 = vector.broadcast %reduce_sum3A_444 : f32 to vector<16xf32>
        %select_n3A_446 = arith.select %eq3A_30, %broadcast_in_dim3A_445, %select_n3A_417 : vector<16xi1>, vector<16xf32>
        %mul3A_447 = arith.constant 16 : i32
        %mul3A_448 = arith.muli %scan3A_228, %mul3A_447 : i32
        %add3A_449 = arith.constant 6 : i32
        %add3A_450 = arith.addi %mul3A_448, %add3A_449 : i32
        %get3A_451 = arith.index_cast %add3A_450 : i32 to index
        %get3A_452 = arith.constant 0 : index
        %get3A_453 = tpu.vector_load %arg22[%get3A_451, %get3A_452] {strides = array<i32>} : memref<256x128xf32, #tpu.memory_space<vmem>>, vector<16xf32>,
        %mul3A_454 = arith.mulf %mul3A_243, %get3A_453 : vector<16xf32>
        %get3A_455 = arith.index_cast %add3A_450 : i32 to index
        %get3A_456 = arith.constant 16 : index
        %get3A_457 = tpu.vector_load %arg22[%get3A_455, %get3A_456] {strides = array<i32>} : memref<256x128xf32, #tpu.memory_space<vmem>>, vector<16xf32>,
        %mul3A_458 = arith.mulf %mul3A_254, %get3A_457 : vector<16xf32>
        %add3A_459 = arith.addf %mul3A_454, %mul3A_458 : vector<16xf32>
        %get3A_460 = arith.index_cast %add3A_450 : i32 to index
        %get3A_461 = arith.constant 32 : index
        %get3A_462 = tpu.vector_load %arg22[%get3A_460, %get3A_461] {strides = array<i32>} : memref<256x128xf32, #tpu.memory_space<vmem>>, vector<16xf32>,
        %mul3A_463 = arith.mulf %mul3A_265, %get3A_462 : vector<16xf32>
        %add3A_464 = arith.addf %add3A_459, %mul3A_463 : vector<16xf32>
        %get3A_465 = arith.index_cast %add3A_450 : i32 to index
        %get3A_466 = arith.constant 48 : index
        %get3A_467 = tpu.vector_load %arg22[%get3A_465, %get3A_466] {strides = array<i32>} : memref<256x128xf32, #tpu.memory_space<vmem>>, vector<16xf32>,
        %mul3A_468 = arith.mulf %mul3A_276, %get3A_467 : vector<16xf32>
        %add3A_469 = arith.addf %add3A_464, %mul3A_468 : vector<16xf32>
        %reduce_sum3A_470 = arith.constant true
        %reduce_sum3A_471 = vector.broadcast %reduce_sum3A_470 : i1 to vector<16xi1>
        %reduce_sum3A_472 = tpu.scan <sum>, %add3A_469 masked %reduce_sum3A_471 : vector<16xf32>, vector<16xi1> -> vector<16xf32>
        %reduce_sum3A_473 = vector.extract %reduce_sum3A_472[15] : f32 from vector<16xf32>
        %broadcast_in_dim3A_474 = vector.broadcast %reduce_sum3A_473 : f32 to vector<16xf32>
        %select_n3A_475 = arith.select %eq3A_33, %broadcast_in_dim3A_474, %select_n3A_446 : vector<16xi1>, vector<16xf32>
        %mul3A_476 = arith.constant 16 : i32
        %mul3A_477 = arith.muli %scan3A_228, %mul3A_476 : i32
        %add3A_478 = arith.constant 7 : i32
        %add3A_479 = arith.addi %mul3A_477, %add3A_478 : i32
        %get3A_480 = arith.index_cast %add3A_479 : i32 to index
        %get3A_481 = arith.constant 0 : index
        %get3A_482 = tpu.vector_load %arg22[%get3A_480, %get3A_481] {strides = array<i32>} : memref<256x128xf32, #tpu.memory_space<vmem>>, vector<16xf32>,
        %mul3A_483 = arith.mulf %mul3A_243, %get3A_482 : vector<16xf32>
        %get3A_484 = arith.index_cast %add3A_479 : i32 to index
        %get3A_485 = arith.constant 16 : index
        %get3A_486 = tpu.vector_load %arg22[%get3A_484, %get3A_485] {strides = array<i32>} : memref<256x128xf32, #tpu.memory_space<vmem>>, vector<16xf32>,
        %mul3A_487 = arith.mulf %mul3A_254, %get3A_486 : vector<16xf32>
        %add3A_488 = arith.addf %mul3A_483, %mul3A_487 : vector<16xf32>
        %get3A_489 = arith.index_cast %add3A_479 : i32 to index
        %get3A_490 = arith.constant 32 : index
        %get3A_491 = tpu.vector_load %arg22[%get3A_489, %get3A_490] {strides = array<i32>} : memref<256x128xf32, #tpu.memory_space<vmem>>, vector<16xf32>,
        %mul3A_492 = arith.mulf %mul3A_265, %get3A_491 : vector<16xf32>
        %add3A_493 = arith.addf %add3A_488, %mul3A_492 : vector<16xf32>
        %get3A_494 = arith.index_cast %add3A_479 : i32 to index
        %get3A_495 = arith.constant 48 : index
        %get3A_496 = tpu.vector_load %arg22[%get3A_494, %get3A_495] {strides = array<i32>} : memref<256x128xf32, #tpu.memory_space<vmem>>, vector<16xf32>,
        %mul3A_497 = arith.mulf %mul3A_276, %get3A_496 : vector<16xf32>
        %add3A_498 = arith.addf %add3A_493, %mul3A_497 : vector<16xf32>
        %reduce_sum3A_499 = arith.constant true
        %reduce_sum3A_500 = vector.broadcast %reduce_sum3A_499 : i1 to vector<16xi1>
        %reduce_sum3A_501 = tpu.scan <sum>, %add3A_498 masked %reduce_sum3A_500 : vector<16xf32>, vector<16xi1> -> vector<16xf32>
        %reduce_sum3A_502 = vector.extract %reduce_sum3A_501[15] : f32 from vector<16xf32>
        %broadcast_in_dim3A_503 = vector.broadcast %reduce_sum3A_502 : f32 to vector<16xf32>
        %select_n3A_504 = arith.select %eq3A_36, %broadcast_in_dim3A_503, %select_n3A_475 : vector<16xi1>, vector<16xf32>
        %mul3A_505 = arith.constant 16 : i32
        %mul3A_506 = arith.muli %scan3A_228, %mul3A_505 : i32
        %add3A_507 = arith.constant 8 : i32
        %add3A_508 = arith.addi %mul3A_506, %add3A_507 : i32
        %get3A_509 = arith.index_cast %add3A_508 : i32 to index
        %get3A_510 = arith.constant 0 : index
        %get3A_511 = tpu.vector_load %arg22[%get3A_509, %get3A_510] {strides = array<i32>} : memref<256x128xf32, #tpu.memory_space<vmem>>, vector<16xf32>,
        %mul3A_512 = arith.mulf %mul3A_243, %get3A_511 : vector<16xf32>
        %get3A_513 = arith.index_cast %add3A_508 : i32 to index
        %get3A_514 = arith.constant 16 : index
        %get3A_515 = tpu.vector_load %arg22[%get3A_513, %get3A_514] {strides = array<i32>} : memref<256x128xf32, #tpu.memory_space<vmem>>, vector<16xf32>,
        %mul3A_516 = arith.mulf %mul3A_254, %get3A_515 : vector<16xf32>
        %add3A_517 = arith.addf %mul3A_512, %mul3A_516 : vector<16xf32>
        %get3A_518 = arith.index_cast %add3A_508 : i32 to index
        %get3A_519 = arith.constant 32 : index
        %get3A_520 = tpu.vector_load %arg22[%get3A_518, %get3A_519] {strides = array<i32>} : memref<256x128xf32, #tpu.memory_space<vmem>>, vector<16xf32>,
        %mul3A_521 = arith.mulf %mul3A_265, %get3A_520 : vector<16xf32>
        %add3A_522 = arith.addf %add3A_517, %mul3A_521 : vector<16xf32>
        %get3A_523 = arith.index_cast %add3A_508 : i32 to index
        %get3A_524 = arith.constant 48 : index
        %get3A_525 = tpu.vector_load %arg22[%get3A_523, %get3A_524] {strides = array<i32>} : memref<256x128xf32, #tpu.memory_space<vmem>>, vector<16xf32>,
        %mul3A_526 = arith.mulf %mul3A_276, %get3A_525 : vector<16xf32>
        %add3A_527 = arith.addf %add3A_522, %mul3A_526 : vector<16xf32>
        %reduce_sum3A_528 = arith.constant true
        %reduce_sum3A_529 = vector.broadcast %reduce_sum3A_528 : i1 to vector<16xi1>
        %reduce_sum3A_530 = tpu.scan <sum>, %add3A_527 masked %reduce_sum3A_529 : vector<16xf32>, vector<16xi1> -> vector<16xf32>
        %reduce_sum3A_531 = vector.extract %reduce_sum3A_530[15] : f32 from vector<16xf32>
        %broadcast_in_dim3A_532 = vector.broadcast %reduce_sum3A_531 : f32 to vector<16xf32>
        %select_n3A_533 = arith.select %eq3A_39, %broadcast_in_dim3A_532, %select_n3A_504 : vector<16xi1>, vector<16xf32>
        %mul3A_534 = arith.constant 16 : i32
        %mul3A_535 = arith.muli %scan3A_228, %mul3A_534 : i32
        %add3A_536 = arith.constant 9 : i32
        %add3A_537 = arith.addi %mul3A_535, %add3A_536 : i32
        %get3A_538 = arith.index_cast %add3A_537 : i32 to index
        %get3A_539 = arith.constant 0 : index
        %get3A_540 = tpu.vector_load %arg22[%get3A_538, %get3A_539] {strides = array<i32>} : memref<256x128xf32, #tpu.memory_space<vmem>>, vector<16xf32>,
        %mul3A_541 = arith.mulf %mul3A_243, %get3A_540 : vector<16xf32>
        %get3A_542 = arith.index_cast %add3A_537 : i32 to index
        %get3A_543 = arith.constant 16 : index
        %get3A_544 = tpu.vector_load %arg22[%get3A_542, %get3A_543] {strides = array<i32>} : memref<256x128xf32, #tpu.memory_space<vmem>>, vector<16xf32>,
        %mul3A_545 = arith.mulf %mul3A_254, %get3A_544 : vector<16xf32>
        %add3A_546 = arith.addf %mul3A_541, %mul3A_545 : vector<16xf32>
        %get3A_547 = arith.index_cast %add3A_537 : i32 to index
        %get3A_548 = arith.constant 32 : index
        %get3A_549 = tpu.vector_load %arg22[%get3A_547, %get3A_548] {strides = array<i32>} : memref<256x128xf32, #tpu.memory_space<vmem>>, vector<16xf32>,
        %mul3A_550 = arith.mulf %mul3A_265, %get3A_549 : vector<16xf32>
        %add3A_551 = arith.addf %add3A_546, %mul3A_550 : vector<16xf32>
        %get3A_552 = arith.index_cast %add3A_537 : i32 to index
        %get3A_553 = arith.constant 48 : index
        %get3A_554 = tpu.vector_load %arg22[%get3A_552, %get3A_553] {strides = array<i32>} : memref<256x128xf32, #tpu.memory_space<vmem>>, vector<16xf32>,
        %mul3A_555 = arith.mulf %mul3A_276, %get3A_554 : vector<16xf32>
        %add3A_556 = arith.addf %add3A_551, %mul3A_555 : vector<16xf32>
        %reduce_sum3A_557 = arith.constant true
        %reduce_sum3A_558 = vector.broadcast %reduce_sum3A_557 : i1 to vector<16xi1>
        %reduce_sum3A_559 = tpu.scan <sum>, %add3A_556 masked %reduce_sum3A_558 : vector<16xf32>, vector<16xi1> -> vector<16xf32>
        %reduce_sum3A_560 = vector.extract %reduce_sum3A_559[15] : f32 from vector<16xf32>
        %broadcast_in_dim3A_561 = vector.broadcast %reduce_sum3A_560 : f32 to vector<16xf32>
        %select_n3A_562 = arith.select %eq3A_42, %broadcast_in_dim3A_561, %select_n3A_533 : vector<16xi1>, vector<16xf32>
        %mul3A_563 = arith.constant 16 : i32
        %mul3A_564 = arith.muli %scan3A_228, %mul3A_563 : i32
        %add3A_565 = arith.constant 10 : i32
        %add3A_566 = arith.addi %mul3A_564, %add3A_565 : i32
        %get3A_567 = arith.index_cast %add3A_566 : i32 to index
        %get3A_568 = arith.constant 0 : index
        %get3A_569 = tpu.vector_load %arg22[%get3A_567, %get3A_568] {strides = array<i32>} : memref<256x128xf32, #tpu.memory_space<vmem>>, vector<16xf32>,
        %mul3A_570 = arith.mulf %mul3A_243, %get3A_569 : vector<16xf32>
        %get3A_571 = arith.index_cast %add3A_566 : i32 to index
        %get3A_572 = arith.constant 16 : index
        %get3A_573 = tpu.vector_load %arg22[%get3A_571, %get3A_572] {strides = array<i32>} : memref<256x128xf32, #tpu.memory_space<vmem>>, vector<16xf32>,
        %mul3A_574 = arith.mulf %mul3A_254, %get3A_573 : vector<16xf32>
        %add3A_575 = arith.addf %mul3A_570, %mul3A_574 : vector<16xf32>
        %get3A_576 = arith.index_cast %add3A_566 : i32 to index
        %get3A_577 = arith.constant 32 : index
        %get3A_578 = tpu.vector_load %arg22[%get3A_576, %get3A_577] {strides = array<i32>} : memref<256x128xf32, #tpu.memory_space<vmem>>, vector<16xf32>,
        %mul3A_579 = arith.mulf %mul3A_265, %get3A_578 : vector<16xf32>
        %add3A_580 = arith.addf %add3A_575, %mul3A_579 : vector<16xf32>
        %get3A_581 = arith.index_cast %add3A_566 : i32 to index
        %get3A_582 = arith.constant 48 : index
        %get3A_583 = tpu.vector_load %arg22[%get3A_581, %get3A_582] {strides = array<i32>} : memref<256x128xf32, #tpu.memory_space<vmem>>, vector<16xf32>,
        %mul3A_584 = arith.mulf %mul3A_276, %get3A_583 : vector<16xf32>
        %add3A_585 = arith.addf %add3A_580, %mul3A_584 : vector<16xf32>
        %reduce_sum3A_586 = arith.constant true
        %reduce_sum3A_587 = vector.broadcast %reduce_sum3A_586 : i1 to vector<16xi1>
        %reduce_sum3A_588 = tpu.scan <sum>, %add3A_585 masked %reduce_sum3A_587 : vector<16xf32>, vector<16xi1> -> vector<16xf32>
        %reduce_sum3A_589 = vector.extract %reduce_sum3A_588[15] : f32 from vector<16xf32>
        %broadcast_in_dim3A_590 = vector.broadcast %reduce_sum3A_589 : f32 to vector<16xf32>
        %select_n3A_591 = arith.select %eq3A_45, %broadcast_in_dim3A_590, %select_n3A_562 : vector<16xi1>, vector<16xf32>
        %mul3A_592 = arith.constant 16 : i32
        %mul3A_593 = arith.muli %scan3A_228, %mul3A_592 : i32
        %add3A_594 = arith.constant 11 : i32
        %add3A_595 = arith.addi %mul3A_593, %add3A_594 : i32
        %get3A_596 = arith.index_cast %add3A_595 : i32 to index
        %get3A_597 = arith.constant 0 : index
        %get3A_598 = tpu.vector_load %arg22[%get3A_596, %get3A_597] {strides = array<i32>} : memref<256x128xf32, #tpu.memory_space<vmem>>, vector<16xf32>,
        %mul3A_599 = arith.mulf %mul3A_243, %get3A_598 : vector<16xf32>
        %get3A_600 = arith.index_cast %add3A_595 : i32 to index
        %get3A_601 = arith.constant 16 : index
        %get3A_602 = tpu.vector_load %arg22[%get3A_600, %get3A_601] {strides = array<i32>} : memref<256x128xf32, #tpu.memory_space<vmem>>, vector<16xf32>,
        %mul3A_603 = arith.mulf %mul3A_254, %get3A_602 : vector<16xf32>
        %add3A_604 = arith.addf %mul3A_599, %mul3A_603 : vector<16xf32>
        %get3A_605 = arith.index_cast %add3A_595 : i32 to index
        %get3A_606 = arith.constant 32 : index
        %get3A_607 = tpu.vector_load %arg22[%get3A_605, %get3A_606] {strides = array<i32>} : memref<256x128xf32, #tpu.memory_space<vmem>>, vector<16xf32>,
        %mul3A_608 = arith.mulf %mul3A_265, %get3A_607 : vector<16xf32>
        %add3A_609 = arith.addf %add3A_604, %mul3A_608 : vector<16xf32>
        %get3A_610 = arith.index_cast %add3A_595 : i32 to index
        %get3A_611 = arith.constant 48 : index
        %get3A_612 = tpu.vector_load %arg22[%get3A_610, %get3A_611] {strides = array<i32>} : memref<256x128xf32, #tpu.memory_space<vmem>>, vector<16xf32>,
        %mul3A_613 = arith.mulf %mul3A_276, %get3A_612 : vector<16xf32>
        %add3A_614 = arith.addf %add3A_609, %mul3A_613 : vector<16xf32>
        %reduce_sum3A_615 = arith.constant true
        %reduce_sum3A_616 = vector.broadcast %reduce_sum3A_615 : i1 to vector<16xi1>
        %reduce_sum3A_617 = tpu.scan <sum>, %add3A_614 masked %reduce_sum3A_616 : vector<16xf32>, vector<16xi1> -> vector<16xf32>
        %reduce_sum3A_618 = vector.extract %reduce_sum3A_617[15] : f32 from vector<16xf32>
        %broadcast_in_dim3A_619 = vector.broadcast %reduce_sum3A_618 : f32 to vector<16xf32>
        %select_n3A_620 = arith.select %eq3A_48, %broadcast_in_dim3A_619, %select_n3A_591 : vector<16xi1>, vector<16xf32>
        %mul3A_621 = arith.constant 16 : i32
        %mul3A_622 = arith.muli %scan3A_228, %mul3A_621 : i32
        %add3A_623 = arith.constant 12 : i32
        %add3A_624 = arith.addi %mul3A_622, %add3A_623 : i32
        %get3A_625 = arith.index_cast %add3A_624 : i32 to index
        %get3A_626 = arith.constant 0 : index
        %get3A_627 = tpu.vector_load %arg22[%get3A_625, %get3A_626] {strides = array<i32>} : memref<256x128xf32, #tpu.memory_space<vmem>>, vector<16xf32>,
        %mul3A_628 = arith.mulf %mul3A_243, %get3A_627 : vector<16xf32>
        %get3A_629 = arith.index_cast %add3A_624 : i32 to index
        %get3A_630 = arith.constant 16 : index
        %get3A_631 = tpu.vector_load %arg22[%get3A_629, %get3A_630] {strides = array<i32>} : memref<256x128xf32, #tpu.memory_space<vmem>>, vector<16xf32>,
        %mul3A_632 = arith.mulf %mul3A_254, %get3A_631 : vector<16xf32>
        %add3A_633 = arith.addf %mul3A_628, %mul3A_632 : vector<16xf32>
        %get3A_634 = arith.index_cast %add3A_624 : i32 to index
        %get3A_635 = arith.constant 32 : index
        %get3A_636 = tpu.vector_load %arg22[%get3A_634, %get3A_635] {strides = array<i32>} : memref<256x128xf32, #tpu.memory_space<vmem>>, vector<16xf32>,
        %mul3A_637 = arith.mulf %mul3A_265, %get3A_636 : vector<16xf32>
        %add3A_638 = arith.addf %add3A_633, %mul3A_637 : vector<16xf32>
        %get3A_639 = arith.index_cast %add3A_624 : i32 to index
        %get3A_640 = arith.constant 48 : index
        %get3A_641 = tpu.vector_load %arg22[%get3A_639, %get3A_640] {strides = array<i32>} : memref<256x128xf32, #tpu.memory_space<vmem>>, vector<16xf32>,
        %mul3A_642 = arith.mulf %mul3A_276, %get3A_641 : vector<16xf32>
        %add3A_643 = arith.addf %add3A_638, %mul3A_642 : vector<16xf32>
        %reduce_sum3A_644 = arith.constant true
        %reduce_sum3A_645 = vector.broadcast %reduce_sum3A_644 : i1 to vector<16xi1>
        %reduce_sum3A_646 = tpu.scan <sum>, %add3A_643 masked %reduce_sum3A_645 : vector<16xf32>, vector<16xi1> -> vector<16xf32>
        %reduce_sum3A_647 = vector.extract %reduce_sum3A_646[15] : f32 from vector<16xf32>
        %broadcast_in_dim3A_648 = vector.broadcast %reduce_sum3A_647 : f32 to vector<16xf32>
        %select_n3A_649 = arith.select %eq3A_51, %broadcast_in_dim3A_648, %select_n3A_620 : vector<16xi1>, vector<16xf32>
        %mul3A_650 = arith.constant 16 : i32
        %mul3A_651 = arith.muli %scan3A_228, %mul3A_650 : i32
        %add3A_652 = arith.constant 13 : i32
        %add3A_653 = arith.addi %mul3A_651, %add3A_652 : i32
        %get3A_654 = arith.index_cast %add3A_653 : i32 to index
        %get3A_655 = arith.constant 0 : index
        %get3A_656 = tpu.vector_load %arg22[%get3A_654, %get3A_655] {strides = array<i32>} : memref<256x128xf32, #tpu.memory_space<vmem>>, vector<16xf32>,
        %mul3A_657 = arith.mulf %mul3A_243, %get3A_656 : vector<16xf32>
        %get3A_658 = arith.index_cast %add3A_653 : i32 to index
        %get3A_659 = arith.constant 16 : index
        %get3A_660 = tpu.vector_load %arg22[%get3A_658, %get3A_659] {strides = array<i32>} : memref<256x128xf32, #tpu.memory_space<vmem>>, vector<16xf32>,
        %mul3A_661 = arith.mulf %mul3A_254, %get3A_660 : vector<16xf32>
        %add3A_662 = arith.addf %mul3A_657, %mul3A_661 : vector<16xf32>
        %get3A_663 = arith.index_cast %add3A_653 : i32 to index
        %get3A_664 = arith.constant 32 : index
        %get3A_665 = tpu.vector_load %arg22[%get3A_663, %get3A_664] {strides = array<i32>} : memref<256x128xf32, #tpu.memory_space<vmem>>, vector<16xf32>,
        %mul3A_666 = arith.mulf %mul3A_265, %get3A_665 : vector<16xf32>
        %add3A_667 = arith.addf %add3A_662, %mul3A_666 : vector<16xf32>
        %get3A_668 = arith.index_cast %add3A_653 : i32 to index
        %get3A_669 = arith.constant 48 : index
        %get3A_670 = tpu.vector_load %arg22[%get3A_668, %get3A_669] {strides = array<i32>} : memref<256x128xf32, #tpu.memory_space<vmem>>, vector<16xf32>,
        %mul3A_671 = arith.mulf %mul3A_276, %get3A_670 : vector<16xf32>
        %add3A_672 = arith.addf %add3A_667, %mul3A_671 : vector<16xf32>
        %reduce_sum3A_673 = arith.constant true
        %reduce_sum3A_674 = vector.broadcast %reduce_sum3A_673 : i1 to vector<16xi1>
        %reduce_sum3A_675 = tpu.scan <sum>, %add3A_672 masked %reduce_sum3A_674 : vector<16xf32>, vector<16xi1> -> vector<16xf32>
        %reduce_sum3A_676 = vector.extract %reduce_sum3A_675[15] : f32 from vector<16xf32>
        %broadcast_in_dim3A_677 = vector.broadcast %reduce_sum3A_676 : f32 to vector<16xf32>
        %select_n3A_678 = arith.select %eq3A_54, %broadcast_in_dim3A_677, %select_n3A_649 : vector<16xi1>, vector<16xf32>
        %mul3A_679 = arith.constant 16 : i32
        %mul3A_680 = arith.muli %scan3A_228, %mul3A_679 : i32
        %add3A_681 = arith.constant 14 : i32
        %add3A_682 = arith.addi %mul3A_680, %add3A_681 : i32
        %get3A_683 = arith.index_cast %add3A_682 : i32 to index
        %get3A_684 = arith.constant 0 : index
        %get3A_685 = tpu.vector_load %arg22[%get3A_683, %get3A_684] {strides = array<i32>} : memref<256x128xf32, #tpu.memory_space<vmem>>, vector<16xf32>,
        %mul3A_686 = arith.mulf %mul3A_243, %get3A_685 : vector<16xf32>
        %get3A_687 = arith.index_cast %add3A_682 : i32 to index
        %get3A_688 = arith.constant 16 : index
        %get3A_689 = tpu.vector_load %arg22[%get3A_687, %get3A_688] {strides = array<i32>} : memref<256x128xf32, #tpu.memory_space<vmem>>, vector<16xf32>,
        %mul3A_690 = arith.mulf %mul3A_254, %get3A_689 : vector<16xf32>
        %add3A_691 = arith.addf %mul3A_686, %mul3A_690 : vector<16xf32>
        %get3A_692 = arith.index_cast %add3A_682 : i32 to index
        %get3A_693 = arith.constant 32 : index
        %get3A_694 = tpu.vector_load %arg22[%get3A_692, %get3A_693] {strides = array<i32>} : memref<256x128xf32, #tpu.memory_space<vmem>>, vector<16xf32>,
        %mul3A_695 = arith.mulf %mul3A_265, %get3A_694 : vector<16xf32>
        %add3A_696 = arith.addf %add3A_691, %mul3A_695 : vector<16xf32>
        %get3A_697 = arith.index_cast %add3A_682 : i32 to index
        %get3A_698 = arith.constant 48 : index
        %get3A_699 = tpu.vector_load %arg22[%get3A_697, %get3A_698] {strides = array<i32>} : memref<256x128xf32, #tpu.memory_space<vmem>>, vector<16xf32>,
        %mul3A_700 = arith.mulf %mul3A_276, %get3A_699 : vector<16xf32>
        %add3A_701 = arith.addf %add3A_696, %mul3A_700 : vector<16xf32>
        %reduce_sum3A_702 = arith.constant true
        %reduce_sum3A_703 = vector.broadcast %reduce_sum3A_702 : i1 to vector<16xi1>
        %reduce_sum3A_704 = tpu.scan <sum>, %add3A_701 masked %reduce_sum3A_703 : vector<16xf32>, vector<16xi1> -> vector<16xf32>
        %reduce_sum3A_705 = vector.extract %reduce_sum3A_704[15] : f32 from vector<16xf32>
        %broadcast_in_dim3A_706 = vector.broadcast %reduce_sum3A_705 : f32 to vector<16xf32>
        %select_n3A_707 = arith.select %eq3A_57, %broadcast_in_dim3A_706, %select_n3A_678 : vector<16xi1>, vector<16xf32>
        %mul3A_708 = arith.constant 16 : i32
        %mul3A_709 = arith.muli %scan3A_228, %mul3A_708 : i32
        %add3A_710 = arith.constant 15 : i32
        %add3A_711 = arith.addi %mul3A_709, %add3A_710 : i32
        %get3A_712 = arith.index_cast %add3A_711 : i32 to index
        %get3A_713 = arith.constant 0 : index
        %get3A_714 = tpu.vector_load %arg22[%get3A_712, %get3A_713] {strides = array<i32>} : memref<256x128xf32, #tpu.memory_space<vmem>>, vector<16xf32>,
        %mul3A_715 = arith.mulf %mul3A_243, %get3A_714 : vector<16xf32>
        %get3A_716 = arith.index_cast %add3A_711 : i32 to index
        %get3A_717 = arith.constant 16 : index
        %get3A_718 = tpu.vector_load %arg22[%get3A_716, %get3A_717] {strides = array<i32>} : memref<256x128xf32, #tpu.memory_space<vmem>>, vector<16xf32>,
        %mul3A_719 = arith.mulf %mul3A_254, %get3A_718 : vector<16xf32>
        %add3A_720 = arith.addf %mul3A_715, %mul3A_719 : vector<16xf32>
        %get3A_721 = arith.index_cast %add3A_711 : i32 to index
        %get3A_722 = arith.constant 32 : index
        %get3A_723 = tpu.vector_load %arg22[%get3A_721, %get3A_722] {strides = array<i32>} : memref<256x128xf32, #tpu.memory_space<vmem>>, vector<16xf32>,
        %mul3A_724 = arith.mulf %mul3A_265, %get3A_723 : vector<16xf32>
        %add3A_725 = arith.addf %add3A_720, %mul3A_724 : vector<16xf32>
        %get3A_726 = arith.index_cast %add3A_711 : i32 to index
        %get3A_727 = arith.constant 48 : index
        %get3A_728 = tpu.vector_load %arg22[%get3A_726, %get3A_727] {strides = array<i32>} : memref<256x128xf32, #tpu.memory_space<vmem>>, vector<16xf32>,
        %mul3A_729 = arith.mulf %mul3A_276, %get3A_728 : vector<16xf32>
        %add3A_730 = arith.addf %add3A_725, %mul3A_729 : vector<16xf32>
        %reduce_sum3A_731 = arith.constant true
        %reduce_sum3A_732 = vector.broadcast %reduce_sum3A_731 : i1 to vector<16xi1>
        %reduce_sum3A_733 = tpu.scan <sum>, %add3A_730 masked %reduce_sum3A_732 : vector<16xf32>, vector<16xi1> -> vector<16xf32>
        %reduce_sum3A_734 = vector.extract %reduce_sum3A_733[15] : f32 from vector<16xf32>
        %broadcast_in_dim3A_735 = vector.broadcast %reduce_sum3A_734 : f32 to vector<16xf32>
        %select_n3A_736 = arith.select %eq3A_60, %broadcast_in_dim3A_735, %select_n3A_707 : vector<16xi1>, vector<16xf32>
        %mul3A_737 = arith.constant 16 : i32
        %mul3A_738 = arith.muli %add3A_229, %mul3A_737 : i32
        %shift_right_arithmetic3A_739 = arith.constant 7 : i32
        %shift_right_arithmetic3A_740 = arith.shrsi %mul3A_738, %shift_right_arithmetic3A_739 : i32
        %and3A_741 = arith.constant 127 : i32
        %and3A_742 = arith.andi %mul3A_738, %and3A_741 : i32
        %multiple_of3A_743 = tpu.assume_multiple %and3A_742, 16 : i32
        %swap3A = arith.index_cast %shift_right_arithmetic3A_740 : i32 to index
        %swap3A_744 = arith.index_cast %multiple_of3A_743 : i32 to index
        %swap3A_745 = tpu.vector_load %arg23[%swap3A, %swap3A_744] {strides = array<i32>} : memref<64x128xf32, #tpu.memory_space<vmem>>, vector<16xf32>,
        tpu.vector_store %arg23[%swap3A, %swap3A_744], %select_n3A_736 {strides = array<i32>} : memref<64x128xf32, #tpu.memory_space<vmem>>, vector<16xf32>,
      }
      %scan3A_227 = arith.constant 16 : i32
    }
    %scan3A_103 = arith.constant 16 : i32
    "tpu.region"() ({
      %run_scoped3A = tpu.sem_alloc : memref<!tpu.dma_semaphore, #tpu.memory_space<semaphore_mem>>
      %dma_start3A_104 = arith.constant 0 : i32
      %dma_start3A_105 = arith.constant 0 : i32
      %dma_start3A_106 = tpu.memref_slice %arg8[%add3A, %dma_start3A_104, %dma_start3A_105] : memref<32x64x128xf32, #tpu.memory_space<hbm>> -> memref<1x64x128xf32, #tpu.memory_space<hbm>>
      %dma_start3A_107 = tpu.memref_squeeze %dma_start3A_106 : memref<1x64x128xf32, #tpu.memory_space<hbm>> -> memref<64x128xf32, #tpu.memory_space<hbm>>
      %dma_start3A_108 = arith.constant 0 : i32
      %dma_start3A_109 = arith.constant 0 : i32
      %dma_start3A_110 = tpu.memref_slice %arg8[%add3A, %dma_start3A_108, %dma_start3A_109] : memref<32x64x128xf32, #tpu.memory_space<hbm>> -> memref<1x64x128xf32, #tpu.memory_space<hbm>>
      %dma_start3A_111 = tpu.memref_squeeze %dma_start3A_110 : memref<1x64x128xf32, #tpu.memory_space<hbm>> -> memref<64x128xf32, #tpu.memory_space<hbm>>
      tpu.enqueue_dma source(%arg23 : memref<64x128xf32, #tpu.memory_space<vmem>>) target(%dma_start3A_111 : memref<64x128xf32, #tpu.memory_space<hbm>>) target_semaphore(%run_scoped3A : memref<!tpu.dma_semaphore, #tpu.memory_space<semaphore_mem>>)
      %dma_wait3A = arith.constant 0 : i32
      %dma_wait3A_112 = arith.constant 0 : i32
      %dma_wait3A_113 = tpu.memref_slice %arg8[%add3A, %dma_wait3A, %dma_wait3A_112] : memref<32x64x128xf32, #tpu.memory_space<hbm>> -> memref<1x64x128xf32, #tpu.memory_space<hbm>>
      %dma_wait3A_114 = tpu.memref_squeeze %dma_wait3A_113 : memref<1x64x128xf32, #tpu.memory_space<hbm>> -> memref<64x128xf32, #tpu.memory_space<hbm>>
      %dma_wait3A_115 = arith.constant 0 : i32
      %dma_wait3A_116 = arith.constant 0 : i32
      %dma_wait3A_117 = tpu.memref_slice %arg8[%add3A, %dma_wait3A_115, %dma_wait3A_116] : memref<32x64x128xf32, #tpu.memory_space<hbm>> -> memref<1x64x128xf32, #tpu.memory_space<hbm>>
      %dma_wait3A_118 = tpu.memref_squeeze %dma_wait3A_117 : memref<1x64x128xf32, #tpu.memory_space<hbm>> -> memref<64x128xf32, #tpu.memory_space<hbm>>
      tpu.wait_dma2 semaphore(%run_scoped3A : memref<!tpu.dma_semaphore, #tpu.memory_space<semaphore_mem>>) src(%arg23 : memref<64x128xf32, #tpu.memory_space<vmem>>) dst(%dma_wait3A_118 : memref<64x128xf32, #tpu.memory_space<hbm>>)
      tpu.yield
    }) : () -> ()
    return
  }
}

module attributes {stable_mosaic.version = 14 : i64} {
  func.func @_tc_relayout_kernel(%arg0: i32, %arg1: memref<64x16384xf32, #tpu.memory_space<vmem>>, %arg2: memref<16384x128xf32, #tpu.memory_space<vmem>>) attributes {dimension_semantics = [#tpu.dimension_semantics<arbitrary>], iteration_bounds = array<i64: 62>, scalar_prefetch = 0 : i64, scratch_operands = 0 : i64, tpu.core_type = #tpu.core_type<tc>, window_params = [{transform_indices = @transform_0, window_bounds = array<i64: 64, 16384>}, {transform_indices = @transform_1, window_bounds = array<i64: 16384, 128>}]} {
    %get3A = arith.constant 0 : index
    %get3A_0 = arith.constant 0 : index
    %get3A_1 = vector.load %arg1[%get3A, %get3A_0] : memref<64x16384xf32, #tpu.memory_space<vmem>>, vector<64x16384xf32>
    %transpose3A = tpu.transpose %get3A_1, [1, 0] : vector<64x16384xf32> -> vector<16384x64xf32>
    %concatenate3A = tpu.concatenate %transpose3A, %transpose3A in 1 : vector<16384x64xf32>, vector<16384x64xf32> -> vector<16384x128xf32>
    %swap3A = arith.constant 0 : index
    %swap3A_2 = arith.constant 0 : index
    %swap3A_3 = vector.load %arg2[%swap3A, %swap3A_2] : memref<16384x128xf32, #tpu.memory_space<vmem>>, vector<16384x128xf32>
    tpu.vector_store %arg2[%swap3A, %swap3A_2], %concatenate3A {strides = array<i32>} : memref<16384x128xf32, #tpu.memory_space<vmem>>, vector<16384x128xf32>,
    return
  }
  func.func @transform_0(%arg0: i32) -> (i32, i32) {
    %c0_i32 = arith.constant 0 : i32
    %c0_i32_0 = arith.constant 0 : i32
    return %c0_i32, %arg0 : i32, i32
  }
  func.func @transform_1(%arg0: i32) -> (i32, i32) {
    %c0_i32 = arith.constant 0 : i32
    %c0_i32_0 = arith.constant 0 : i32
    return %arg0, %c0_i32 : i32, i32
  }
}

module attributes {stable_mosaic.version = 14 : i64} {
  func.func @_tc_loss_kernel(%arg0: memref<32x64x128xf32, #tpu.memory_space<vmem>>, %arg1: memref<1x1xf32, #tpu.memory_space<smem>>) attributes {dimension_semantics = [], scalar_prefetch = 0 : i64, scratch_operands = 0 : i64, tpu.core_type = #tpu.core_type<tc>} {
    %get3A = arith.constant 0 : index
    %get3A_0 = arith.constant 0 : index
    %get3A_1 = arith.constant 0 : index
    %get3A_2 = vector.load %arg0[%get3A, %get3A_0, %get3A_1] : memref<32x64x128xf32, #tpu.memory_space<vmem>>, vector<32x64x128xf32>
    %iota3A = tpu.iota {dimensions = array<i32: 2>} : vector<32x64x128xi32>
    %and3A = arith.constant 15 : i32
    %and3A_3 = vector.broadcast %and3A : i32 to vector<32x64x128xi32>
    %and3A_4 = arith.andi %iota3A, %and3A_3 : vector<32x64x128xi32>
    %eq3A = arith.constant 0 : i32
    %eq3A_5 = vector.broadcast %eq3A : i32 to vector<32x64x128xi32>
    %eq3A_6 = arith.cmpi eq, %and3A_4, %eq3A_5 : vector<32x64x128xi32>
    %neg3A = arith.constant 0.000000e+00 : f32
    %neg3A_7 = vector.broadcast %neg3A : f32 to vector<32x64x128xf32>
    %neg3A_8 = arith.subf %neg3A_7, %get3A_2 : vector<32x64x128xf32>
    %select_n3A = arith.select %eq3A_6, %get3A_2, %neg3A_8 : vector<32x64x128xi1>, vector<32x64x128xf32>
    %min3A = arith.constant 0.000000e+00 : f32
    %min3A_9 = vector.broadcast %min3A : f32 to vector<32x64x128xf32>
    %min3A_10 = arith.minimumf %select_n3A, %min3A_9 : vector<32x64x128xf32>
    %abs3A = math.absf %select_n3A : vector<32x64x128xf32>
    %neg3A_11 = arith.constant 0.000000e+00 : f32
    %neg3A_12 = vector.broadcast %neg3A_11 : f32 to vector<32x64x128xf32>
    %neg3A_13 = arith.subf %neg3A_12, %abs3A : vector<32x64x128xf32>
    %exp3A = math.exp %neg3A_13 : vector<32x64x128xf32>
    %log1p3A = math.log1p %exp3A : vector<32x64x128xf32>
    %sub3A = arith.subf %min3A_10, %log1p3A : vector<32x64x128xf32>
    %reduce_sum3A = vector.shape_cast %sub3A : vector<32x64x128xf32> to vector<1x32x64x128xf32>
    %reduce_sum3A_14 = arith.constant dense<0.000000e+00> : vector<1xf32>
    %reduce_sum3A_15 = vector.multi_reduction <add>, %reduce_sum3A, %reduce_sum3A_14 [1, 2, 3] : vector<1x32x64x128xf32> to vector<1xf32>
    %reduce_sum3A_16 = vector.shape_cast %reduce_sum3A_15 : vector<1xf32> to vector<1x1x1x1xf32>
    %reduce_sum3A_17 = vector.extract %reduce_sum3A_16[0, 0, 0, 0] : f32 from vector<1x1x1x1xf32>
    %neg3A_18 = arith.constant 0.000000e+00 : f32
    %neg3A_19 = arith.subf %neg3A_18, %reduce_sum3A_17 : f32
    %div3A = arith.constant 1.638400e+04 : f32
    %div3A_20 = arith.divf %neg3A_19, %div3A : f32
    %swap3A = arith.constant 0 : index
    %swap3A_21 = arith.constant 0 : index
    %swap3A_22 = memref.load %arg1[%swap3A, %swap3A_21] : memref<1x1xf32, #tpu.memory_space<smem>>
    memref.store %div3A_20, %arg1[%swap3A, %swap3A_21] : memref<1x1xf32, #tpu.memory_space<smem>>
    return
  }
}

</mosaic_0001>

<sc_bundles>
// kernel: kernel.6.cloned.1.call-start
scs
__scs_entry_jumppad:
0x0: {  	(pc) =	sbr.rel $0x88, $3  }
0x1: {  	(tag) =	ssettag $0x0;
	lr =	simm.s32 $0x1  }
0x2: {  	[smem:$0x3F9D] =	sst lr;
	_ =	strace $0xD0000000  }
0x3: {  	_ = 	snop  }
0x4: {  	_ = 	snop  }
0x5: {  	_ = 	snop  }
0x6: {  	_ = 	snop  }
0x7: {  	_ = 	snop  }
__scs_overlays_trampoline_lowered:
0x8: {  	[smem:$0x3FAC] =	sst s0  }
0x9: {  	[smem:$0x3FAD] =	sst s1  }
0xa: {  	[smem:$0x3FAE] =	sst s2  }
0xb: {  	[smem:$0x3FAF] =	sst s3  }
0xc: {  	[smem:$0x3FB0] =	sst s4  }
0xd: {  	[smem:$0x3FB1] =	sst s5  }
0xe: {  	[smem:$0x3FB2] =	sst s6  }
0xf: {  	[smem:$0x3FB3] =	sst s7  }
0x10: {  	[smem:$0x3FB4] =	sst s8  }
0x11: {  	[smem:$0x3FB5] =	sst s9;
	s0 =	simm.s32 @!p0 $0x0  }
0x12: {  	s1 =	sld [smem:$0x3F9B];
	s0 =	simm.s32 @p0 $0x1  }
0x13: {  	[smem:$0x3FB6] =	sst s0;
	s0 =	simm.s32 @!p1 $0x0  }
0x14: {  	s2 =	sld [smem:$0x3F9A];
	s0 =	simm.s32 @p1 $0x1  }
0x15: {  	[smem:$0x3FB7] =	sst s0;
	s0 =	simm.s32 @!p2 $0x0  }
0x16: {  	s3 =	sld [smem:$0x3FDB];
	s0 =	simm.s32 @p2 $0x1  }
0x17: {  	s4 =	simm.s32 $0x1BF5;
	[smem:$0x3FB9] =	sst s0  }
0x18: {  	s0 =	sld [smem:$0x3F9C];
	_ =	swait.ge [sflag:s4], $0x0  }
0x19: {  	s7 =	sld [smem:$0x3F9D]  }
0x1a: {  	s8 =	sadd.s32 $0xFFFFE003, lr  }
0x1b: {  	s9 =	sadd.s32 $0xFFFFFEF7, lr;
	s5 =	simm.s32 $0xFFFFFFFF;
	p2 =	slt.u32 s8, $0xFFFFF086  }
0x1c: {  	p1 =	slt.u32 s9, $0xF7A;
	s5 =	simm.s32 @!p2 $0x0  }
0x1d: {  	s5 =	simm.s32 @p1 $0x1;
	p0 =	seq.s32 s7, s2  }
0x1e: {  	s7 =	smul.u32 @!p0 $0xF7A, s2;
	p2 =	seq.s32 @!p0 s5, $0x0  }
0x1f: {  	s9 =	smul.u32 $0xF7A, s1;
	s8 =	simm.s32 @!p0 $0x1BF5;
	p2 =	por !p2, p0  }
0x20: {  	[sflag:s8] =	ssyncset.s32 @!p0 $0xFFFFF086;
	s6 =	sadd.s32 @!p0 s3, s7;
	s7 =	simm.s32 @!p0 $0x108  }
0x21: {  	s3 =	sadd.s32 s3, s9;
	s6 =	sadd.s32 @!p0 $0x88, s6;
	s7 =	simm.s32 @p2 $0x1082  }
0x22: {  	[simem:s7], [sflag:s8] =	dma.local @!p0 [hbm:s6], $0xF7A  }
0x23: {  	s9 =	sor.u32 $0xD0000000, s2;
	s6 =	simm.s32 $0x108;
	_ =	swait.ge @!p0 [sflag:s8], $0x0  }
0x24: {  	s3 =	sadd.s32 $0x88, s3;
	s6 =	simm.s32 @!p1 $0x1082;
	[sflag:s4] =	ssyncset.s32 $0xFFFFF086  }
0x25: {  	[simem:s6], [sflag:s4] =	dma.local [hbm:s3], $0xF7A  }
0x26: {  	[smem:$0x3F9D] =	sst s1;
	(tag) =	ssettag s2;
	_ =	strace s9  }
0x27: {  	s1 =	sld [smem:$0x3FAD]  }
0x28: {  	s2 =	sld [smem:$0x3FAE]  }
0x29: {  	s4 =	sld [smem:$0x3FB0]  }
0x2a: {  	p0 =	seq.s32 s5, $0x0;
	s5 =	sld [smem:$0x3FB1]  }
0x2b: {  	s6 =	sld [smem:$0x3FB2]  }
0x2c: {  	s7 =	sld [smem:$0x3FB3]  }
0x2d: {  	s3 =	simm.s32 $0x108;
	s8 =	sld [smem:$0x3FB4]  }
0x2e: {  	s3 =	simm.s32 @!p0 $0x1082;
	s9 =	sld [smem:$0x3FB5]  }
0x2f: {  	lr =	sadd.s32 s0, s3;
	s0 =	sld [smem:$0x3FAC]  }
0x30: {  	s3 =	sld [smem:$0x3FAF]  }
0x31: {  	[smem:$0x3FB8] =	sst s10  }
0x32: {  	s10 =	sld [smem:$0x3FB6];
	_ =	sdelay $0x3  }
0x33: {  	p0 =	seq.s32 s10, $0x1;
	s10 =	sld [smem:$0x3FB8];
	_ =	sdelay $0x3  }
0x34: {  	[smem:$0x3FB8] =	sst s10  }
0x35: {  	s10 =	sld [smem:$0x3FB7];
	_ =	sdelay $0x3  }
0x36: {  	p1 =	seq.s32 s10, $0x1;
	s10 =	sld [smem:$0x3FB8];
	_ =	sdelay $0x3  }
0x37: {  	[smem:$0x3FB8] =	sst s10  }
0x38: {  	s10 =	sld [smem:$0x3FB9]  }
0x39: {  	_ = 	snop;
	(pc) =	sbr.ind lr, $3  }
0x3a: {  	_ = 	snop  }
0x3b: {  	_ = 	snop  }
0x3c: {  	p2 =	seq.s32 s10, $0x1;
	s10 =	sld [smem:$0x3FB8]  }
0x3d: {  	_ =	shalt  }
0x3e: {  	_ =	shalt  }
0x3f: {  	_ =	shalt  }
0x40: {  	_ =	shalt  }
0x41: {  	_ =	shalt  }
0x42: {  	_ =	shalt  }
0x43: {  	_ =	shalt  }
0x44: {  	_ =	shalt  }
0x45: {  	_ =	shalt  }
0x46: {  	_ =	shalt  }
0x47: {  	_ =	shalt  }
0x48: {  	_ =	shalt  }
0x49: {  	_ =	shalt  }
0x4a: {  	_ =	shalt  }
0x4b: {  	_ =	shalt  }
0x4c: {  	_ =	shalt  }
0x4d: {  	_ =	shalt  }
0x4e: {  	_ =	shalt  }
0x4f: {  	_ =	shalt  }
0x50: {  	_ =	shalt  }
0x51: {  	_ =	shalt  }
0x52: {  	_ =	shalt  }
0x53: {  	_ =	shalt  }
0x54: {  	_ =	shalt  }
0x55: {  	_ =	shalt  }
0x56: {  	_ =	shalt  }
0x57: {  	_ =	shalt  }
0x58: {  	_ =	shalt  }
0x59: {  	_ =	shalt  }
0x5a: {  	_ =	shalt  }
0x5b: {  	_ =	shalt  }
0x5c: {  	_ =	shalt  }
0x5d: {  	_ =	shalt  }
0x5e: {  	_ =	shalt  }
0x5f: {  	_ =	shalt  }
0x60: {  	_ =	shalt  }
0x61: {  	_ =	shalt  }
0x62: {  	_ =	shalt  }
0x63: {  	_ =	shalt  }
0x64: {  	_ =	shalt  }
0x65: {  	_ =	shalt  }
0x66: {  	_ =	shalt  }
0x67: {  	_ =	shalt  }
0x68: {  	_ =	shalt  }
0x69: {  	_ =	shalt  }
0x6a: {  	_ =	shalt  }
0x6b: {  	_ =	shalt  }
0x6c: {  	_ =	shalt  }
0x6d: {  	_ =	shalt  }
0x6e: {  	_ =	shalt  }
0x6f: {  	_ =	shalt  }
0x70: {  	_ =	shalt  }
0x71: {  	_ =	shalt  }
0x72: {  	_ =	shalt  }
0x73: {  	_ =	shalt  }
0x74: {  	_ =	shalt  }
0x75: {  	_ =	shalt  }
0x76: {  	_ =	shalt  }
0x77: {  	_ =	shalt  }
0x78: {  	_ =	shalt  }
0x79: {  	_ =	shalt  }
0x7a: {  	_ =	shalt  }
0x7b: {  	_ =	shalt  }
0x7c: {  	_ =	shalt  }
0x7d: {  	_ =	shalt  }
0x7e: {  	_ =	shalt  }
0x7f: {  	_ =	shalt  }
0x80: {  	_ =	shalt  }
0x81: {  	_ =	shalt  }
0x82: {  	_ =	shalt  }
0x83: {  	_ =	shalt  }
0x84: {  	_ =	shalt  }
0x85: {  	_ =	shalt  }
0x86: {  	_ =	shalt  }
0x87: {  	_ =	shalt  }
.Lfunc_end0:
.L_simem_size_0:
called_computation_lowered:
.L_overlay_start_0:
0x88: {  	s2 =	sld [smem:$0x3FD9]  }
0x89: {  	s3 =	sld [smem:$0x3FFE];
	_ =	sdelay $0x1  }
0x8a: {  	s1 =	srdreg.scid  }
0x8b: {  	s0 =	sand.u32 $0x1, s1  }
0x8c: {  	s17 =	sshll.u32 s0, $0xA;
	s2 =	sadd.s32 s3, s2  }
0x8d: {  	s2 =	sadd.s32 s2, s17  }
0x8e: {  	[smem:$0x3FC4] =	sst s2  }
0x8f: {  	_ = 	snop  }
0x90: {  	s2 =	sld [smem:$0x3FC9]  }
0x91: {  	s18 =	sld [smem:$0x3FC8];
	(tm) =	ssettm $0x1  }
0x92: {  	s4 =	sld [smem:$0x3FFB];
	_ =	sdelay $0x3  }
0x93: {  	_ =	strace s4  }
0x94: {  	s4 =	sld [smem:$0x3FFC];
	_ =	sdelay $0x3  }
0x95: {  	_ =	strace s4  }
0x96: {  	s4 =	sld [smem:$0x3FFD];
	_ =	sdelay $0x3  }
0x97: {  	_ =	strace s4  }
0x98: {  	_ =	strace $0x8FFFFFFF  }
0x99: {  	s19 =	sld [smem:$0x3FDB];
	_ =	sdelay $0x1  }
0x9a: {  	s5 =	simm.s32 $_scs_section_size  }
0x9b: {  	s6 =	simm.s32 $_size__tile_overlayer_lowered;
	s7 =	simm.s32 $_tile_overlayer_lowered  }
0x9c: {  	s22 =	simm.s32 $0x1BFF;
	s21 =	sshll.u32 s7, $0x1;
	s4 =	sadd.s32 s5, s19  }
0x9d: {  	s8 =	simm.s32 $0x0;
	s20 =	sshll.u32 s6, $0x1;
	s6 =	sadd.s32 s21, s4  }
0x9e: {  	[timem:s8], [sflag:s22] =	dma.local [hbm:s6], s20  }
0x9f: {  	_ =	swait.ge [sflag:s22], s20  }
0xa0: {  	s5 =	ssub.s32 $0x0, s20;
	[sflag:s22] =	ssyncset.done $0x0  }
0xa1: {  	[sflag:s22] =	ssyncadd.s32 s5;
	_ =	sdelay $0x1  }
0xa2: {  	s23 =	simm.s32 $0x1B8B  }
0xa3: {  	_ =	swait.ge [sflag:s23], $0x1  }
0xa4: {  	[sflag:s23] =	ssyncset.done $0x0  }
0xa5: {  	s25 =	simm.s32 $0x1B8E;
	s24 =	sld [smem:$0x3FFE];
	[sflag:s23] =	ssyncadd.s32 $0xFFFFFFFF  }
0xa6: {  	s26 =	simm.s32 $execute0_lowered;
	[smem:$0x3FD2] =	sst s25  }
0xa7: {  	s6 =	sshll.u32 s26, $0x1;
	_ =	strace $0x80000046;
	[dreg:$0x1] =	wrdreg $0xFFFFFFFF  }
0xa8: {  	s28 =	simm.s32 $_size_execute0_lowered;
	s4 =	sadd.s32 s4, s6;
	[dreg:$0x0] =	wrdreg $0x0  }
0xa9: {  	s6 =	sshll.u32 s28, $0x1;
	[dreg:$0x2] =	wrdreg s4  }
0xaa: {  	[dreg:$0x3] =	wrdreg s6  }
0xab: {  	[dreg:$0x4] =	wrdreg $0xC0  }
0xac: {  	_ =	task [dreg:s8], $0x5FFFF  }
0xad: {  	[dreg:$0x1] =	wrdreg $0xFFFFFFFF  }
0xae: {  	[dreg:$0x0] =	wrdreg $0x60  }
0xaf: {  	[dreg:$0x2] =	wrdreg s2  }
0xb0: {  	[dreg:$0x3] =	wrdreg s18  }
0xb1: {  	[dreg:$0x4] =	wrdreg s24  }
0xb2: {  	[dreg:$0x5] =	wrdreg $0x9  }
0xb3: {  	_ =	task.clear_ibuf [dreg:s8], $0x6FFFF;
	_ =	strace $0x90000046  }
0xb4: {  	s29 =	simm.s32 $0x9;
	_ =	strace $0x80000048  }
0xb5: {  	_ =	swait.ge [sflag:s29], $0x1  }
0xb6: {  	[sflag:s29] =	ssyncadd.s32 $0xFFFFFFFF  }
0xb7: {  	_ =	strace $0x90000048  }
0xb8: {  	_ =	sfence  }
0xb9: {  	s30 =	sld [smem:$0x0];
	_ =	sdelay $0x2  }
0xba: {  	s31 =	sshll.u32 s1, $0xD;
	s1 =	sshrl.u32 s1, $0x2  }
0xbb: {  	s3 =	sand.u32 $0x4000, s31;
	s1 =	sadd.s32 s1, s30  }
0xbc: {  	s0 =	sor.u32 s3, s0;
	s1 =	sshll.u32 s1, $0x11  }
0xbd: {  	s0 =	sor.u32 s1, s0  }
0xbe: {  	s0 =	sadd.s32 $0x8F2B, s0  }
0xbf: {  	[sflag:s0] =	ssyncadd.remote.s32 $0x1  }
0xc0: {  	_ =	sfence.sel $0xFFFF  }
0xc1: {  	[dreg:$0x0] =	wrdreg $0xFFFFFFFF;
	(pc) =	sbr.abs _section_cstart, $3  }
0xc2: {  	[dreg:$0x1] =	wrdreg $0xFFFFFFFF  }
0xc3: {  	_ =	task.clear_ibuf [dreg:s8], $0x2FFFF;
	_ =	strace $0x9FFFFFFF  }
0xc4: {  	(tm) =	ssettm $0x7FFFFFFF  }
0xc5: {  	_ =	shalt  }
tec
execute0_lowered:
.L_overlay_start_1:
0x0: {  	(tag) =	ssettag $0x1  }
0x1: {  	s0 =	rddreg [dreg:$0x0]  }
0x2: {  	s1 =	rddreg [dreg:$0x1]  }
0x3: {  	s6 =	rddreg [dreg:$0x2]  }
0x4: {  	s2 =	simm.s32 $0x0;
	s3 =	srdreg.scid;
	s4 =	stileid.u32  }
0x5: {  	s13 =	simm.s32 $0x3;
	s16 =	simm.s32 $0x10;
	s21 =	simm.s32 $0x100  }
0x6: {  	s28 =	simm.s32 $0xF000;
	s29 =	simm.s32 $0xEC00;
	s30 =	simm.s32 $0x1  }
0x7: {  	s31 =	simm.s32 $0x2;
	[smem:$0x7FF] =	sst s2;
	s5 =	sand.u32 $0x1, s3  }
0x8: {  	s4 =	sshll.u32 s4, $0x1;
	s3 =	sadd.s32 $0xE00, s6;
	_ =	strace $0x80000047  }
0x9: {  	s9 =	sor.u32 s5, s4;
	s4 =	sadd.s32 $0x49000, s6;
	s8 =	ssub.s32 $0x2, s5  }
0xa: {  	s5 =	sadd.s32 $0xF8B400, s6;
	s7 =	sshll.u32 s9, $0xA;
	s24 =	sshrl.u32 s8, $0x1  }
0xb: {  	vm0 =	vmmov $0x1;
	vm1 =	vmmov $0x3;
	vm2 =	vmmov $0x7;
	s25 =	sshll.u32 s9, $0x6;
	s26 =	sshll.u32 s9, $0xC;
	s11 =	sadd.s32 s7, s6  }
0xc: {  	vm3 =	vmmov $0xf;
	vm4 =	vmmov $0x1f;
	vm5 =	vmmov $0x3f;
	s12 =	ssub.s32 s8, s24;
	s6 =	sshll.u32 s9, $0x9;
	s0 =	sadd.s32 s0, s25  }
0xd: {  	vm6 =	vmmov $0x7f;
	vm7 =	vmmov $0xff;
	vm8 =	vmmov $0x1ff;
	s8 =	sadd.s32 s1, s25;
	s10 =	sadd.s32 s3, s26;
	s25 =	simm.s32 $0xDC00  }
0xe: {  	vm9 =	vmmov $0x3ff;
	vm10 =	vmmov $0x7ff;
	vm11 =	vmmov $0xfff;
	s26 =	simm.s32 $0xE400;
	s1 =	simm.s32 $0x0;
	[dreg:$0x4] =	wrdreg s0  }
0xf: {  	vm12 =	vmmov $0x1fff;
	vm13 =	vmmov $0x3fff;
	vm14 =	vmmov $0x7fff;
	s9 =	sadd.s32 $0x41000, s11;
	s11 =	sadd.s32 $0x20E00, s11;
	s12 =	smax.u32 s12, $0x1  }
.LBB2_1:
0x10: {  	s0 =	rddreg [dreg:$0x4]  }
0x11: {  	[tilespmem:s2], [sflag:$0x3] =	stream.linear.gather [hbm4b:s0+s2], $0x200, $0x38;
	[tilespmem:$0x19000] =	vst v63  }
0x12: {  	_ =	swait.ge [sflag:s13], $0x200  }
0x13: {  	[sflag:s13] =	ssyncset.done $0x0  }
0x14: {  	s23 =	simm.s32 $0x200;
	[sflag:s13] =	ssyncadd.s32 $0xFFFFFE00  }
0x15: {  	[tilespmem:s23], [sflag:$0x3] =	stream.linear.gather [hbm4b:s8+s2], $0x200, $0x38;
	[tilespmem:$0x19000] =	vst v63  }
0x16: {  	_ =	swait.ge [sflag:s13], $0x200  }
0x17: {  	[sflag:s13] =	ssyncset.done $0x0  }
0x18: {  	s24 =	simm.s32 $0x400;
	[sflag:s13] =	ssyncadd.s32 $0xFFFFFE00  }
0x19: {  	[tilespmem:s24], [sflag:$0x3] =	stream.linear.gather [hbm4b:s9+s2], $0x2000, $0x38;
	[tilespmem:$0x19000] =	vst v63  }
0x1a: {  	_ =	swait.ge [sflag:s13], $0x2000  }
0x1b: {  	[sflag:s13] =	ssyncset.done $0x0  }
0x1c: {  	s14 =	simm.s32 $0x0;
	[sflag:s13] =	ssyncadd.s32 $0xFFFFE000  }
0x1d: {  	v0 =	vld [tilespmem:s14+$0x200]  }
0x1e: {  	s15 =	simm.s32 $0x40;
	v1 =	vld [tilespmem:s14+$0x0]  }
.LBB2_2:
0x1f: {  	p0 =	sne.s32 s15, $0x7C0  }
.Ltmp0:
0x20: {  	_ = 	snop;
	(pc) =	sbr.rel @p0 .LBB2_2-.Ltmp0, $4  }
0x21: {  	_ = 	snop  }
0x22: {  	s17 =	sshra.s32 s15, $0x2;
	s15 =	sadd.s32 $0x40, s15;
	[tilespmem:s14+$0x2600] =	vst v0  }
0x23: {  	v0 =	vld [tilespmem:s17+$0x200];
	[tilespmem:s14+$0x2400] =	vst v1;
	s14 =	smov.u32 s17  }
0x24: {  	v1 =	vld [tilespmem:s14+$0x0]  }
0x25: {  	_ =	sdelay $0x2  }
0x26: {  	s15 =	simm.s32 $0x0;
	[tilespmem:s14+$0x2600] =	vst v0  }
0x27: {  	s17 =	sand.u32 $0x1FF0, s15;
	[tilespmem:s14+$0x2400] =	vst v1  }
0x28: {  	v0 =	vld [tilespmem:s17+$0x400];
	_ =	sdelay $0x3  }
0x29: {  	s15 =	simm.s32 $0x10;
	s14 =	simm.s32 $0x2800  }
.LBB2_4:
0x2a: {  	s17 =	sand.u32 $0x1FF0, s15;
	p0 =	sne.s32 s15, $0x1FF0;
	s15 =	sadd.s32 $0x10, s15;
	[tilespmem:s14+$0x0] =	vst v0  }
.Ltmp1:
0x2b: {  	v0 =	vld [tilespmem:s17+$0x400];
	(pc) =	sbr.rel @p0 .LBB2_4-.Ltmp1, $2  }
0x2c: {  	_ =	sdelay $0x2  }
0x2d: {  	s14 =	sadd.s32 $0x10, s14  }
0x2e: {  	[tilespmem:s14+$0x0] =	vst v0;
	s0 =	simm.s32 $0x2400;
	s7 =	simm.s32 $0x4800  }
0x2f: {  	[tilespmem:s7], [sflag:$0x1] =	stream.indirect.gather [hbm4b:s4+s16], $0x80, s0, s16, $0xb8;
	[tilespmem:$0x19000] =	vst v63  }
0x30: {  	s19 =	simm.s32 $0x2600;
	s20 =	simm.s32 $0x5000  }
0x31: {  	[tilespmem:s20], [sflag:$0x1] =	stream.indirect.gather [hbm4b:s5+s16], $0x80, s19, s16, $0xb8;
	[tilespmem:$0x19000] =	vst v63  }
0x32: {  	s22 =	simm.s32 $0x2800;
	s23 =	simm.s32 $0x5C00;
	s14 =	simm.s32 $0x0  }
0x33: {  	[tilespmem:s23], [sflag:$0x1] =	stream.indirect.gather [hbm4b:s5+s21], $0x80, s22, s21, $0xb8;
	[tilespmem:$0x19000] =	vst v63  }
0x34: {  	s24 =	simm.s32 $0x5800;
	s15 =	simm.s32 $0x17100;
	s17 =	simm.s32 $0x0  }
0x35: {  	[tilespmem:s24], [sflag:$0x1] =	stream.linear.gather [hbm4b:s10+s14], $0x400, $0x38;
	[tilespmem:$0x19000] =	vst v63  }
.LBB2_6:
0x36: {  	s18 =	sshll.u32 s17, $0x5  }
0x37: {  	s19 =	sadd.s32 $0x2410, s18;
	s20 =	sor.u32 $0x10, s18  }
0x38: {  	[tilespmem:s25], [sflag:$0x2] =	stream.indirect.gather [hbm4b:s4+s16], $0x80, s19, s16, $0xb8;
	[tilespmem:$0x19000] =	vst v63  }
0x39: {  	s18 =	sadd.s32 $0x2610, s18;
	s22 =	sshll.u32 s20, $0x4  }
0x3a: {  	[tilespmem:s26], [sflag:$0x2] =	stream.indirect.gather [hbm4b:s5+s16], $0x80, s18, s16, $0xb8;
	[tilespmem:$0x19000] =	vst v63  }
0x3b: {  	s18 =	sand.u32 $0x3FFFFF00, s22  }
0x3c: {  	s23 =	sadd.s32 s6, s20;
	s18 =	sadd.s32 $0x2800, s18  }
0x3d: {  	[tilespmem:s28], [sflag:$0x2] =	stream.indirect.gather [hbm4b:s5+s21], $0x80, s18, s21, $0xb8;
	[tilespmem:$0x19000] =	vst v63  }
0x3e: {  	s18 =	sshll.u32 s23, $0x3  }
0x3f: {  	s18 =	sadd.s32 s3, s18  }
0x40: {  	[tilespmem:s29], [sflag:$0x2] =	stream.linear.gather [hbm4b:s18+s14], $0x400, $0x38;
	[tilespmem:$0x19000] =	vst v63  }
0x41: {  	_ =	swait.ge [sflag:s30], $0x800  }
0x42: {  	[sflag:s30] =	ssyncset.done $0x0  }
0x43: {  	[sflag:s30] =	ssyncadd.s32 $0xFFFFF800  }
0x44: {  	_ =	swait.ge [sflag:s30], $0x800  }
0x45: {  	[sflag:s30] =	ssyncset.done $0x0  }
0x46: {  	[sflag:s30] =	ssyncadd.s32 $0xFFFFF800  }
0x47: {  	_ =	swait.ge [sflag:s30], $0x8000  }
0x48: {  	[sflag:s30] =	ssyncset.done $0x0  }
0x49: {  	[sflag:s30] =	ssyncadd.s32 $0xFFFF8000  }
0x4a: {  	_ =	swait.ge [sflag:s30], $0x400  }
0x4b: {  	[sflag:s30] =	ssyncset.done $0x0  }
0x4c: {  	s24 =	simm.s32 $0x6000;
	[sflag:s30] =	ssyncadd.s32 $0xFFFFFC00  }
0x4d: {  	v7 =	vld [tilespmem:s24+$0x330]  }
0x4e: {  	v8 =	vld [tilespmem:s24+$0x320]  }
0x4f: {  	v9 =	vld [tilespmem:s24+$0x230]  }
0x50: {  	v2 =	vld [tilespmem:s24+$0x300]  }
0x51: {  	v10 =	vld [tilespmem:s24+$0x310]  }
0x52: {  	v11 =	vld [tilespmem:s24+$0x1B0]  }
0x53: {  	v12 =	vld [tilespmem:s24+$0x220]  }
0x54: {  	v13 =	vld [tilespmem:s24+$0x1A0]  }
0x55: {  	v14 =	vld [tilespmem:s24+$0x200]  }
0x56: {  	v15 =	vld [tilespmem:s24+$0x210]  }
0x57: {  	v16 =	vld [tilespmem:s24+$0xB0]  }
0x58: {  	v17 =	vld [tilespmem:s24+$0x180]  }
0x59: {  	v18 =	vld [tilespmem:s24+$0x190]  }
0x5a: {  	v19 =	vld [tilespmem:s24+$0x30]  }
0x5b: {  	s0 =	sand.u32 $0x3C0, s14;
	v20 =	vld [tilespmem:s24+$0xA0]  }
0x5c: {  	v3 =	vld [tilespmem:s0+$0x5820]  }
0x5d: {  	s20 =	simm.s32 $0x4820;
	v4 =	vld [tilespmem:s0+$0x5800]  }
0x5e: {  	v5 =	vld [tilespmem:s20+$0xFFFFFFE0]  }
0x5f: {  	v21 =	vld [tilespmem:s0+$0x5810]  }
0x60: {  	v22 =	vld [tilespmem:s20+$0xFFFFFFF0]  }
0x61: {  	v23 =	vld [tilespmem:s20+$0x0]  }
0x62: {  	v6 =	vld [tilespmem:s24+$0x100]  }
0x63: {  	v24 =	vld [tilespmem:s0+$0x5830]  }
0x64: {  	v25 =	vld [tilespmem:s20+$0x10]  }
0x65: {  	v26 =	vld [tilespmem:s24+$0x20]  }
0x66: {  	v27 =	vld [tilespmem:s24+$0x80]  }
0x67: {  	v28 =	vld [tilespmem:s24+$0x90]  }
0x68: {  	v29 =	vld [tilespmem:s24+$0xFFFFFF30]  }
0x69: {  	v30 =	vld [tilespmem:s24+$0x0]  }
0x6a: {  	v31 =	vld [tilespmem:s24+$0x10]  }
0x6b: {  	v32 =	vld [tilespmem:s24+$0xFFFFFEB0]  }
0x6c: {  	v33 =	vld [tilespmem:s24+$0xFFFFFF20];
	v4 =	vmul.f32 v4, v5;
	v5 =	vmul.f32 v21, v22  }
0x6d: {  	v39 =	vld [tilespmem:s24+$0xFFFFFF00];
	v3 =	vmul.f32 v3, v23  }
0x6e: {  	v40 =	vld [tilespmem:s24+$0xFFFFFF10];
	v22 =	vmul.f32 v2, v4;
	v10 =	vmul.f32 v10, v5  }
0x6f: {  	v43 =	vld [tilespmem:s24+$0xFFFFFD90];
	v2 =	vmul.f32 v24, v25;
	v14 =	vmul.f32 v14, v4  }
0x70: {  	v44 =	vld [tilespmem:s24+$0xFFFFFE00];
	v15 =	vmul.f32 v15, v5;
	v8 =	vmul.f32 v8, v3  }
0x71: {  	v45 =	vld [tilespmem:s24+$0xFFFFFD00];
	v12 =	vmul.f32 v12, v3;
	v41 =	vmul.f32 v28, v5  }
0x72: {  	s7 =	simm.s32 $0x5020;
	v47 =	vld [tilespmem:s24+$0xFFFFFD10];
	v42 =	vmul.f32 v31, v5;
	v20 =	vmul.f32 v20, v3;
	v10 =	vadd.f32 v10, v22  }
0x73: {  	v48 =	vld [tilespmem:s7+$0xFFFFFFE0];
	v26 =	vmul.f32 v26, v3;
	v7 =	vmul.f32 v7, v2;
	v14 =	vadd.f32 v15, v14  }
0x74: {  	v15 =	vld [tilespmem:s24+$0xFFFFFE80];
	v8 =	vadd.f32 v8, v10;
	v10 =	vmul.f32 v17, v4;
	v17 =	vmul.f32 v18, v5  }
0x75: {  	v46 =	vmul.f32 v40, v5;
	v9 =	vmul.f32 v9, v2;
	v18 =	vld [tilespmem:s24+$0xFFFFFE90];
	v12 =	vadd.f32 v12, v14  }
0x76: {  	v49 =	vld [tilespmem:s7+$0x0];
	v7 =	vadd.f32 v7, v8;
	v8 =	vadd.f32 v17, v10;
	v17 =	vmul.f32 v27, v4  }
0x77: {  	v51 =	vld [tilespmem:s7+$0x10];
	v11 =	vmul.f32 v11, v2;
	v10 =	vmul.f32 v13, v3  }
0x78: {  	v16 =	vmul.f32 v16, v2;
	v9 =	vadd.f32 v9, v12;
	v12 =	vld [tilespmem:s24+$0xFFFFFD80];
	v17 =	vadd.f32 v41, v17  }
0x79: {  	v23 =	vld [tilespmem:s24+$0xFFFFFEA0];
	v15 =	vmul.f32 v15, v4;
	v8 =	vadd.f32 v10, v8;
	v10 =	vmul.f32 v30, v4  }
0x7a: {  	v22 =	vld [tilespmem:s24+$0xFFFFFDB0];
	v18 =	vmul.f32 v18, v5;
	v17 =	vadd.f32 v20, v17;
	v20 =	vmul.f32 v39, v4  }
0x7b: {  	v13 =	vld [tilespmem:s24+$0xFFFFFDA0];
	v10 =	vadd.f32 v42, v10;
	v8 =	vadd.f32 v11, v8;
	v11 =	vmul.f32 v19, v2  }
0x7c: {  	v14 =	vld [tilespmem:s24+$0xFFFFFD30];
	v16 =	vadd.f32 v16, v17;
	v17 =	vadd.f32 v46, v20;
	v20 =	vmul.f32 v33, v3  }
0x7d: {  	v19 =	vld [tilespmem:s24+$0xFFFFFD20];
	v12 =	vmul.f32 v12, v4;
	v15 =	vadd.f32 v18, v15;
	v10 =	vadd.f32 v26, v10  }
0x7e: {  	v18 =	vmul.f32 v23, v3;
	v23 =	vld [tilespmem:s24+$0xFFFFFC80];
	v17 =	vadd.f32 v20, v17;
	v20 =	vmul.f32 v43, v5  }
0x7f: {  	v25 =	vmul.f32 v47, v5;
	v29 =	vmul.f32 v29, v2;
	v10 =	vadd.f32 v11, v10;
	v11 =	vld [tilespmem:s7+$0xFFFFFFF0]  }
0x80: {  	v50 =	vmul.f32 v32, v2;
	(xrf2) =	vadd.scan.msk.f32 $0xffff, v7;
	v13 =	vmul.f32 v13, v3;
	v12 =	vadd.f32 v20, v12;
	v20 =	vld [tilespmem:s24+$0xFFFFFC90]  }
0x81: {  	v21 =	vld [tilespmem:s24+$0xFFFFFF80];
	(xrf2) =	vadd.scan.msk.f32 $0xffff, v9;
	v9 =	vmul.f32 v48, v4;
	v15 =	vadd.f32 v18, v15;
	v18 =	vmul.f32 v45, v4  }
0x82: {  	v14 =	vmul.f32 v14, v2;
	v12 =	vadd.f32 v13, v12;
	v13 =	vmul.f32 v22, v2;
	v22 =	vld [tilespmem:s24+$0xFFFFFCA0]  }
0x83: {  	(xrf2) =	vadd.scan.msk.f32 $0xffff, v8;
	v7 =	vadd.f32 v50, v15;
	v15 =	vadd.f32 v25, v18;
	v18 =	vmul.f32 v19, v3;
	v19 =	vld [tilespmem:s24+$0xFFFFFE10]  }
0x84: {  	(xrf2) =	vadd.scan.msk.f32 $0xffff, v16;
	v17 =	vadd.f32 v29, v17;
	v11 =	vmul.f32 v11, v5;
	v12 =	vadd.f32 v13, v12;
	v13 =	vld [tilespmem:s24+$0xFFFFFCB0]  }
0x85: {  	(xrf2) =	vadd.scan.msk.f32 $0xffff, v10;
	v8 =	vadd.f32 v18, v15;
	v15 =	vmul.f32 v23, v4;
	v18 =	vmul.f32 v20, v5;
	v20 =	vld [tilespmem:s24+$0xFFFFFE20]  }
0x86: {  	v16 =	vld [tilespmem:s24+$0xFFFFFF90];
	v10 =	vmul.f32 v51, v2;
	(xrf2) =	vadd.scan.msk.f32 $0xffff, v17;
	v9 =	vadd.f32 v11, v9;
	v11 =	vmul.f32 v49, v3  }
0x87: {  	(xrf2) =	vadd.scan.msk.f32 $0xffff, v7;
	v7 =	vadd.f32 v14, v8;
	v15 =	vadd.f32 v18, v15;
	v18 =	vmul.f32 v22, v3;
	v22 =	vld [tilespmem:s24+$0xFFFFFE30]  }
0x88: {  	v14 =	vld [tilespmem:s24+$0x110];
	v17 =	vmul.f32 v19, v5;
	v9 =	vadd.f32 v11, v9;
	v11 =	vmul.f32 v44, v4  }
0x89: {  	v19 =	vld [tilespmem:s24+$0xFFFFFFA0];
	v8 =	vadd.f32 v18, v15;
	v13 =	vmul.f32 v13, v2  }
0x8a: {  	(xrf2) =	vadd.scan.msk.f32 $0xffff, v12;
	v12 =	vld [tilespmem:s24+$0xFFFFFFB0];
	v9 =	vadd.f32 v10, v9;
	v10 =	vadd.f32 v17, v11;
	v11 =	vmul.f32 v20, v3  }
0x8b: {  	(xrf2) =	vadd.scan.msk.f32 $0xffff, v7;
	v15 =	vld [tilespmem:s24+$0x120];
	v7 =	vadd.f32 v13, v8;
	v8 =	vmul.f32 v21, v4;
	v13 =	vmul.f32 v16, v5  }
0x8c: {  	(xrf2) =	vadd.scan.msk.f32 $0xffff, v9;
	v9 =	vadd.f32 v11, v10;
	v10 =	vmul.f32 v22, v2  }
0x8d: {  	v0 =	vld [tilespmem:s24+$0x380];
	v6 =	vmul.f32 v6, v4;
	v8 =	vadd.f32 v13, v8  }
0x8e: {  	v1 =	vld [tilespmem:s24+$0x280];
	v13 =	vmul.f32 v19, v3;
	v9 =	vadd.f32 v10, v9;
	v10 =	vmul.f32 v14, v5  }
0x8f: {  	v16, _, _ =	vpop (xrf2);
	v12 =	vmul.f32 v12, v2;
	v11 =	vld [tilespmem:s24+$0x290];
	(xrf2) =	vadd.scan.msk.f32 $0xffff, v7  }
0x90: {  	v7, _, _ =	vpop (xrf2);
	v8 =	vadd.f32 v13, v8;
	v6 =	vadd.f32 v10, v6;
	v10 =	vmul.f32 v15, v3;
	v15 =	vld [tilespmem:s24+$0x390]  }
0x91: {  	v17 =	vld [tilespmem:s24+$0x130];
	v18, _, _ =	vpop (xrf2)  }
0x92: {  	v14 =	vld [tilespmem:s24+$0x2A0];
	v19, _, _ =	vpop (xrf2);
	v8 =	vadd.f32 v12, v8  }
0x93: {  	(xrf2) =	vadd.scan.msk.f32 $0xffff, v9;
	v9, _, _ =	vpop (xrf2)  }
0x94: {  	v1 =	vmul.f32 v1, v4;
	v0 =	vmul.f32 v0, v4;
	v12, _, _ =	vpop (xrf2)  }
0x95: {  	v13 =	vld [tilespmem:s24+$0x2B0];
	v11 =	vmul.f32 v11, v5;
	v20, _, _ =	vpop (xrf2);
	v4 =	vmul.f32 v15, v5  }
0x96: {  	v6 =	vadd.f32 v10, v6;
	(xrf2) =	vadd.scan.msk.f32 $0xffff, v8;
	v8, _, _ =	vpop (xrf2)  }
0x97: {  	v10 =	vmul.f32 v17, v2;
	v1 =	vadd.f32 v11, v1;
	v11 =	vmul.f32 v14, v3;
	v14, _, _ =	vpop (xrf2)  }
0x98: {  	v17 =	vld [tilespmem:s24+$0x3A0];
	v5, _, _ =	vpop (xrf2)  }
0x99: {  	v6 =	vadd.f32 v10, v6;
	v0 =	vadd.f32 v4, v0;
	v4, _, _ =	vpop (xrf2)  }
0x9a: {  	v10 =	vmul.f32 v13, v2;
	v13 =	vld [tilespmem:s24+$0x3B0];
	v1 =	vadd.f32 v11, v1;
	v4 =	vbroadcast v4, $0xF;
	_ =	sdelay $0x1  }
0x9b: {  	(xrf2) =	vadd.scan.msk.f32 $0xffff, v6;
	v1 =	vadd.f32 v10, v1;
	v5 =	vbroadcast v5, $0xF  }
0x9c: {  	v3 =	vmul.f32 v17, v3  }
0x9d: {  	v6 =	vbroadcast v14, $0xF;
	(xrf2) =	vadd.scan.msk.f32 $0xffff, v1;
	v1 =	vsel vm0, v5, v4;
	v4, _, _ =	vpop (xrf2)  }
0x9e: {  	v0 =	vadd.f32 v3, v0;
	v2 =	vmul.f32 v13, v2;
	v4 =	vbroadcast v4, $0xF  }
0x9f: {  	v3 =	vbroadcast v8, $0xF  }
0xa0: {  	v0 =	vadd.f32 v2, v0;
	v1 =	vsel vm1, v1, v6  }
0xa1: {  	v2 =	vbroadcast v20, $0xF;
	v1 =	vsel vm2, v1, v3;
	v3 =	vbroadcast v12, $0xF  }
0xa2: {  	v1 =	vsel vm3, v1, v4;
	v4, _, _ =	vpop (xrf2)  }
0xa3: {  	(xrf2) =	vadd.scan.msk.f32 $0xffff, v0;
	v0 =	vsel vm4, v1, v2;
	v1 =	vbroadcast v4, $0xF  }
0xa4: {  	v2 =	vbroadcast v9, $0xF;
	v0 =	vsel vm5, v0, v3  }
0xa5: {  	v3, _, _ =	vpop (xrf2);
	v0 =	vsel vm6, v0, v1;
	v1 =	vbroadcast v19, $0xF  }
0xa6: {  	v0 =	vsel vm7, v0, v2;
	v2 =	vbroadcast v3, $0xF  }
0xa7: {  	v0 =	vsel vm8, v0, v1;
	v1 =	vbroadcast v18, $0xF  }
0xa8: {  	v3, _, _ =	vpop (xrf2);
	v0 =	vsel vm9, v0, v2  }
0xa9: {  	v2 =	vbroadcast v7, $0xF;
	v0 =	vsel vm10, v0, v1;
	v1 =	vbroadcast v3, $0xF  }
0xaa: {  	s20 =	sshll.u32 s17, $0x9  }
0xab: {  	s18 =	sand.u32 $0x3FFFFE00, s20;
	v0 =	vsel vm11, v0, v2;
	v2 =	vbroadcast v16, $0xF  }
0xac: {  	s22 =	sand.u32 $0x80, s14;
	s18 =	sadd.s32 $0x17000, s18;
	v0 =	vsel vm12, v0, v1  }
0xad: {  	s23 =	sand.u32 $0x70, s14;
	s19 =	sadd.s32 s22, s18;
	v0 =	vsel vm13, v0, v2;
	v1, _, _ =	vpop (xrf2)  }
0xae: {  	s19 =	sadd.s32 s23, s19;
	v0 =	vsel vm14, v0, v1  }
0xaf: {  	[tilespmem:s19+$0x0] =	vst v0;
	s19 =	simm.s32 $0x6800  }
0xb0: {  	v7 =	vld [tilespmem:s19+$0x330]  }
0xb1: {  	v0 =	vld [tilespmem:s19+$0x380]  }
0xb2: {  	v8 =	vld [tilespmem:s19+$0x320]  }
0xb3: {  	v10 =	vld [tilespmem:s19+$0x230]  }
0xb4: {  	v3 =	vld [tilespmem:s19+$0x300]  }
0xb5: {  	v9 =	vld [tilespmem:s19+$0x310]  }
0xb6: {  	v11 =	vld [tilespmem:s19+$0x1B0]  }
0xb7: {  	v12 =	vld [tilespmem:s19+$0x220]  }
0xb8: {  	v1 =	vld [tilespmem:s19+$0x280]  }
0xb9: {  	v13 =	vld [tilespmem:s19+$0x1A0]  }
0xba: {  	v14 =	vld [tilespmem:s19+$0x200]  }
0xbb: {  	v15 =	vld [tilespmem:s19+$0x210]  }
0xbc: {  	v16 =	vld [tilespmem:s19+$0xB0]  }
0xbd: {  	v17 =	vld [tilespmem:s19+$0x180]  }
0xbe: {  	v18 =	vld [tilespmem:s19+$0x190]  }
0xbf: {  	s24 =	simm.s32 $0x40;
	v19 =	vld [tilespmem:s19+$0x30]  }
0xc0: {  	s20 =	sand.u32 $0x3C0, s24;
	v20 =	vld [tilespmem:s19+$0xA0]  }
0xc1: {  	v2 =	vld [tilespmem:s20+$0x5820]  }
0xc2: {  	s22 =	simm.s32 $0x48A0;
	v4 =	vld [tilespmem:s20+$0x5800]  }
0xc3: {  	v5 =	vld [tilespmem:s22+$0xFFFFFFE0]  }
0xc4: {  	v21 =	vld [tilespmem:s20+$0x5810]  }
0xc5: {  	v22 =	vld [tilespmem:s22+$0xFFFFFFF0]  }
0xc6: {  	v23 =	vld [tilespmem:s22+$0x0]  }
0xc7: {  	v6 =	vld [tilespmem:s19+$0x100]  }
0xc8: {  	v52 =	vld [tilespmem:s20+$0x5830]  }
0xc9: {  	v53 =	vld [tilespmem:s22+$0x10]  }
0xca: {  	v54 =	vld [tilespmem:s19+$0x20]  }
0xcb: {  	v55 =	vld [tilespmem:s19+$0x80];
	v4 =	vmul.f32 v4, v5;
	v5 =	vmul.f32 v21, v22  }
0xcc: {  	v56 =	vld [tilespmem:s19+$0x90];
	v2 =	vmul.f32 v2, v23  }
0xcd: {  	v57 =	vld [tilespmem:s19+$0x10];
	v23 =	vmul.f32 v3, v4;
	v9 =	vmul.f32 v9, v5  }
0xce: {  	v58 =	vld [tilespmem:s19+$0xFFFFFEB0];
	v14 =	vmul.f32 v14, v4;
	v15 =	vmul.f32 v15, v5  }
0xcf: {  	v59 =	vld [tilespmem:s19+$0xFFFFFF20];
	v3 =	vmul.f32 v52, v53;
	v8 =	vmul.f32 v8, v2;
	v23 =	vadd.f32 v9, v23  }
0xd0: {  	v60 =	vld [tilespmem:s19+$0xFFFFFE90];
	v12 =	vmul.f32 v12, v2;
	v14 =	vadd.f32 v15, v14  }
0xd1: {  	v62 =	vld [tilespmem:s19+$0xFFFFFD80];
	v7 =	vmul.f32 v7, v3;
	v10 =	vmul.f32 v10, v3;
	v8 =	vadd.f32 v8, v23  }
0xd2: {  	v63 =	vld [tilespmem:s19+$0xFFFFFD90];
	v15 =	vmul.f32 v17, v4;
	v17 =	vmul.f32 v18, v5;
	v12 =	vadd.f32 v12, v14  }
0xd3: {  	v22 =	vld [tilespmem:s19+$0x0];
	v7 =	vadd.f32 v7, v8  }
0xd4: {  	v18 =	vmul.f32 v13, v2;
	v14 =	vld [tilespmem:s19+$0xFFFFFF00];
	v10 =	vadd.f32 v10, v12;
	v12 =	vadd.f32 v17, v15  }
0xd5: {  	v8 =	vld [tilespmem:s19+$0xFFFFFF10];
	v15 =	vmul.f32 v56, v5;
	(xrf2) =	vadd.scan.msk.f32 $0xffff, v7;
	v7 =	vmul.f32 v55, v4  }
0xd6: {  	v21 =	vld [tilespmem:s19+$0xFFFFFF30];
	v11 =	vmul.f32 v11, v3;
	v18 =	vadd.f32 v18, v12  }
0xd7: {  	v9 =	vld [tilespmem:s19+$0xFFFFFF80];
	v7 =	vadd.f32 v15, v7;
	v15 =	vmul.f32 v20, v2  }
0xd8: {  	v61 =	vmul.f32 v57, v5;
	v22 =	vmul.f32 v22, v4;
	v17 =	vld [tilespmem:s19+$0xFFFFFE80];
	(xrf2) =	vadd.scan.msk.f32 $0xffff, v10;
	v18 =	vadd.f32 v11, v18  }
0xd9: {  	v13 =	vld [tilespmem:s19+$0xFFFFFDB0];
	v14 =	vmul.f32 v14, v4;
	v7 =	vadd.f32 v15, v7;
	v15 =	vmul.f32 v16, v3  }
0xda: {  	v23 =	vld [tilespmem:s19+$0xFFFFFEA0];
	v20 =	vadd.f32 v61, v22;
	v22 =	vmul.f32 v54, v2;
	v8 =	vmul.f32 v8, v5;
	(xrf2) =	vadd.scan.msk.f32 $0xffff, v18  }
0xdb: {  	v19 =	vmul.f32 v19, v3;
	v12 =	vld [tilespmem:s19+$0xFFFFFD30];
	v7 =	vadd.f32 v15, v7  }
0xdc: {  	v10 =	vld [tilespmem:s19+$0xFFFFFDA0];
	v16 =	vadd.f32 v22, v20;
	v8 =	vadd.f32 v8, v14;
	v14 =	vmul.f32 v59, v2  }
0xdd: {  	v11 =	vld [tilespmem:s19+$0xFFFFFE00];
	v20 =	vmul.f32 v17, v4;
	(xrf2) =	vadd.scan.msk.f32 $0xffff, v7  }
0xde: {  	v22 =	vmul.f32 v60, v5;
	v17 =	vld [tilespmem:s19+$0xFFFFFD10];
	v19 =	vadd.f32 v19, v16;
	v8 =	vadd.f32 v14, v8  }
0xdf: {  	s23 =	simm.s32 $0x50A0;
	v18 =	vmul.f32 v21, v3;
	v15 =	vld [tilespmem:s19+$0xFFFFFD00]  }
0xe0: {  	v21 =	vmul.f32 v23, v2;
	v20 =	vadd.f32 v22, v20;
	v16 =	vld [tilespmem:s23+$0xFFFFFFE0];
	v7, _, _ =	vpop (xrf2);
	(xrf2) =	vadd.scan.msk.f32 $0xffff, v19  }
0xe1: {  	v23 =	vmul.f32 v63, v5;
	v22 =	vmul.f32 v62, v4;
	v14 =	vld [tilespmem:s19+$0xFFFFFD20];
	v18 =	vadd.f32 v18, v8  }
0xe2: {  	s24 =	simm.s32 $0x80;
	s20 =	simm.s32 $0x0;
	v20 =	vadd.f32 v21, v20;
	v21 =	vmul.f32 v58, v3;
	v19 =	vld [tilespmem:s23+$0xFFFFFFF0];
	v8, _, _ =	vpop (xrf2)  }
.LBB2_7:
0xe3: {  	p0 =	sne.s32 s24, $0x3C0;
	v24 =	vld [tilespmem:s23+$0x0];
	v22 =	vadd.f32 v23, v22;
	v23 =	vmul.f32 v10, v2;
	(xrf2) =	vadd.scan.msk.f32 $0xffff, v18  }
0xe4: {  	v15 =	vmul.f32 v15, v4;
	v18 =	vld [tilespmem:s19+$0xFFFFFC80];
	v17 =	vmul.f32 v17, v5;
	v20 =	vadd.f32 v21, v20;
	v10, _, _ =	vpop (xrf2)  }
0xe5: {  	v25 =	vmul.f32 v13, v3;
	v21 =	vld [tilespmem:s19+$0xFFFFFC90];
	v22 =	vadd.f32 v23, v22  }
0xe6: {  	v14 =	vmul.f32 v14, v2;
	v23 =	vld [tilespmem:s23+$0x10];
	v15 =	vadd.f32 v17, v15;
	(xrf2) =	vadd.scan.msk.f32 $0xffff, v20  }
0xe7: {  	v16 =	vmul.f32 v16, v4;
	v17 =	vmul.f32 v19, v5;
	v19 =	vld [tilespmem:s19+$0xFFFFFCA0];
	v20 =	vadd.f32 v25, v22;
	v13, _, _ =	vpop (xrf2)  }
0xe8: {  	v12 =	vmul.f32 v12, v3;
	v14 =	vadd.f32 v14, v15;
	v15 =	vld [tilespmem:s19+$0xFFFFFE10]  }
0xe9: {  	v16 =	vadd.f32 v17, v16;
	v17 =	vmul.f32 v24, v2;
	v22 =	vld [tilespmem:s19+$0xFFFFFCB0];
	(xrf2) =	vadd.scan.msk.f32 $0xffff, v20  }
0xea: {  	v18 =	vmul.f32 v18, v4;
	v20 =	vmul.f32 v21, v5;
	v12 =	vadd.f32 v12, v14;
	v14 =	vld [tilespmem:s19+$0xFFFFFE20];
	v21, _, _ =	vpop (xrf2)  }
0xeb: {  	v16 =	vadd.f32 v17, v16;
	v24 =	vmul.f32 v23, v3;
	v23 =	vld [tilespmem:s19+$0xFFFFFF90]  }
0xec: {  	v18 =	vadd.f32 v20, v18;
	v19 =	vmul.f32 v19, v2;
	v20 =	vld [tilespmem:s19+$0xFFFFFE30];
	(xrf2) =	vadd.scan.msk.f32 $0xffff, v12  }
0xed: {  	v11 =	vmul.f32 v11, v4;
	v12 =	vadd.f32 v24, v16;
	v15 =	vmul.f32 v15, v5;
	v16 =	vld [tilespmem:s19+$0xFFFFFFA0];
	v17, _, _ =	vpop (xrf2)  }
0xee: {  	v18 =	vadd.f32 v19, v18;
	v19 =	vmul.f32 v22, v3;
	v22 =	vld [tilespmem:s19+$0x110]  }
0xef: {  	v11 =	vadd.f32 v15, v11;
	v14 =	vmul.f32 v14, v2;
	v15 =	vld [tilespmem:s19+$0xFFFFFFB0];
	(xrf2) =	vadd.scan.msk.f32 $0xffff, v12  }
0xf0: {  	v9 =	vmul.f32 v9, v4;
	v12 =	vadd.f32 v19, v18;
	v18 =	vmul.f32 v23, v5;
	v19 =	vld [tilespmem:s19+$0x120];
	v23, _, _ =	vpop (xrf2)  }
0xf1: {  	v11 =	vadd.f32 v14, v11;
	v14 =	vmul.f32 v20, v3;
	v20 =	vld [tilespmem:s19+$0x290]  }
0xf2: {  	v9 =	vadd.f32 v18, v9;
	v16 =	vmul.f32 v16, v2;
	v18 =	vld [tilespmem:s19+$0x130];
	(xrf2) =	vadd.scan.msk.f32 $0xffff, v12  }
0xf3: {  	v6 =	vmul.f32 v6, v4;
	v11 =	vadd.f32 v14, v11;
	v12 =	vmul.f32 v22, v5;
	v14 =	vld [tilespmem:s19+$0x2A0];
	v22, _, _ =	vpop (xrf2)  }
0xf4: {  	v9 =	vadd.f32 v16, v9;
	v24 =	vmul.f32 v15, v3;
	v16 =	vld [tilespmem:s19+$0x2B0]  }
0xf5: {  	v6 =	vadd.f32 v12, v6;
	v12 =	vmul.f32 v19, v2;
	v19 =	vld [tilespmem:s19+$0x390];
	(xrf2) =	vadd.scan.msk.f32 $0xffff, v11  }
0xf6: {  	v1 =	vmul.f32 v1, v4;
	v9 =	vadd.f32 v24, v9;
	v11 =	vmul.f32 v20, v5;
	v15, _, _ =	vpop (xrf2)  }
0xf7: {  	v6 =	vadd.f32 v12, v6;
	v12 =	vmul.f32 v18, v3;
	v18 =	vld [tilespmem:s19+$0x3A0]  }
0xf8: {  	v1 =	vadd.f32 v11, v1;
	v11 =	vmul.f32 v14, v2;
	(xrf2) =	vadd.scan.msk.f32 $0xffff, v9  }
0xf9: {  	v6 =	vadd.f32 v12, v6;
	v9 =	vmul.f32 v16, v3;
	v12 =	vld [tilespmem:s19+$0x3B0];
	v14, _, _ =	vpop (xrf2)  }
0xfa: {  	v0 =	vmul.f32 v0, v4;
	v1 =	vadd.f32 v11, v1;
	v5 =	vmul.f32 v19, v5  }
0xfb: {  	(xrf2) =	vadd.scan.msk.f32 $0xffff, v6  }
0xfc: {  	v1 =	vadd.f32 v9, v1;
	v0 =	vadd.f32 v5, v0;
	v2 =	vmul.f32 v18, v2;
	v4, _, _ =	vpop (xrf2)  }
0xfd: {  	v5 =	vbroadcast v14, $0xF;
	v9 =	vbroadcast v4, $0xF  }
0xfe: {  	v6 =	vbroadcast v15, $0xF;
	v0 =	vadd.f32 v2, v0;
	v2 =	vmul.f32 v12, v3;
	(xrf2) =	vadd.scan.msk.f32 $0xffff, v1  }
0xff: {  	v3 =	vbroadcast v22, $0xF;
	v1 =	vsel vm0, v5, v9;
	v4, _, _ =	vpop (xrf2)  }
0x100: {  	v1 =	vsel vm1, v1, v6;
	v5 =	vbroadcast v4, $0xF;
	v0 =	vadd.f32 v2, v0  }
0x101: {  	v2 =	vbroadcast v23, $0xF;
	v1 =	vsel vm2, v1, v3  }
0x102: {  	v1 =	vsel vm3, v1, v5;
	v5 =	vbroadcast v17, $0xF;
	v4, _, _ =	vpop (xrf2);
	(xrf2) =	vadd.scan.msk.f32 $0xffff, v0  }
0x103: {  	v0 =	vsel vm4, v1, v2;
	v1 =	vbroadcast v4, $0xF  }
0x104: {  	v2 =	vbroadcast v21, $0xF;
	v0 =	vsel vm5, v0, v5  }
0x105: {  	v0 =	vsel vm6, v0, v1;
	v1 =	vbroadcast v13, $0xF;
	v3, _, _ =	vpop (xrf2)  }
0x106: {  	v0 =	vsel vm7, v0, v2;
	v2 =	vbroadcast v3, $0xF  }
0x107: {  	v0 =	vsel vm8, v0, v1;
	v1 =	vbroadcast v10, $0xF  }
0x108: {  	v0 =	vsel vm9, v0, v2;
	v2 =	vbroadcast v8, $0xF;
	v3, _, _ =	vpop (xrf2)  }
0x109: {  	v0 =	vsel vm10, v0, v1;
	v3 =	vbroadcast v3, $0xF  }
0x10a: {  	s20 =	sadd.s32 $0x10, s20;
	v0 =	vsel vm11, v0, v2;
	v2 =	vbroadcast v7, $0xF  }
0x10b: {  	s0 =	sand.u32 $0x80, s20;
	v0 =	vsel vm12, v0, v3  }
0x10c: {  	s7 =	sand.u32 $0x70, s20;
	s0 =	sadd.s32 s0, s18;
	v0 =	vsel vm13, v0, v2;
	v1, _, _ =	vpop (xrf2)  }
0x10d: {  	s0 =	sadd.s32 s7, s0;
	v0 =	vsel vm14, v0, v1  }
0x10e: {  	s19 =	sadd.s32 $0x800, s19;
	[tilespmem:s0+$0x0] =	vst v0  }
0x10f: {  	v7 =	vld [tilespmem:s19+$0x330]  }
0x110: {  	v0 =	vld [tilespmem:s19+$0x380]  }
0x111: {  	v8 =	vld [tilespmem:s19+$0x320]  }
0x112: {  	v10 =	vld [tilespmem:s19+$0x230]  }
0x113: {  	v3 =	vld [tilespmem:s19+$0x300]  }
0x114: {  	v9 =	vld [tilespmem:s19+$0x310]  }
0x115: {  	v11 =	vld [tilespmem:s19+$0x1B0]  }
0x116: {  	v12 =	vld [tilespmem:s19+$0x220]  }
0x117: {  	v1 =	vld [tilespmem:s19+$0x280]  }
0x118: {  	v13 =	vld [tilespmem:s19+$0x1A0]  }
0x119: {  	v14 =	vld [tilespmem:s19+$0x200]  }
0x11a: {  	v15 =	vld [tilespmem:s19+$0x210]  }
0x11b: {  	v16 =	vld [tilespmem:s19+$0xB0]  }
0x11c: {  	v17 =	vld [tilespmem:s19+$0x180]  }
0x11d: {  	v18 =	vld [tilespmem:s19+$0x190]  }
0x11e: {  	v19 =	vld [tilespmem:s19+$0x30]  }
0x11f: {  	s0 =	sand.u32 $0x3C0, s24;
	v20 =	vld [tilespmem:s19+$0xA0]  }
0x120: {  	v2 =	vld [tilespmem:s0+$0x5820]  }
0x121: {  	s22 =	sadd.s32 $0x80, s22;
	v4 =	vld [tilespmem:s0+$0x5800]  }
0x122: {  	v5 =	vld [tilespmem:s22+$0xFFFFFFE0]  }
0x123: {  	v21 =	vld [tilespmem:s0+$0x5810]  }
0x124: {  	v22 =	vld [tilespmem:s22+$0xFFFFFFF0]  }
0x125: {  	v23 =	vld [tilespmem:s22+$0x0]  }
0x126: {  	v6 =	vld [tilespmem:s19+$0x100]  }
0x127: {  	v24 =	vld [tilespmem:s0+$0x5830]  }
0x128: {  	v25 =	vld [tilespmem:s22+$0x10]  }
0x129: {  	v4 =	vmul.f32 v4, v5;
	v5 =	vmul.f32 v21, v22;
	v21 =	vld [tilespmem:s19+$0x20]  }
0x12a: {  	v2 =	vmul.f32 v2, v23;
	v22 =	vld [tilespmem:s19+$0x80]  }
0x12b: {  	v26 =	vmul.f32 v3, v4;
	v23 =	vld [tilespmem:s19+$0x90];
	v9 =	vmul.f32 v9, v5  }
0x12c: {  	v27 =	vld [tilespmem:s19+$0xFFFFFF30]  }
0x12d: {  	v8 =	vmul.f32 v8, v2;
	v3 =	vmul.f32 v24, v25;
	v24 =	vld [tilespmem:s19+$0x0];
	v9 =	vadd.f32 v9, v26  }
0x12e: {  	v14 =	vmul.f32 v14, v4;
	v15 =	vmul.f32 v15, v5;
	v25 =	vld [tilespmem:s19+$0x10]  }
0x12f: {  	v26 =	vld [tilespmem:s19+$0xFFFFFEB0];
	v8 =	vadd.f32 v8, v9;
	v7 =	vmul.f32 v7, v3  }
0x130: {  	v12 =	vmul.f32 v12, v2;
	v14 =	vadd.f32 v15, v14;
	v28 =	vld [tilespmem:s19+$0xFFFFFF20]  }
0x131: {  	v15 =	vmul.f32 v17, v4;
	v17 =	vmul.f32 v18, v5;
	v9 =	vld [tilespmem:s19+$0xFFFFFF80];
	v7 =	vadd.f32 v7, v8  }
0x132: {  	v12 =	vadd.f32 v12, v14;
	v10 =	vmul.f32 v10, v3;
	v8 =	vld [tilespmem:s19+$0xFFFFFEA0]  }
0x133: {  	v15 =	vadd.f32 v17, v15;
	v17 =	vmul.f32 v13, v2;
	v14 =	vld [tilespmem:s19+$0xFFFFFF00];
	(xrf2) =	vadd.scan.msk.f32 $0xffff, v7  }
0x134: {  	v18 =	vmul.f32 v22, v4;
	v22 =	vmul.f32 v23, v5;
	v10 =	vadd.f32 v10, v12;
	v7 =	vld [tilespmem:s19+$0xFFFFFF10]  }
0x135: {  	v11 =	vmul.f32 v11, v3;
	v12 =	vadd.f32 v17, v15;
	v13 =	vld [tilespmem:s19+$0xFFFFFDB0]  }
0x136: {  	v15 =	vadd.f32 v22, v18;
	v18 =	vmul.f32 v20, v2;
	v17 =	vld [tilespmem:s19+$0xFFFFFE80];
	(xrf2) =	vadd.scan.msk.f32 $0xffff, v10  }
0x137: {  	v22 =	vmul.f32 v24, v4;
	v23 =	vmul.f32 v25, v5;
	v11 =	vadd.f32 v11, v12;
	v20 =	vld [tilespmem:s19+$0xFFFFFE90]  }
0x138: {  	v16 =	vmul.f32 v16, v3;
	v15 =	vadd.f32 v18, v15;
	v12 =	vld [tilespmem:s19+$0xFFFFFD30]  }
0x139: {  	v21 =	vmul.f32 v21, v2;
	v18 =	vadd.f32 v23, v22;
	v10 =	vld [tilespmem:s19+$0xFFFFFDA0];
	(xrf2) =	vadd.scan.msk.f32 $0xffff, v11  }
0x13a: {  	v15 =	vadd.f32 v16, v15;
	v14 =	vmul.f32 v14, v4;
	v24 =	vmul.f32 v7, v5;
	v22 =	vld [tilespmem:s19+$0xFFFFFD80]  }
0x13b: {  	v16 =	vadd.f32 v21, v18;
	v18 =	vmul.f32 v19, v3;
	v23 =	vld [tilespmem:s19+$0xFFFFFD90]  }
0x13c: {  	v19 =	vmul.f32 v28, v2;
	v14 =	vadd.f32 v24, v14;
	v11 =	vld [tilespmem:s19+$0xFFFFFE00];
	(xrf2) =	vadd.scan.msk.f32 $0xffff, v15  }
.Ltmp2:
0x13d: {  	v16 =	vadd.f32 v18, v16;
	v21 =	vmul.f32 v17, v4;
	v20 =	vmul.f32 v20, v5;
	v15 =	vld [tilespmem:s19+$0xFFFFFD00];
	v7, _, _ =	vpop (xrf2);
	(pc) =	sbr.rel @p0 .LBB2_7-.Ltmp2, $4  }
0x13e: {  	v18 =	vadd.f32 v19, v14;
	v19 =	vmul.f32 v27, v3;
	v17 =	vld [tilespmem:s19+$0xFFFFFD10]  }
0x13f: {  	s23 =	sadd.s32 $0x80, s23;
	v20 =	vadd.f32 v20, v21;
	v21 =	vmul.f32 v8, v2;
	v14 =	vld [tilespmem:s19+$0xFFFFFD20];
	(xrf2) =	vadd.scan.msk.f32 $0xffff, v16  }
0x140: {  	v22 =	vmul.f32 v22, v4;
	v18 =	vadd.f32 v19, v18;
	v16 =	vld [tilespmem:s23+$0xFFFFFFE0];
	v23 =	vmul.f32 v23, v5;
	v8, _, _ =	vpop (xrf2)  }
0x141: {  	s24 =	sadd.s32 $0x40, s24;
	v20 =	vadd.f32 v21, v20;
	v21 =	vmul.f32 v26, v3;
	v19 =	vld [tilespmem:s23+$0xFFFFFFF0]  }
0x142: {  	v24 =	vld [tilespmem:s23+$0x0]  }
0x143: {  	v25 =	vld [tilespmem:s19+$0xFFFFFC80]  }
0x144: {  	v22 =	vadd.f32 v23, v22;
	v10 =	vmul.f32 v10, v2;
	v23 =	vld [tilespmem:s19+$0xFFFFFC90]  }
0x145: {  	v15 =	vmul.f32 v15, v4;
	v26 =	vld [tilespmem:s23+$0x10];
	v17 =	vmul.f32 v17, v5  }
0x146: {  	v13 =	vmul.f32 v13, v3;
	v10 =	vadd.f32 v10, v22;
	v22 =	vld [tilespmem:s19+$0xFFFFFCA0]  }
0x147: {  	v20 =	vadd.f32 v21, v20;
	v14 =	vmul.f32 v14, v2;
	v15 =	vadd.f32 v17, v15;
	v17 =	vld [tilespmem:s19+$0xFFFFFE10]  }
0x148: {  	v16 =	vmul.f32 v16, v4;
	v19 =	vmul.f32 v19, v5;
	v10 =	vadd.f32 v13, v10;
	v13 =	vld [tilespmem:s19+$0xFFFFFCB0]  }
0x149: {  	v14 =	vadd.f32 v14, v15;
	v15 =	vmul.f32 v25, v4;
	v21 =	vmul.f32 v23, v5;
	v23 =	vld [tilespmem:s19+$0xFFFFFE20]  }
0x14a: {  	v12 =	vmul.f32 v12, v3;
	v16 =	vadd.f32 v19, v16;
	v19 =	vmul.f32 v24, v2;
	v24 =	vld [tilespmem:s19+$0xFFFFFF90]  }
0x14b: {  	v11 =	vmul.f32 v11, v4;
	v15 =	vadd.f32 v21, v15;
	v21 =	vmul.f32 v22, v2;
	v22 =	vld [tilespmem:s19+$0xFFFFFE30]  }
0x14c: {  	(xrf2) =	vadd.scan.msk.f32 $0xffff, v18;
	v18 =	vld [tilespmem:s19+$0xFFFFFFA0];
	v25 =	vmul.f32 v26, v3;
	v16 =	vadd.f32 v19, v16;
	v17 =	vmul.f32 v17, v5  }
0x14d: {  	(xrf2) =	vadd.scan.msk.f32 $0xffff, v20;
	v12 =	vadd.f32 v12, v14;
	v14 =	vadd.f32 v21, v15;
	v13 =	vmul.f32 v13, v3;
	v15 =	vld [tilespmem:s19+$0x110]  }
0x14e: {  	(xrf2) =	vadd.scan.msk.f32 $0xffff, v10;
	v10 =	vadd.f32 v25, v16;
	v11 =	vadd.f32 v17, v11;
	v16 =	vmul.f32 v23, v2;
	v17 =	vld [tilespmem:s19+$0xFFFFFFB0]  }
0x14f: {  	v9 =	vmul.f32 v9, v4;
	(xrf2) =	vadd.scan.msk.f32 $0xffff, v12;
	v12 =	vadd.f32 v13, v14;
	v13 =	vmul.f32 v24, v5;
	v14 =	vld [tilespmem:s19+$0x120]  }
0x150: {  	(xrf2) =	vadd.scan.msk.f32 $0xffff, v10;
	v10 =	vadd.f32 v16, v11;
	v11 =	vmul.f32 v22, v3  }
0x151: {  	v9 =	vadd.f32 v13, v9;
	v13 =	vmul.f32 v18, v2  }
0x152: {  	v6 =	vmul.f32 v6, v4;
	v16 =	vld [tilespmem:s19+$0x290];
	v10 =	vadd.f32 v11, v10;
	v11 =	vmul.f32 v15, v5  }
0x153: {  	v18 =	vld [tilespmem:s19+$0x130];
	(xrf2) =	vadd.scan.msk.f32 $0xffff, v12;
	v9 =	vadd.f32 v13, v9  }
0x154: {  	v13 =	vmul.f32 v17, v3;
	v6 =	vadd.f32 v11, v6;
	v11 =	vmul.f32 v14, v2;
	v14 =	vld [tilespmem:s19+$0x390]  }
0x155: {  	v15, _, _ =	vpop (xrf2)  }
0x156: {  	v17 =	vld [tilespmem:s19+$0x2B0];
	v19, _, _ =	vpop (xrf2);
	v9 =	vadd.f32 v13, v9  }
0x157: {  	v1 =	vmul.f32 v1, v4;
	v12 =	vld [tilespmem:s19+$0x2A0];
	(xrf2) =	vadd.scan.msk.f32 $0xffff, v10;
	v10, _, _ =	vpop (xrf2)  }
0x158: {  	v0 =	vmul.f32 v0, v4;
	v13 =	vmul.f32 v16, v5;
	v16, _, _ =	vpop (xrf2)  }
0x159: {  	v6 =	vadd.f32 v11, v6;
	v11 =	vmul.f32 v18, v3;
	v20, _, _ =	vpop (xrf2);
	v4 =	vmul.f32 v14, v5  }
0x15a: {  	(xrf2) =	vadd.scan.msk.f32 $0xffff, v9;
	v9, _, _ =	vpop (xrf2)  }
0x15b: {  	v6 =	vadd.f32 v11, v6;
	v11 =	vmul.f32 v17, v3;
	v17, _, _ =	vpop (xrf2)  }
0x15c: {  	v18 =	vld [tilespmem:s19+$0x3A0];
	v12 =	vmul.f32 v12, v2;
	v1 =	vadd.f32 v13, v1;
	v5, _, _ =	vpop (xrf2)  }
0x15d: {  	v0 =	vadd.f32 v4, v0;
	v4, _, _ =	vpop (xrf2)  }
0x15e: {  	v13 =	vld [tilespmem:s19+$0x3B0];
	v1 =	vadd.f32 v12, v1;
	v4 =	vbroadcast v4, $0xF;
	_ =	sdelay $0x1  }
0x15f: {  	(xrf2) =	vadd.scan.msk.f32 $0xffff, v6;
	v1 =	vadd.f32 v11, v1;
	v5 =	vbroadcast v5, $0xF  }
0x160: {  	v2 =	vmul.f32 v18, v2  }
0x161: {  	v6 =	vbroadcast v17, $0xF;
	(xrf2) =	vadd.scan.msk.f32 $0xffff, v1;
	v1 =	vsel vm0, v5, v4;
	v4, _, _ =	vpop (xrf2)  }
0x162: {  	v0 =	vadd.f32 v2, v0;
	v2 =	vmul.f32 v13, v3;
	v4 =	vbroadcast v4, $0xF  }
0x163: {  	v3 =	vbroadcast v9, $0xF  }
0x164: {  	v0 =	vadd.f32 v2, v0;
	v1 =	vsel vm1, v1, v6  }
0x165: {  	v2 =	vbroadcast v20, $0xF;
	v1 =	vsel vm2, v1, v3;
	v3 =	vbroadcast v16, $0xF  }
0x166: {  	v1 =	vsel vm3, v1, v4;
	v4, _, _ =	vpop (xrf2)  }
0x167: {  	(xrf2) =	vadd.scan.msk.f32 $0xffff, v0;
	v0 =	vsel vm4, v1, v2;
	v1 =	vbroadcast v4, $0xF  }
0x168: {  	v2 =	vbroadcast v10, $0xF;
	v0 =	vsel vm5, v0, v3  }
0x169: {  	v3, _, _ =	vpop (xrf2);
	v0 =	vsel vm6, v0, v1;
	v1 =	vbroadcast v19, $0xF  }
0x16a: {  	v0 =	vsel vm7, v0, v2;
	v2 =	vbroadcast v3, $0xF  }
0x16b: {  	v0 =	vsel vm8, v0, v1;
	v1 =	vbroadcast v15, $0xF  }
0x16c: {  	v3, _, _ =	vpop (xrf2);
	v0 =	vsel vm9, v0, v2  }
0x16d: {  	v2 =	vbroadcast v8, $0xF;
	v0 =	vsel vm10, v0, v1;
	v1 =	vbroadcast v3, $0xF;
	_ =	sdelay $0x1  }
0x16e: {  	s0 =	sadd.s32 $0x10, s20;
	p0 =	seq.s32 s17, $0xF;
	v0 =	vsel vm11, v0, v2;
	v2 =	vbroadcast v7, $0xF  }
0x16f: {  	s7 =	sand.u32 $0x80, s0;
	s19 =	sshll.u32 @!p0 s17, $0x1;
	v0 =	vsel vm12, v0, v1  }
0x170: {  	s0 =	sand.u32 $0x70, s0;
	s7 =	sadd.s32 s7, s18;
	s18 =	sadd.s32 @!p0 $0x2, s19;
	v0 =	vsel vm13, v0, v2;
	v1, _, _ =	vpop (xrf2)  }
0x171: {  	s0 =	sadd.s32 s0, s7;
	s7 =	sshll.u32 @!p0 s18, $0x4;
	v0 =	vsel vm14, v0, v1  }
0x172: {  	s20 =	simm.s32 @!p0 $0x4800;
	s19 =	simm.s32 @!p0 $0x10;
	[tilespmem:s0+$0x0] =	vst v0;
	s0 =	sadd.s32 @!p0 $0x2400, s7  }
0x173: {  	[tilespmem:s20], [sflag:$0x1] =	stream.indirect.gather @!p0 [hbm4b:s4+s19], $0x80, s0, s19, $0xb8;
	[tilespmem:$0x19000] =	vst v63  }
0x174: {  	s0 =	sadd.s32 @!p0 $0x2600, s7;
	s20 =	simm.s32 @!p0 $0x5000  }
0x175: {  	[tilespmem:s20], [sflag:$0x1] =	stream.indirect.gather @!p0 [hbm4b:s5+s19], $0x80, s0, s19, $0xb8;
	[tilespmem:$0x19000] =	vst v63  }
0x176: {  	s0 =	sshll.u32 @!p0 s18, $0x8  }
0x177: {  	s0 =	sand.u32 @!p0 $0x3FFFFE00, s0  }
0x178: {  	s18 =	simm.s32 @!p0 $0x100;
	s19 =	simm.s32 @!p0 $0x5C00;
	s0 =	sadd.s32 @!p0 $0x2800, s0  }
0x179: {  	[tilespmem:s19], [sflag:$0x1] =	stream.indirect.gather @!p0 [hbm4b:s5+s18], $0x80, s0, s18, $0xb8;
	[tilespmem:$0x19000] =	vst v63  }
0x17a: {  	s0 =	sadd.s32 @!p0 s6, s7  }
0x17b: {  	s0 =	sshll.u32 @!p0 s0, $0x3  }
0x17c: {  	s7 =	simm.s32 @!p0 $0x0;
	s18 =	simm.s32 @!p0 $0x5800;
	s0 =	sadd.s32 @!p0 s3, s0  }
0x17d: {  	[tilespmem:s18], [sflag:$0x1] =	stream.linear.gather @!p0 [hbm4b:s0+s7], $0x400, $0x38;
	[tilespmem:$0x19000] =	vst v63  }
0x17e: {  	_ =	swait.ge [sflag:s31], $0x800  }
0x17f: {  	[sflag:s31] =	ssyncset.done $0x0  }
0x180: {  	[sflag:s31] =	ssyncadd.s32 $0xFFFFF800  }
0x181: {  	_ =	swait.ge [sflag:s31], $0x800  }
0x182: {  	[sflag:s31] =	ssyncset.done $0x0  }
0x183: {  	[sflag:s31] =	ssyncadd.s32 $0xFFFFF800  }
0x184: {  	_ =	swait.ge [sflag:s31], $0x8000  }
0x185: {  	[sflag:s31] =	ssyncset.done $0x0  }
0x186: {  	[sflag:s31] =	ssyncadd.s32 $0xFFFF8000  }
0x187: {  	_ =	swait.ge [sflag:s31], $0x400  }
0x188: {  	[sflag:s31] =	ssyncset.done $0x0  }
0x189: {  	s19 =	simm.s32 $0xF400;
	[sflag:s31] =	ssyncadd.s32 $0xFFFFFC00  }
0x18a: {  	v0 =	vld [tilespmem:s19+$0x330]  }
0x18b: {  	v1 =	vld [tilespmem:s19+$0x380]  }
0x18c: {  	v8 =	vld [tilespmem:s19+$0x320]  }
0x18d: {  	v9 =	vld [tilespmem:s19+$0x230]  }
0x18e: {  	v4 =	vld [tilespmem:s19+$0x300]  }
0x18f: {  	v10 =	vld [tilespmem:s19+$0x310]  }
0x190: {  	v11 =	vld [tilespmem:s19+$0x1B0]  }
0x191: {  	v12 =	vld [tilespmem:s19+$0x220]  }
0x192: {  	v2 =	vld [tilespmem:s19+$0x280]  }
0x193: {  	v13 =	vld [tilespmem:s19+$0x1A0]  }
0x194: {  	v14 =	vld [tilespmem:s19+$0x200]  }
0x195: {  	v15 =	vld [tilespmem:s19+$0x210]  }
0x196: {  	v16 =	vld [tilespmem:s19+$0xB0]  }
0x197: {  	v17 =	vld [tilespmem:s19+$0x180]  }
0x198: {  	v18 =	vld [tilespmem:s19+$0x190]  }
0x199: {  	s18 =	simm.s32 $0x0;
	v19 =	vld [tilespmem:s19+$0x30]  }
0x19a: {  	s24 =	sand.u32 $0x3C0, s18;
	v20 =	vld [tilespmem:s19+$0xA0]  }
0x19b: {  	v3 =	vld [tilespmem:s24+$0xEC20]  }
0x19c: {  	s20 =	simm.s32 $0xDC20;
	v5 =	vld [tilespmem:s24+$0xEC00]  }
0x19d: {  	v6 =	vld [tilespmem:s20+$0xFFFFFFE0]  }
0x19e: {  	v21 =	vld [tilespmem:s24+$0xEC10]  }
0x19f: {  	v22 =	vld [tilespmem:s20+$0xFFFFFFF0]  }
0x1a0: {  	v23 =	vld [tilespmem:s20+$0x0]  }
0x1a1: {  	v7 =	vld [tilespmem:s19+$0x100]  }
0x1a2: {  	v24 =	vld [tilespmem:s24+$0xEC30]  }
0x1a3: {  	v25 =	vld [tilespmem:s20+$0x10]  }
0x1a4: {  	v26 =	vld [tilespmem:s19+$0x20]  }
0x1a5: {  	v27 =	vld [tilespmem:s19+$0x80];
	v5 =	vmul.f32 v5, v6;
	v6 =	vmul.f32 v21, v22  }
0x1a6: {  	v28 =	vld [tilespmem:s19+$0x90];
	v3 =	vmul.f32 v3, v23  }
0x1a7: {  	v29 =	vld [tilespmem:s19+$0x10];
	v23 =	vmul.f32 v4, v5;
	v10 =	vmul.f32 v10, v6  }
0x1a8: {  	v30 =	vld [tilespmem:s19+$0xFFFFFEB0];
	v14 =	vmul.f32 v14, v5;
	v15 =	vmul.f32 v15, v6  }
0x1a9: {  	v21 =	vld [tilespmem:s19+$0xFFFFFF30];
	v4 =	vmul.f32 v24, v25;
	v8 =	vmul.f32 v8, v3;
	v23 =	vadd.f32 v10, v23  }
0x1aa: {  	v22 =	vld [tilespmem:s19+$0x0];
	v12 =	vmul.f32 v12, v3;
	v14 =	vadd.f32 v15, v14  }
0x1ab: {  	v24 =	vld [tilespmem:s19+$0xFFFFFF20];
	v17 =	vmul.f32 v17, v5;
	v0 =	vmul.f32 v0, v4;
	v8 =	vadd.f32 v8, v23  }
0x1ac: {  	v18 =	vmul.f32 v18, v6;
	v10 =	vld [tilespmem:s19+$0xFFFFFF80];
	v9 =	vmul.f32 v9, v4;
	v12 =	vadd.f32 v12, v14  }
0x1ad: {  	v13 =	vmul.f32 v13, v3;
	v15 =	vld [tilespmem:s19+$0xFFFFFF00];
	v0 =	vadd.f32 v0, v8  }
0x1ae: {  	v25 =	vmul.f32 v29, v6;
	v23 =	vld [tilespmem:s19+$0xFFFFFEA0];
	v9 =	vadd.f32 v9, v12;
	v12 =	vadd.f32 v18, v17  }
0x1af: {  	v8 =	vld [tilespmem:s19+$0xFFFFFF10];
	v17 =	vmul.f32 v28, v6;
	(xrf2) =	vadd.scan.msk.f32 $0xffff, v0;
	v0 =	vmul.f32 v27, v5  }
0x1b0: {  	v22 =	vmul.f32 v22, v5;
	v14 =	vld [tilespmem:s19+$0xFFFFFDB0];
	v12 =	vadd.f32 v13, v12;
	v27 =	vmul.f32 v11, v4  }
0x1b1: {  	v18 =	vld [tilespmem:s19+$0xFFFFFE80];
	v0 =	vadd.f32 v17, v0;
	v17 =	vmul.f32 v20, v3  }
0x1b2: {  	v13 =	vld [tilespmem:s19+$0xFFFFFD30];
	(xrf2) =	vadd.scan.msk.f32 $0xffff, v9;
	v20 =	vadd.f32 v25, v22;
	v25 =	vadd.f32 v27, v12  }
0x1b3: {  	v16 =	vmul.f32 v16, v4;
	v9 =	vld [tilespmem:s19+$0xFFFFFE90];
	v22 =	vmul.f32 v26, v3;
	v0 =	vadd.f32 v17, v0  }
0x1b4: {  	v15 =	vmul.f32 v15, v5;
	v11 =	vld [tilespmem:s19+$0xFFFFFDA0];
	v8 =	vmul.f32 v8, v6;
	(xrf2) =	vadd.scan.msk.f32 $0xffff, v25  }
0x1b5: {  	v26 =	vld [tilespmem:s19+$0xFFFFFD80];
	v17 =	vadd.f32 v22, v20;
	v22 =	vadd.f32 v16, v0  }
0x1b6: {  	v19 =	vmul.f32 v19, v4;
	v27 =	vld [tilespmem:s19+$0xFFFFFD90];
	v8 =	vadd.f32 v8, v15  }
0x1b7: {  	v12 =	vld [tilespmem:s19+$0xFFFFFE00];
	v20 =	vmul.f32 v24, v3;
	(xrf2) =	vadd.scan.msk.f32 $0xffff, v22  }
0x1b8: {  	v15 =	vld [tilespmem:s19+$0xFFFFFD00];
	v0 =	vmul.f32 v18, v5;
	v9 =	vmul.f32 v9, v6;
	v19 =	vadd.f32 v19, v17  }
0x1b9: {  	v21 =	vmul.f32 v21, v4;
	v18 =	vld [tilespmem:s19+$0xFFFFFD10];
	v20 =	vadd.f32 v20, v8  }
0x1ba: {  	s22 =	simm.s32 $0xE420;
	v63 =	vmul.f32 v23, v3;
	v16 =	vld [tilespmem:s19+$0xFFFFFD20];
	v25 =	vadd.f32 v9, v0;
	v8, _, _ =	vpop (xrf2);
	(xrf2) =	vadd.scan.msk.f32 $0xffff, v19  }
0x1bb: {  	v17 =	vld [tilespmem:s22+$0xFFFFFFE0];
	v23 =	vmul.f32 v26, v5;
	v24 =	vmul.f32 v27, v6;
	v19 =	vadd.f32 v21, v20  }
0x1bc: {  	s23 =	simm.s32 $0x40;
	v0 =	vmov s15;
	v22 =	vmul.f32 v30, v4;
	v20 =	vld [tilespmem:s22+$0xFFFFFFF0];
	v21 =	vadd.f32 v63, v25;
	v9, _, _ =	vpop (xrf2)  }
.LBB2_9:
0x1bd: {  	p0 =	sne.s32 s23, $0x3C0;
	v25 =	vld [tilespmem:s22+$0x0];
	v23 =	vadd.f32 v24, v23;
	v24 =	vmul.f32 v11, v3;
	(xrf2) =	vadd.scan.msk.f32 $0xffff, v19  }
0x1be: {  	v15 =	vmul.f32 v15, v5;
	v19 =	vld [tilespmem:s19+$0xFFFFFC80];
	v18 =	vmul.f32 v18, v6;
	v21 =	vadd.f32 v22, v21;
	v11, _, _ =	vpop (xrf2)  }
0x1bf: {  	v26 =	vmul.f32 v14, v4;
	v22 =	vld [tilespmem:s19+$0xFFFFFC90];
	v23 =	vadd.f32 v24, v23  }
0x1c0: {  	v16 =	vmul.f32 v16, v3;
	v24 =	vld [tilespmem:s22+$0x10];
	v15 =	vadd.f32 v18, v15;
	(xrf2) =	vadd.scan.msk.f32 $0xffff, v21  }
0x1c1: {  	v17 =	vmul.f32 v17, v5;
	v18 =	vmul.f32 v20, v6;
	v20 =	vld [tilespmem:s19+$0xFFFFFCA0];
	v21 =	vadd.f32 v26, v23;
	v14, _, _ =	vpop (xrf2)  }
0x1c2: {  	v13 =	vmul.f32 v13, v4;
	v15 =	vadd.f32 v16, v15;
	v16 =	vld [tilespmem:s19+$0xFFFFFE10]  }
0x1c3: {  	v17 =	vadd.f32 v18, v17;
	v18 =	vmul.f32 v25, v3;
	v23 =	vld [tilespmem:s19+$0xFFFFFCB0];
	(xrf2) =	vadd.scan.msk.f32 $0xffff, v21  }
0x1c4: {  	v19 =	vmul.f32 v19, v5;
	v21 =	vmul.f32 v22, v6;
	v13 =	vadd.f32 v13, v15;
	v15 =	vld [tilespmem:s19+$0xFFFFFE20];
	v22, _, _ =	vpop (xrf2)  }
0x1c5: {  	v17 =	vadd.f32 v18, v17;
	v25 =	vmul.f32 v24, v4;
	v24 =	vld [tilespmem:s19+$0xFFFFFF90]  }
0x1c6: {  	v19 =	vadd.f32 v21, v19;
	v20 =	vmul.f32 v20, v3;
	v21 =	vld [tilespmem:s19+$0xFFFFFE30];
	(xrf2) =	vadd.scan.msk.f32 $0xffff, v13  }
0x1c7: {  	v12 =	vmul.f32 v12, v5;
	v13 =	vadd.f32 v25, v17;
	v16 =	vmul.f32 v16, v6;
	v17 =	vld [tilespmem:s19+$0xFFFFFFA0];
	v18, _, _ =	vpop (xrf2)  }
0x1c8: {  	v19 =	vadd.f32 v20, v19;
	v20 =	vmul.f32 v23, v4;
	v23 =	vld [tilespmem:s19+$0x110]  }
0x1c9: {  	v12 =	vadd.f32 v16, v12;
	v15 =	vmul.f32 v15, v3;
	v16 =	vld [tilespmem:s19+$0xFFFFFFB0];
	(xrf2) =	vadd.scan.msk.f32 $0xffff, v13  }
0x1ca: {  	v10 =	vmul.f32 v10, v5;
	v13 =	vadd.f32 v20, v19;
	v19 =	vmul.f32 v24, v6;
	v20 =	vld [tilespmem:s19+$0x120];
	v24, _, _ =	vpop (xrf2)  }
0x1cb: {  	v12 =	vadd.f32 v15, v12;
	v15 =	vmul.f32 v21, v4;
	v21 =	vld [tilespmem:s19+$0x290]  }
0x1cc: {  	v10 =	vadd.f32 v19, v10;
	v17 =	vmul.f32 v17, v3;
	v19 =	vld [tilespmem:s19+$0x130];
	(xrf2) =	vadd.scan.msk.f32 $0xffff, v13  }
0x1cd: {  	v7 =	vmul.f32 v7, v5;
	v12 =	vadd.f32 v15, v12;
	v13 =	vmul.f32 v23, v6;
	v15 =	vld [tilespmem:s19+$0x2A0];
	v23, _, _ =	vpop (xrf2)  }
0x1ce: {  	v10 =	vadd.f32 v17, v10;
	v25 =	vmul.f32 v16, v4;
	v17 =	vld [tilespmem:s19+$0x2B0]  }
0x1cf: {  	v7 =	vadd.f32 v13, v7;
	v13 =	vmul.f32 v20, v3;
	v20 =	vld [tilespmem:s19+$0x390];
	(xrf2) =	vadd.scan.msk.f32 $0xffff, v12  }
0x1d0: {  	v2 =	vmul.f32 v2, v5;
	v10 =	vadd.f32 v25, v10;
	v12 =	vmul.f32 v21, v6;
	v16, _, _ =	vpop (xrf2)  }
0x1d1: {  	v7 =	vadd.f32 v13, v7;
	v13 =	vmul.f32 v19, v4;
	v19 =	vld [tilespmem:s19+$0x3A0]  }
0x1d2: {  	v2 =	vadd.f32 v12, v2;
	v12 =	vmul.f32 v15, v3;
	(xrf2) =	vadd.scan.msk.f32 $0xffff, v10  }
0x1d3: {  	v7 =	vadd.f32 v13, v7;
	v10 =	vmul.f32 v17, v4;
	v13 =	vld [tilespmem:s19+$0x3B0];
	v15, _, _ =	vpop (xrf2)  }
0x1d4: {  	v1 =	vmul.f32 v1, v5;
	v2 =	vadd.f32 v12, v2;
	v6 =	vmul.f32 v20, v6  }
0x1d5: {  	(xrf2) =	vadd.scan.msk.f32 $0xffff, v7  }
0x1d6: {  	v2 =	vadd.f32 v10, v2;
	v1 =	vadd.f32 v6, v1;
	v3 =	vmul.f32 v19, v3;
	v5, _, _ =	vpop (xrf2)  }
0x1d7: {  	v6 =	vbroadcast v15, $0xF;
	v10 =	vbroadcast v5, $0xF  }
0x1d8: {  	v7 =	vbroadcast v16, $0xF;
	v1 =	vadd.f32 v3, v1;
	v3 =	vmul.f32 v13, v4;
	(xrf2) =	vadd.scan.msk.f32 $0xffff, v2  }
0x1d9: {  	v4 =	vbroadcast v23, $0xF;
	v2 =	vsel vm0, v6, v10;
	v5, _, _ =	vpop (xrf2)  }
0x1da: {  	v2 =	vsel vm1, v2, v7;
	v6 =	vbroadcast v5, $0xF;
	v1 =	vadd.f32 v3, v1  }
0x1db: {  	v3 =	vbroadcast v24, $0xF;
	v2 =	vsel vm2, v2, v4  }
0x1dc: {  	v2 =	vsel vm3, v2, v6;
	v6 =	vbroadcast v18, $0xF;
	v5, _, _ =	vpop (xrf2);
	(xrf2) =	vadd.scan.msk.f32 $0xffff, v1  }
0x1dd: {  	v1 =	vsel vm4, v2, v3;
	v2 =	vbroadcast v5, $0xF  }
0x1de: {  	v3 =	vbroadcast v22, $0xF;
	v1 =	vsel vm5, v1, v6  }
0x1df: {  	v1 =	vsel vm6, v1, v2;
	v2 =	vbroadcast v14, $0xF;
	v4, _, _ =	vpop (xrf2)  }
0x1e0: {  	v1 =	vsel vm7, v1, v3;
	v3 =	vbroadcast v4, $0xF  }
0x1e1: {  	v1 =	vsel vm8, v1, v2;
	v2 =	vbroadcast v11, $0xF  }
0x1e2: {  	v1 =	vsel vm9, v1, v3;
	v3 =	vbroadcast v9, $0xF;
	v4, _, _ =	vpop (xrf2)  }
0x1e3: {  	v1 =	vsel vm10, v1, v2;
	v4 =	vbroadcast v4, $0xF  }
0x1e4: {  	v1 =	vsel vm11, v1, v3;
	v3 =	vbroadcast v8, $0xF  }
0x1e5: {  	v1 =	vsel vm12, v1, v4  }
0x1e6: {  	v1 =	vsel vm13, v1, v3;
	v2, _, _ =	vpop (xrf2)  }
0x1e7: {  	s0 =	sshra.s32 s18, $0x2;
	s18 =	smov.u32 s23;
	v1 =	vsel vm14, v1, v2  }
0x1e8: {  	s19 =	sadd.s32 $0x800, s19;
	[tilespmem:v0+s0+$0x0 ss:$0x1] =	vst.idx.msk $0xffff, v1  }
0x1e9: {  	v8 =	vld [tilespmem:s19+$0x330]  }
0x1ea: {  	v1 =	vld [tilespmem:s19+$0x380]  }
0x1eb: {  	v9 =	vld [tilespmem:s19+$0x320]  }
0x1ec: {  	v11 =	vld [tilespmem:s19+$0x230]  }
0x1ed: {  	v4 =	vld [tilespmem:s19+$0x300]  }
0x1ee: {  	v10 =	vld [tilespmem:s19+$0x310]  }
0x1ef: {  	v12 =	vld [tilespmem:s19+$0x1B0]  }
0x1f0: {  	v13 =	vld [tilespmem:s19+$0x220]  }
0x1f1: {  	v2 =	vld [tilespmem:s19+$0x280]  }
0x1f2: {  	v14 =	vld [tilespmem:s19+$0x1A0]  }
0x1f3: {  	v15 =	vld [tilespmem:s19+$0x200]  }
0x1f4: {  	v16 =	vld [tilespmem:s19+$0x210]  }
0x1f5: {  	v17 =	vld [tilespmem:s19+$0xB0]  }
0x1f6: {  	v18 =	vld [tilespmem:s19+$0x180]  }
0x1f7: {  	v19 =	vld [tilespmem:s19+$0x190]  }
0x1f8: {  	v20 =	vld [tilespmem:s19+$0x30]  }
0x1f9: {  	s0 =	sand.u32 $0x3C0, s23;
	v21 =	vld [tilespmem:s19+$0xA0]  }
0x1fa: {  	v3 =	vld [tilespmem:s0+$0xEC20]  }
0x1fb: {  	s20 =	sadd.s32 $0x80, s20;
	v5 =	vld [tilespmem:s0+$0xEC00]  }
0x1fc: {  	v6 =	vld [tilespmem:s20+$0xFFFFFFE0]  }
0x1fd: {  	v22 =	vld [tilespmem:s0+$0xEC10]  }
0x1fe: {  	v23 =	vld [tilespmem:s20+$0xFFFFFFF0]  }
0x1ff: {  	v24 =	vld [tilespmem:s20+$0x0]  }
0x200: {  	v7 =	vld [tilespmem:s19+$0x100]  }
0x201: {  	v25 =	vld [tilespmem:s0+$0xEC30]  }
0x202: {  	v26 =	vld [tilespmem:s20+$0x10]  }
0x203: {  	v5 =	vmul.f32 v5, v6;
	v6 =	vmul.f32 v22, v23;
	v22 =	vld [tilespmem:s19+$0x20]  }
0x204: {  	v3 =	vmul.f32 v3, v24;
	v23 =	vld [tilespmem:s19+$0x80]  }
0x205: {  	v27 =	vmul.f32 v4, v5;
	v24 =	vld [tilespmem:s19+$0x90];
	v10 =	vmul.f32 v10, v6  }
0x206: {  	v28 =	vld [tilespmem:s19+$0xFFFFFF30]  }
0x207: {  	v9 =	vmul.f32 v9, v3;
	v4 =	vmul.f32 v25, v26;
	v25 =	vld [tilespmem:s19+$0x0];
	v10 =	vadd.f32 v10, v27  }
0x208: {  	v15 =	vmul.f32 v15, v5;
	v16 =	vmul.f32 v16, v6;
	v26 =	vld [tilespmem:s19+$0x10]  }
0x209: {  	v27 =	vld [tilespmem:s19+$0xFFFFFEB0];
	v9 =	vadd.f32 v9, v10;
	v8 =	vmul.f32 v8, v4  }
0x20a: {  	v13 =	vmul.f32 v13, v3;
	v15 =	vadd.f32 v16, v15;
	v29 =	vld [tilespmem:s19+$0xFFFFFF20]  }
0x20b: {  	v16 =	vmul.f32 v18, v5;
	v18 =	vmul.f32 v19, v6;
	v10 =	vld [tilespmem:s19+$0xFFFFFF80];
	v8 =	vadd.f32 v8, v9  }
0x20c: {  	v13 =	vadd.f32 v13, v15;
	v11 =	vmul.f32 v11, v4;
	v9 =	vld [tilespmem:s19+$0xFFFFFEA0]  }
0x20d: {  	v16 =	vadd.f32 v18, v16;
	v18 =	vmul.f32 v14, v3;
	v15 =	vld [tilespmem:s19+$0xFFFFFF00];
	(xrf2) =	vadd.scan.msk.f32 $0xffff, v8  }
0x20e: {  	v19 =	vmul.f32 v23, v5;
	v23 =	vmul.f32 v24, v6;
	v11 =	vadd.f32 v11, v13;
	v8 =	vld [tilespmem:s19+$0xFFFFFF10]  }
0x20f: {  	v12 =	vmul.f32 v12, v4;
	v13 =	vadd.f32 v18, v16;
	v14 =	vld [tilespmem:s19+$0xFFFFFDB0]  }
0x210: {  	v18 =	vadd.f32 v23, v19;
	v19 =	vmul.f32 v21, v3;
	v16 =	vld [tilespmem:s19+$0xFFFFFE80];
	(xrf2) =	vadd.scan.msk.f32 $0xffff, v11  }
0x211: {  	v23 =	vmul.f32 v25, v5;
	v24 =	vmul.f32 v26, v6;
	v12 =	vadd.f32 v12, v13;
	v21 =	vld [tilespmem:s19+$0xFFFFFE90]  }
0x212: {  	v17 =	vmul.f32 v17, v4;
	v18 =	vadd.f32 v19, v18;
	v13 =	vld [tilespmem:s19+$0xFFFFFD30]  }
0x213: {  	v22 =	vmul.f32 v22, v3;
	v19 =	vadd.f32 v24, v23;
	v11 =	vld [tilespmem:s19+$0xFFFFFDA0];
	(xrf2) =	vadd.scan.msk.f32 $0xffff, v12  }
0x214: {  	v17 =	vadd.f32 v17, v18;
	v15 =	vmul.f32 v15, v5;
	v25 =	vmul.f32 v8, v6;
	v23 =	vld [tilespmem:s19+$0xFFFFFD80]  }
0x215: {  	v18 =	vadd.f32 v22, v19;
	v19 =	vmul.f32 v20, v4;
	v24 =	vld [tilespmem:s19+$0xFFFFFD90]  }
0x216: {  	v22 =	vmul.f32 v29, v3;
	v20 =	vadd.f32 v25, v15;
	v12 =	vld [tilespmem:s19+$0xFFFFFE00];
	(xrf2) =	vadd.scan.msk.f32 $0xffff, v17  }
.Ltmp3:
0x217: {  	v19 =	vadd.f32 v19, v18;
	v17 =	vmul.f32 v16, v5;
	v21 =	vmul.f32 v21, v6;
	v15 =	vld [tilespmem:s19+$0xFFFFFD00];
	v8, _, _ =	vpop (xrf2);
	(pc) =	sbr.rel @p0 .LBB2_9-.Ltmp3, $4  }
0x218: {  	v20 =	vadd.f32 v22, v20;
	v22 =	vmul.f32 v28, v4;
	v18 =	vld [tilespmem:s19+$0xFFFFFD10]  }
0x219: {  	s22 =	sadd.s32 $0x80, s22;
	v25 =	vmul.f32 v9, v3;
	v21 =	vadd.f32 v21, v17;
	v16 =	vld [tilespmem:s19+$0xFFFFFD20];
	(xrf2) =	vadd.scan.msk.f32 $0xffff, v19  }
0x21a: {  	v23 =	vmul.f32 v23, v5;
	v19 =	vadd.f32 v22, v20;
	v17 =	vld [tilespmem:s22+$0xFFFFFFE0];
	v24 =	vmul.f32 v24, v6;
	v9, _, _ =	vpop (xrf2)  }
0x21b: {  	s23 =	sadd.s32 $0x40, s23;
	v22 =	vmul.f32 v27, v4;
	v21 =	vadd.f32 v25, v21;
	v20 =	vld [tilespmem:s22+$0xFFFFFFF0]  }
0x21c: {  	v25 =	vld [tilespmem:s22+$0x0]  }
0x21d: {  	v26 =	vld [tilespmem:s19+$0xFFFFFC80]  }
0x21e: {  	v11 =	vmul.f32 v11, v3;
	v37 =	vld [tilespmem:s19+$0xFFFFFC90]  }
0x21f: {  	v15 =	vmul.f32 v15, v5;
	v27 =	vld [tilespmem:s22+$0x10];
	v14 =	vmul.f32 v14, v4  }
0x220: {  	v23 =	vadd.f32 v24, v23;
	v38 =	vld [tilespmem:s19+$0xFFFFFCA0];
	v13 =	vmul.f32 v13, v4;
	v12 =	vmul.f32 v12, v5  }
0x221: {  	v39 =	vld [tilespmem:s19+$0xFFFFFE10];
	v18 =	vmul.f32 v18, v6;
	v21 =	vadd.f32 v22, v21;
	v16 =	vmul.f32 v16, v3  }
0x222: {  	v40 =	vld [tilespmem:s19+$0xFFFFFCB0];
	v11 =	vadd.f32 v11, v23;
	v17 =	vmul.f32 v17, v5;
	v20 =	vmul.f32 v20, v6  }
0x223: {  	v43 =	vld [tilespmem:s19+$0xFFFFFE20];
	v15 =	vadd.f32 v18, v15;
	v41 =	vmul.f32 v26, v5;
	v42 =	vmul.f32 v37, v6  }
0x224: {  	v45 =	vld [tilespmem:s19+$0xFFFFFF90];
	v11 =	vadd.f32 v14, v11;
	v44 =	vmul.f32 v25, v3;
	v17 =	vadd.f32 v20, v17  }
0x225: {  	v48 =	vld [tilespmem:s19+$0xFFFFFE30];
	v15 =	vadd.f32 v16, v15;
	v47 =	vmul.f32 v38, v3;
	v16 =	vadd.f32 v42, v41  }
0x226: {  	(xrf2) =	vadd.scan.msk.f32 $0xffff, v19;
	v49 =	vld [tilespmem:s19+$0xFFFFFFA0];
	v46 =	vmul.f32 v27, v4;
	v18 =	vmul.f32 v39, v6;
	v17 =	vadd.f32 v44, v17  }
0x227: {  	v51 =	vld [tilespmem:s19+$0x110];
	(xrf2) =	vadd.scan.msk.f32 $0xffff, v21;
	v14 =	vmul.f32 v40, v4;
	v13 =	vadd.f32 v13, v15;
	v50 =	vadd.f32 v47, v16  }
0x228: {  	v54 =	vld [tilespmem:s19+$0xFFFFFFB0];
	v53 =	vmul.f32 v43, v3;
	(xrf2) =	vadd.scan.msk.f32 $0xffff, v11;
	v12 =	vadd.f32 v18, v12;
	v52 =	vadd.f32 v46, v17  }
0x229: {  	v10 =	vmul.f32 v10, v5;
	v57 =	vld [tilespmem:s19+$0x120];
	v56 =	vmul.f32 v45, v6;
	(xrf2) =	vadd.scan.msk.f32 $0xffff, v13;
	v55 =	vadd.f32 v14, v50  }
0x22a: {  	v60 =	vld [tilespmem:s19+$0x290];
	v59 =	vmul.f32 v48, v4;
	v58 =	vadd.f32 v53, v12;
	(xrf2) =	vadd.scan.msk.f32 $0xffff, v52  }
0x22b: {  	v62 =	vld [tilespmem:s19+$0x130];
	v61 =	vmul.f32 v49, v3;
	v10 =	vadd.f32 v56, v10;
	(xrf2) =	vadd.scan.msk.f32 $0xffff, v55  }
0x22c: {  	v7 =	vmul.f32 v7, v5;
	v24 =	vld [tilespmem:s19+$0x2A0];
	v63 =	vmul.f32 v51, v6;
	v11 =	vadd.f32 v59, v58  }
0x22d: {  	v30 =	vld [tilespmem:s19+$0x390];
	v25, _, _ =	vpop (xrf2);
	v26 =	vmul.f32 v54, v4;
	v10 =	vadd.f32 v61, v10  }
0x22e: {  	v27 =	vld [tilespmem:s19+$0x2B0];
	v29 =	vmul.f32 v57, v3;
	v28, _, _ =	vpop (xrf2);
	v7 =	vadd.f32 v63, v7;
	(xrf2) =	vadd.scan.msk.f32 $0xffff, v11  }
0x22f: {  	v2 =	vmul.f32 v2, v5;
	v32 =	vmul.f32 v60, v6;
	v31, _, _ =	vpop (xrf2);
	v10 =	vadd.f32 v26, v10  }
0x230: {  	v35 =	vld [tilespmem:s19+$0x3A0];
	v34 =	vmul.f32 v62, v4;
	v7 =	vadd.f32 v29, v7;
	v33, _, _ =	vpop (xrf2)  }
0x231: {  	v2 =	vadd.f32 v32, v2;
	v13 =	vmul.f32 v24, v3;
	v21, _, _ =	vpop (xrf2);
	(xrf2) =	vadd.scan.msk.f32 $0xffff, v10  }
0x232: {  	v1 =	vmul.f32 v1, v5;
	v38 =	vld [tilespmem:s19+$0x3B0];
	v7 =	vadd.f32 v34, v7;
	v36, _, _ =	vpop (xrf2)  }
0x233: {  	v40 =	vmul.f32 v30, v6;
	v37 =	vmul.f32 v27, v4;
	v2 =	vadd.f32 v13, v2;
	v39, _, _ =	vpop (xrf2)  }
0x234: {  	(xrf2) =	vadd.scan.msk.f32 $0xffff, v7;
	v41, _, _ =	vpop (xrf2)  }
0x235: {  	v1 =	vadd.f32 v40, v1;
	v42 =	vmul.f32 v35, v3;
	v2 =	vadd.f32 v37, v2;
	v43, _, _ =	vpop (xrf2)  }
0x236: {  	v6 =	vbroadcast v41, $0xF;
	v5 =	vbroadcast v43, $0xF  }
0x237: {  	v1 =	vadd.f32 v42, v1;
	v45 =	vmul.f32 v38, v4;
	(xrf2) =	vadd.scan.msk.f32 $0xffff, v2;
	v44 =	vbroadcast v39, $0xF  }
0x238: {  	v47 =	vbroadcast v36, $0xF;
	v48, _, _ =	vpop (xrf2);
	v46 =	vsel vm0, v6, v5  }
0x239: {  	v1 =	vadd.f32 v45, v1;
	v5 =	vbroadcast v48, $0xF;
	v2 =	vsel vm1, v46, v44  }
0x23a: {  	v49 =	vbroadcast v21, $0xF;
	v2 =	vsel vm2, v2, v47  }
0x23b: {  	v50 =	vbroadcast v33, $0xF;
	(xrf2) =	vadd.scan.msk.f32 $0xffff, v1;
	v51, _, _ =	vpop (xrf2);
	v2 =	vsel vm3, v2, v5  }
0x23c: {  	v53 =	vbroadcast v51, $0xF;
	v52 =	vsel vm4, v2, v49  }
0x23d: {  	v54 =	vbroadcast v31, $0xF;
	v1 =	vsel vm5, v52, v50  }
0x23e: {  	v55 =	vbroadcast v28, $0xF;
	v56, _, _ =	vpop (xrf2);
	v1 =	vsel vm6, v1, v53  }
0x23f: {  	v57 =	vbroadcast v56, $0xF;
	v1 =	vsel vm7, v1, v54  }
0x240: {  	v58 =	vbroadcast v25, $0xF;
	v1 =	vsel vm8, v1, v55  }
0x241: {  	s17 =	sadd.s32 $0x1, s17;
	v59 =	vbroadcast v9, $0xF;
	v60, _, _ =	vpop (xrf2);
	v1 =	vsel vm9, v1, v57  }
0x242: {  	p0 =	sne.s32 s17, $0x10;
	v61 =	vbroadcast v60, $0xF;
	v1 =	vsel vm10, v1, v58  }
.Ltmp4:
0x243: {  	v62 =	vbroadcast v8, $0xF;
	v1 =	vsel vm11, v1, v59;
	(pc) =	sbr.rel @p0 .LBB2_6-.Ltmp4, $4  }
0x244: {  	v1 =	vsel vm12, v1, v61  }
0x245: {  	v63, _, _ =	vpop (xrf2);
	v1 =	vsel vm13, v1, v62  }
0x246: {  	s0 =	sshra.s32 s18, $0x2;
	v1 =	vsel vm14, v1, v63  }
0x247: {  	s15 =	sadd.s32 $0x200, s15;
	[tilespmem:v0+s0+$0x0 ss:$0x1] =	vst.idx.msk $0xffff, v1  }
0x248: {  	s1 =	sadd.s32 $0x1, s1  }
0x249: {  	p0 =	sne.s32 s1, s12  }
.Ltmp5:
0x24a: {  	s0 =	simm.s32 $0x17000;
	(pc) =	sbr.rel @p0 .LBB2_1-.Ltmp5, $4  }
0x24b: {  	[hbm4b:s11+s2] =	stream.linear.scatter [tilespmem:s0], [sflag:$0x3], $0x2000, $0x38;
	[tilespmem:$0x19000] =	vst v63  }
0x24c: {  	_ =	swait.ge [sflag:s13], $0x2000  }
0x24d: {  	[sflag:s13] =	ssyncset.done $0x0  }
0x24e: {  	[sflag:s13] =	ssyncadd.s32 $0xFFFFE000  }
0x24f: {  	_ =	sfence.sel $0x180000  }
0x250: {  	[bflag:$0x0] =	sbarrier.arrive $0xFFFF  }
0x251: {  	_ =	strace $0x90000047  }
0x252: {  	s0 =	stileid.u32;
	[bflag:$0x2] =	sbarrier.arrive $0xFFFF  }
0x253: {  	p0 =	sne.s32 s0, $0x0;
	s0 =	rddreg [dreg:$0x3]  }
0x254: {  	s0 =	sadd.s32 @!p0 $0x100000, s0  }
0x255: {  	[sflag:s0] =	ssyncadd.tile.s32 @!p0 $0x1;
	_ =	shalt  }
.Lfunc_end2:
_tile_overlayer_lowered:
.L_overlay_start_2:
0x256: {  	(tag) =	ssettag $0x2  }
0x257: {  	s0 =	rddreg [dreg:$0x0];
	s2 =	stileid.u32  }
0x258: {  	s1 =	rddreg [dreg:$0x1];
	p0 =	sne.s32 s2, $0x0  }
0x259: {  	s3 =	rddreg [dreg:$0x2];
	[bflag:$0x3] =	sbarrier.arrive $0xFFFF;
	s2 =	simm.s32 @!p0 $0x1C03  }
0x25a: {  	[timem:s3], [sflag:s2] =	dma.local @!p0 [hbm:s0], s1  }
0x25b: {  	s0 =	simm.s32 @!p0 $0x3  }
0x25c: {  	_ =	swait.ge @!p0 [sflag:s0], s1  }
0x25d: {  	s1 =	ssub.s32 @!p0 $0x0, s1;
	[sflag:s0] =	ssyncset.done @!p0 $0x0  }
0x25e: {  	[sflag:s0] =	ssyncadd.s32 @!p0 s1  }
0x25f: {  	[bflag:$0x3] =	sbarrier.arrive $0xFFFF  }
0x260: {  	_ =	shalt  }

</sc_bundles>
